<compile_context>
chip_gen: v7x
topology: tpu7x:2x2x1
jax: 0.10.2.dev20260603
libtpu: 0.0.44.dev20260713+nightly
codegen_flags: <defaults>
</compile_context>

<pallas_src>
import functools
import jax
import jax.numpy as jnp
import numpy as np
from jax import lax
from jax.experimental import pallas as pl
from jax.experimental.pallas import tpu as pltpu
from jax.experimental.pallas import tpu_sc as plsc

D = 128
DRPE = 64
HEADS = 8
DH = D // HEADS
NA = 2000
NL = 8000
N = NA + NL
EA2A = 40000
EL2L = 200000
EA2L = 80000
E = EA2A + EL2L + EA2L



def _ln(x, g, b, eps=1e-5):
    m = jnp.mean(x, axis=-1, keepdims=True)
    v = jnp.mean((x - m) ** 2, axis=-1, keepdims=True)
    return g * (x - m) * jax.lax.rsqrt(v + eps) + b



_RPE_B = 400


def _rpe_body(rpe, W, b, g, beta, out):
    h = rpe[...] @ W[...] + b[...]
    out[...] = jnp.maximum(_ln(h, g[...], beta[...]), 0.0)


def _rpe_project(a2l_rpe, W, b, g, beta):
    grid = EA2L // _RPE_B
    return pl.pallas_call(
        _rpe_body,
        grid=(grid,),
        in_specs=[
            pl.BlockSpec((_RPE_B, DRPE), lambda i: (i, 0)),
            pl.BlockSpec((DRPE, D), lambda i: (0, 0)),
            pl.BlockSpec((1, D), lambda i: (0, 0)),
            pl.BlockSpec((1, D), lambda i: (0, 0)),
            pl.BlockSpec((1, D), lambda i: (0, 0)),
        ],
        out_specs=pl.BlockSpec((_RPE_B, D), lambda i: (i, 0)),
        out_shape=jax.ShapeDtypeStruct((EA2L, D), jnp.float32),
    )(a2l_rpe, W, b, g, beta)



_GW = 128
_NGRP = 2 * E // _GW
_NW = 32


def _gather_body(token_hbm, idx_hbm, out_hbm, idx_v, rows_v, sem):
    c = lax.axis_index("c")
    s = lax.axis_index("s")
    wid = s * 2 + c
    nj = (_NGRP + _NW - 1) // _NW

    def start(j):
        b = j & 1
        g = wid + _NW * j

        @pl.when(g < _NGRP)
        def _():
            pltpu.sync_copy(idx_hbm.at[pl.ds(g * _GW, _GW)], idx_v.at[b])
            pltpu.async_copy(token_hbm.at[idx_v.at[b]], rows_v.at[b], sem)

    def drain(j):
        b = j & 1
        g = wid + _NW * j

        @pl.when(g < _NGRP)
        def _():
            pltpu.make_async_copy(token_hbm.at[idx_v.at[b]], rows_v.at[b],
                                  sem).wait()
            pltpu.sync_copy(rows_v.at[b], out_hbm.at[pl.ds(g * _GW, _GW), :])

    start(0)

    def body(j, carry):
        start(j + 1)
        drain(j)
        return carry

    lax.fori_loop(0, nj - 1, body, 0)
    drain(nj - 1)


def _sc_gather(token, idx):
    mesh = plsc.VectorSubcoreMesh(core_axis_name="c", subcore_axis_name="s")
    f = pl.kernel(
        _gather_body,
        out_type=jax.ShapeDtypeStruct((2 * E, D), jnp.float32),
        mesh=mesh,
        scratch_types=[
            pltpu.VMEM((2, _GW), jnp.int32),
            pltpu.VMEM((2, _GW, D), jnp.float32),
            pltpu.SemaphoreType.DMA,
        ],
    )
    return f(token, idx)



_EB = 2560


def _edge_body(xd, xs, ea,
               wxd, wxs, w2a, mb0, mg0, mbe0,
               euw, eub, eug, eube, eng, enb,
               w2b, mb1, mg1, mbe1,
               wkv, hsum,
               wv_out, ex_out):
    xd_ = xd[...]
    xs_ = xs[...]
    ea_ = ea[...]
    xd3 = xd_ @ wxd[...]
    xs2 = xs_ @ wxs[...]
    h = xd3[:, :D] + xs2[:, :D] + ea_ @ w2a[...] + mb0[...]
    mem0 = jnp.maximum(_ln(h, mg0[...], mbe0[...]), 0.0)
    delta = jnp.maximum(_ln(mem0 @ euw[...] + eub[...], eug[...], eube[...]), 0.0)
    ea1 = _ln(ea_ + delta, eng[...], enb[...])
    h1 = xd3[:, D:2 * D] + xs2[:, D:] + ea1 @ w2b[...] + mb1[...]
    mem1 = jnp.maximum(_ln(h1, mg1[...], mbe1[...]), 0.0)
    kv = mem1 @ wkv[...]
    qk = xd3[:, 2 * D:] * kv[:, :D]
    logits = (qk @ hsum[...]) * (1.0 / np.sqrt(DH))
    ex = jnp.exp(jnp.clip(logits, -60.0, 60.0))
    wv_out[...] = ex * kv[:, D:]
    ex_out[...] = ex


def _edge_pass(xd, xs, ea, consts):
    grid = E // _EB
    eb = pl.BlockSpec((_EB, D), lambda i: (i, 0))
    wspec = pl.BlockSpec((D, D), lambda i: (0, 0))
    vspec = pl.BlockSpec((1, D), lambda i: (0, 0))
    return pl.pallas_call(
        _edge_body,
        grid=(grid,),
        in_specs=[eb, eb, eb]
        + [pl.BlockSpec((D, 3 * D), lambda i: (0, 0)),
           pl.BlockSpec((D, 2 * D), lambda i: (0, 0)),
           wspec, vspec, vspec, vspec]
        + [wspec, vspec, vspec, vspec, vspec, vspec]
        + [wspec, vspec, vspec, vspec]
        + [pl.BlockSpec((D, 2 * D), lambda i: (0, 0)), wspec],
        out_specs=[
            pl.BlockSpec((_EB, D), lambda i: (i, 0)),
            pl.BlockSpec((_EB, D), lambda i: (i, 0)),
        ],
        out_shape=[
            jax.ShapeDtypeStruct((E, D), jnp.float32),
            jax.ShapeDtypeStruct((E, D), jnp.float32),
        ],
    )(xd, xs, ea, *consts)



_SB = 128
_EPC = E // 2
_GPC = _EPC // _SB


_NCH = 80
_NNCH = N // _NCH


def _scatter_body(wv_hbm, ex_hbm, dst_hbm, s_out, den_out,
                  acc_sh, big_v, idx_v, val_v, sem_i, sem_v):
    c = lax.axis_index("c")
    s = lax.axis_index("s")
    ni = (_NNCH + 15) // 16
    nj = (_GPC + 15) // 16

    def zero_big(_):
        def zrow(i, carry):
            for k in range(D // 16):
                big_v[i, pl.ds(k * 16, 16)] = jnp.zeros((16,), jnp.float32)
            return carry

        lax.fori_loop(0, _NCH, zrow, 0)

    def init_acc(_):
        def init(j, carry):
            ck = s + 16 * j

            @pl.when(ck < _NNCH)
            def _():
                pltpu.sync_copy(big_v, acc_sh.at[pl.ds(ck * _NCH, _NCH), :])

            return carry

        lax.fori_loop(0, ni, init, 0)

    def export_acc(out_hbm):
        def fin(j, carry):
            ck = s + 16 * j

            @pl.when(ck < _NNCH)
            def _():
                row0 = ck * _NCH
                pltpu.sync_copy(acc_sh.at[pl.ds(row0, _NCH), :], big_v)
                pltpu.sync_copy(big_v, out_hbm.at[c, pl.ds(row0, _NCH), :])

            return carry

        lax.fori_loop(0, ni, fin, 0)

    def accumulate(val_hbm):
        def start(j):
            b = j & 1
            g = s + 16 * j

            @pl.when(g < _GPC)
            def _():
                off = c * _EPC + g * _SB
                pltpu.async_copy(dst_hbm.at[pl.ds(off, _SB)], idx_v.at[b],
                                 sem_i)
                pltpu.async_copy(val_hbm.at[pl.ds(off, _SB), :], val_v.at[b],
                                 sem_v)

        def drain(j):
            b = j & 1
            g = s + 16 * j

            @pl.when(g < _GPC)
            def _():
                off = c * _EPC + g * _SB
                pltpu.make_async_copy(dst_hbm.at[pl.ds(off, _SB)],
                                      idx_v.at[b], sem_i).wait()
                pltpu.make_async_copy(val_hbm.at[pl.ds(off, _SB), :],
                                      val_v.at[b], sem_v).wait()
                pltpu.sync_copy(val_v.at[b], acc_sh.at[idx_v.at[b]], add=True)

        start(0)

        def body(j, carry):
            start(j + 1)
            drain(j)
            return carry

        lax.fori_loop(0, nj - 1, body, 0)
        drain(nj - 1)

    zero_big(None)
    init_acc(None)
    plsc.subcore_barrier()
    accumulate(wv_hbm)
    plsc.subcore_barrier()
    export_acc(s_out)
    plsc.subcore_barrier()
    zero_big(None)
    init_acc(None)
    plsc.subcore_barrier()
    accumulate(ex_hbm)
    plsc.subcore_barrier()
    export_acc(den_out)


def _sc_scatter(wv, ex, dst):
    mesh = plsc.VectorSubcoreMesh(core_axis_name="c", subcore_axis_name="s")
    f = pl.kernel(
        _scatter_body,
        out_type=(
            jax.ShapeDtypeStruct((2, N, D), jnp.float32),
            jax.ShapeDtypeStruct((2, N, D), jnp.float32),
        ),
        mesh=mesh,
        scratch_types=[
            pltpu.VMEM_SHARED((N, D), jnp.float32),
            pltpu.VMEM((_NCH, D), jnp.float32),
            pltpu.VMEM((2, _SB), jnp.int32),
            pltpu.VMEM((2, _SB, D), jnp.float32),
            pltpu.SemaphoreType.DMA,
            pltpu.SemaphoreType.DMA,
        ],
    )
    return f(wv, ex, dst)



_NB = 1000


def _node_body(tok, s2, den2, wo, n1g, n1b, f1w, f1b, f2w, f2b, n2g, n2b,
               out):
    S = s2[0] + s2[1]
    den = den2[0] + den2[1]
    recip = jnp.where(den > 0.0, 1.0 / den, 0.0)
    aggr = (S * recip) @ wo[...]
    x = _ln(tok[...] + aggr, n1g[...], n1b[...])
    ffn = jnp.maximum(x @ f1w[...] + f1b[...], 0.0) @ f2w[...] + f2b[...]
    out[...] = _ln(x + ffn, n2g[...], n2b[...])


def _node_pass(tok, s2, den2, consts):
    grid = N // _NB
    vspec = pl.BlockSpec((1, D), lambda i: (0, 0))
    wspec = pl.BlockSpec((D, D), lambda i: (0, 0))
    return pl.pallas_call(
        _node_body,
        grid=(grid,),
        in_specs=[
            pl.BlockSpec((_NB, D), lambda i: (i, 0)),
            pl.BlockSpec((2, _NB, D), lambda i: (0, i, 0)),
            pl.BlockSpec((2, _NB, D), lambda i: (0, i, 0)),
            wspec, vspec, vspec,
            pl.BlockSpec((D, 2 * D), lambda i: (0, 0)),
            pl.BlockSpec((1, 2 * D), lambda i: (0, 0)),
            pl.BlockSpec((2 * D, D), lambda i: (0, 0)),
            vspec, vspec, vspec,
        ],
        out_specs=pl.BlockSpec((_NB, D), lambda i: (i, 0)),
        out_shape=jax.ShapeDtypeStruct((N, D), jnp.float32),
    )(tok, s2, den2, *consts)




def _row(a):
    return a.reshape(1, -1)


@jax.jit
def kernel(actors, lanes, a2a_attr, l2l_attr, a2l_rpe, params, a2a_edges,
           l2l_edges, a2l_edges):
    token = jnp.concatenate([actors, lanes], axis=0)
    pr = params["proj"]
    rpe = _rpe_project(a2l_rpe, pr["W"], _row(pr["b"]), _row(pr["g"]),
                       _row(pr["beta"]))
    ea0 = jnp.concatenate([a2a_attr, l2l_attr, rpe], axis=0)
    edge_index = jnp.concatenate([a2a_edges, l2l_edges, a2l_edges], axis=1)
    src = edge_index[0]
    dst = edge_index[1]

    xg = _sc_gather(token, jnp.concatenate([src, dst]))
    xs = xg[:E]
    xd = xg[E:]

    p0 = params["layers"][0]
    p1 = params["layers"][1]
    w0a, w1a, w2a = jnp.split(p0["mp_W"], 3, axis=0)
    w0b, w1b, w2b = jnp.split(p1["mp_W"], 3, axis=0)
    li = np.arange(D) // DH
    hsum = jnp.asarray(li[:, None] == li[None, :], jnp.float32)
    wxd = jnp.concatenate([w0a, w0b, p1["Wq"]], axis=1)
    wxs = jnp.concatenate([w1a, w1b], axis=1)
    wkv = jnp.concatenate([p1["Wk"], p1["Wv"]], axis=1)
    consts = [
        wxd, wxs, w2a, _row(p0["mp_b"]), _row(p0["mp_g"]), _row(p0["mp_beta"]),
        p0["eu_W"], _row(p0["eu_b"]), _row(p0["eu_g"]), _row(p0["eu_beta"]),
        _row(p0["en_g"]), _row(p0["en_b"]),
        w2b, _row(p1["mp_b"]), _row(p1["mp_g"]), _row(p1["mp_beta"]),
        wkv, hsum,
    ]
    wv, ex = _edge_pass(xd, xs, ea0, consts)

    s2, den2 = _sc_scatter(wv, ex, dst)

    node_consts = [
        p1["Wo"], _row(p1["n1_g"]), _row(p1["n1_b"]),
        p1["f1_W"], _row(p1["f1_b"]), p1["f2_W"], _row(p1["f2_b"]),
        _row(p1["n2_g"]), _row(p1["n2_b"]),
    ]
    out = _node_pass(token, s2, den2, node_consts)
    return out[:NA], out[NA:]

# --- scband reference (transcript-rebuilt; emitter-appended) ---
"""Pipeline reference for scband-edge-aware-gatfusion-64682207477952 (READ-ONLY COPY).

The authoritative reference and input builder live on the scoring server;
editing this copy changes nothing except your own understanding.
"""

import jax, jax.numpy as jnp
import numpy as np

D = 128
DRPE = 64
HEADS = 8
NLAYERS = 2
NA = 2000
NL = 8000
N = NA + NL


def _ln(x, g, b, eps=1e-5):
    m = jnp.mean(x, axis=-1, keepdims=True)
    v = jnp.mean((x - m) ** 2, axis=-1, keepdims=True)
    return g * (x - m) / jnp.sqrt(v + eps) + b


def _rms(x, scale, eps=1e-8):
    nrm = jnp.linalg.norm(x, axis=-1, keepdims=True)
    rms = nrm / np.sqrt(x.shape[-1])
    return scale * (x / (rms + eps))


def _gat_layer(p, x, edge_index, edge_attr):
    n, d = x.shape
    dh = d // HEADS
    src = edge_index[0]
    dst = edge_index[1]
    x_src = x[src]
    x_dst = x[dst]
    mem = jnp.concatenate([x_dst, x_src, edge_attr], axis=-1) @ p['mp_W'] + p['mp_b']
    mem = jax.nn.relu(_ln(mem, p['mp_g'], p['mp_beta']))
    delta = jax.nn.relu(_ln(mem @ p['eu_W'] + p['eu_b'], p['eu_g'], p['eu_beta']))
    edge_attr = _ln(edge_attr + delta, p['en_g'], p['en_b'])
    e = src.shape[0]
    q = (x_dst @ p['Wq']).reshape(e, HEADS, dh)
    k = (mem @ p['Wk']).reshape(e, HEADS, dh)
    v = (mem @ p['Wv']).reshape(e, HEADS, dh)
    logits = jnp.sum(q * k, axis=-1) / np.sqrt(dh)
    mx = jax.ops.segment_max(logits, dst, num_segments=n)
    mx = jnp.where(jnp.isfinite(mx), mx, 0.0)
    ex = jnp.exp(logits - mx[dst])
    den = jax.ops.segment_sum(ex, dst, num_segments=n)
    attn = ex / (den[dst] + 1e-16)
    msg = (attn[..., None] * v).reshape(e, d) @ p['Wo']
    aggr = jax.ops.segment_sum(msg, dst, num_segments=n)
    x = _ln(x + aggr, p['n1_g'], p['n1_b'])
    ffn = jax.nn.relu(x @ p['f1_W'] + p['f1_b']) @ p['f2_W'] + p['f2_b']
    x = _ln(x + ffn, p['n2_g'], p['n2_b'])
    return x, edge_attr


def _ddc(p, x_cur, x_prev_list):
    x_stack = jnp.stack(x_prev_list, axis=1)
    h = _rms(x_cur, p['scale'])
    a = jax.nn.gelu(h @ p['W1'] + p['b1'])
    a = a @ p['W2'] + p['b2'] + p['bias']
    a = jax.nn.softmax(a, axis=-1)
    return jnp.sum(a[..., None] * x_stack, axis=1)


def _forward(actors, lanes, a2a_attr, l2l_attr, a2l_rpe, params, a2a_edges, l2l_edges, a2l_edges):
    token = jnp.concatenate([actors, lanes], axis=0)
    pr = params['proj']
    rpe = jax.nn.relu(_ln(a2l_rpe @ pr['W'] + pr['b'], pr['g'], pr['beta']))
    edge_index = jnp.concatenate([a2a_edges, l2l_edges, a2l_edges], axis=1)
    edge_attr = jnp.concatenate([a2a_attr, l2l_attr, rpe], axis=0)
    token_list = [token]
    for i in range(NLAYERS):
        token, edge_attr = _gat_layer(params['layers'][i], token, edge_index, edge_attr)
        if i < len(params['ddc']):
            token = _ddc(params['ddc'][i], token, token_list)
        token_list.append(token)
    return token[:NA], token[NA:]


def _make_params(key):
    dffn = 2 * D
    ks = iter(jax.random.split(key, 64))
    def lin(din, dout):
        return jax.random.normal(next(ks), (din, dout), jnp.float32) / np.sqrt(din)
    def zeros(n):
        return jnp.zeros((n,), jnp.float32)
    def ones(n):
        return jnp.ones((n,), jnp.float32)
    proj = {'W': lin(DRPE, D), 'b': zeros(D), 'g': ones(D), 'beta': zeros(D)}
    layers = []
    for _ in range(NLAYERS):
        layers.append({'mp_W': lin(3 * D, D), 'mp_b': zeros(D), 'mp_g': ones(D), 'mp_beta': zeros(D),
                       'eu_W': lin(D, D), 'eu_b': zeros(D), 'eu_g': ones(D), 'eu_beta': zeros(D),
                       'en_g': ones(D), 'en_b': zeros(D),
                       'Wq': lin(D, D), 'Wk': lin(D, D), 'Wv': lin(D, D), 'Wo': lin(D, D),
                       'f1_W': lin(D, dffn), 'f1_b': zeros(dffn), 'f2_W': lin(dffn, D), 'f2_b': zeros(D),
                       'n1_g': ones(D), 'n1_b': zeros(D), 'n2_g': ones(D), 'n2_b': zeros(D)})
    ddcs = []
    for i in range(1, NLAYERS):
        ddcs.append({'scale': ones(D), 'W1': lin(D, 128), 'b1': zeros(128), 'W2': lin(128, i), 'b2': zeros(i), 'bias': zeros(i)})
    return {'proj': proj, 'layers': layers, 'ddc': ddcs}


def setup_inputs(seed: int = 0):
    key = jax.random.key(seed)
    ks = jax.random.split(key, 10)
    actors = jax.random.normal(ks[0], (NA, D), jnp.float32)
    lanes = jax.random.normal(ks[1], (NL, D), jnp.float32)
    a2a_edges = jax.random.randint(ks[2], (2, 40000), 0, N, dtype=jnp.int32)
    l2l_edges = jax.random.randint(ks[3], (2, 200000), 0, N, dtype=jnp.int32)
    a2l_edges = jax.random.randint(ks[4], (2, 80000), 0, N, dtype=jnp.int32)
    a2a_attr = jax.random.normal(ks[5], (40000, D), jnp.float32)
    l2l_attr = jax.random.normal(ks[6], (200000, D), jnp.float32)
    a2l_rpe = jax.random.normal(ks[7], (80000, DRPE), jnp.float32)
    params = _make_params(ks[8])
    return {'actors': actors, 'lanes': lanes, 'a2a_attr': a2a_attr, 'l2l_attr': l2l_attr,
            'a2l_rpe': a2l_rpe, 'params': params,
            'a2a_edges': a2a_edges, 'l2l_edges': l2l_edges, 'a2l_edges': a2l_edges}


def reference(actors, lanes, a2a_attr, l2l_attr, a2l_rpe, params, a2a_edges, l2l_edges, a2l_edges):
    return _forward(actors, lanes, a2a_attr, l2l_attr, a2l_rpe, params, a2a_edges, l2l_edges, a2l_edges)

if __name__ == "__main__":
    import jax
    _d = setup_inputs()
    print(jax.jit(kernel)(*tuple(_d.values())))

</pallas_src>

<mosaic_0001>
#map = affine_map<(d0, d1) -> (0, 0)>
#map1 = affine_map<(d0, d1) -> (0)>
module attributes {stable_mosaic.version = 14 : i64} {
  func.func @_gather_body(%arg0: i32, %arg1: i32, %arg2: memref<10000x128xf32, #tpu.memory_space<hbm>>, %arg3: memref<640000xi32, #tpu.memory_space<hbm>>, %arg4: memref<640000x128xf32, #tpu.memory_space<hbm>>, %arg5: memref<2x128xi32, #tpu.memory_space<vmem>>, %arg6: memref<2x128x128xf32, #tpu.memory_space<vmem>>, %arg7: memref<!tpu.dma_semaphore, #tpu.memory_space<semaphore_mem>>) attributes {dimension_semantics = [#tpu.dimension_semantics<core_parallel>, #tpu.dimension_semantics<subcore_parallel>], iteration_bounds = array<i64: 2, 16>, scalar_prefetch = 0 : i64, scratch_operands = 3 : i64, tpu.core_type = #tpu.core_type<sc_vector_subcore>, window_params = [{transform_indices = #map}, {transform_indices = #map1}, {transform_indices = #map}]} {
    %mul3A = arith.constant 2 : i32
    %mul3A_0 = arith.muli %arg1, %mul3A : i32
    %add3A = arith.addi %mul3A_0, %arg0 : i32
    %add3A_1 = arith.constant 0 : i32
    %add3A_2 = arith.addi %add3A, %add3A_1 : i32
    %lt3A = arith.constant 5000 : i32
    %lt3A_3 = arith.cmpi slt, %add3A_2, %lt3A : i32
    %convert_element_type3A = arith.extui %lt3A_3 : i1 to i32
    %cond3A = arith.constant 0 : i32
    %cond3A_4 = arith.cmpi ne, %convert_element_type3A, %cond3A : i32
    scf.if %cond3A_4 {
      %mul3A_17 = arith.constant 128 : i32
      %mul3A_18 = arith.muli %add3A_2, %mul3A_17 : i32
      %run_scoped3A = arith.constant 0 : i32
      "tpu.region"() ({
        %run_scoped3A_30 = tpu.sem_alloc : memref<!tpu.dma_semaphore, #tpu.memory_space<semaphore_mem>>
        %dma_start3A_31 = arith.constant 0 : i32
        %dma_start3A_32 = tpu.memref_slice %arg5[%run_scoped3A, %dma_start3A_31] : memref<2x128xi32, #tpu.memory_space<vmem>> -> memref<1x128xi32, #tpu.memory_space<vmem>>
        %dma_start3A_33 = tpu.memref_squeeze %dma_start3A_32 : memref<1x128xi32, #tpu.memory_space<vmem>> -> memref<128xi32, #tpu.memory_space<vmem>>
        %dma_start3A_34 = tpu.memref_slice %arg3[%mul3A_18] : memref<640000xi32, #tpu.memory_space<hbm>> -> memref<128xi32, #tpu.memory_space<hbm>>
        %dma_start3A_35 = arith.constant 0 : i32
        %dma_start3A_36 = tpu.memref_slice %arg5[%run_scoped3A, %dma_start3A_35] : memref<2x128xi32, #tpu.memory_space<vmem>> -> memref<1x128xi32, #tpu.memory_space<vmem>>
        %dma_start3A_37 = tpu.memref_squeeze %dma_start3A_36 : memref<1x128xi32, #tpu.memory_space<vmem>> -> memref<128xi32, #tpu.memory_space<vmem>>
        %dma_start3A_38 = tpu.memref_slice %arg3[%mul3A_18] : memref<640000xi32, #tpu.memory_space<hbm>> -> memref<128xi32, #tpu.memory_space<hbm>>
        tpu.enqueue_dma source(%dma_start3A_38 : memref<128xi32, #tpu.memory_space<hbm>>) target(%dma_start3A_37 : memref<128xi32, #tpu.memory_space<vmem>>) target_semaphore(%run_scoped3A_30 : memref<!tpu.dma_semaphore, #tpu.memory_space<semaphore_mem>>)
        %dma_wait3A = arith.constant 0 : i32
        %dma_wait3A_39 = tpu.memref_slice %arg5[%run_scoped3A, %dma_wait3A] : memref<2x128xi32, #tpu.memory_space<vmem>> -> memref<1x128xi32, #tpu.memory_space<vmem>>
        %dma_wait3A_40 = tpu.memref_squeeze %dma_wait3A_39 : memref<1x128xi32, #tpu.memory_space<vmem>> -> memref<128xi32, #tpu.memory_space<vmem>>
        %dma_wait3A_41 = tpu.memref_slice %arg3[%mul3A_18] : memref<640000xi32, #tpu.memory_space<hbm>> -> memref<128xi32, #tpu.memory_space<hbm>>
        %dma_wait3A_42 = arith.constant 0 : i32
        %dma_wait3A_43 = tpu.memref_slice %arg5[%run_scoped3A, %dma_wait3A_42] : memref<2x128xi32, #tpu.memory_space<vmem>> -> memref<1x128xi32, #tpu.memory_space<vmem>>
        %dma_wait3A_44 = tpu.memref_squeeze %dma_wait3A_43 : memref<1x128xi32, #tpu.memory_space<vmem>> -> memref<128xi32, #tpu.memory_space<vmem>>
        %dma_wait3A_45 = tpu.memref_slice %arg3[%mul3A_18] : memref<640000xi32, #tpu.memory_space<hbm>> -> memref<128xi32, #tpu.memory_space<hbm>>
        tpu.wait_dma2 semaphore(%run_scoped3A_30 : memref<!tpu.dma_semaphore, #tpu.memory_space<semaphore_mem>>) src(%dma_wait3A_45 : memref<128xi32, #tpu.memory_space<hbm>>) dst(%dma_wait3A_44 : memref<128xi32, #tpu.memory_space<vmem>>)
        tpu.yield
      }) : () -> ()
      %dma_start3A = arith.constant 0 : i32
      %dma_start3A_19 = arith.constant 0 : i32
      %dma_start3A_20 = arith.constant 0 : i32
      %dma_start3A_21 = arith.constant 0 : i32
      %dma_start3A_22 = tpu.memref_slice %arg6[%dma_start3A_19, %dma_start3A_20, %dma_start3A_21] : memref<2x128x128xf32, #tpu.memory_space<vmem>> -> memref<1x128x128xf32, #tpu.memory_space<vmem>>
      %dma_start3A_23 = tpu.memref_squeeze %dma_start3A_22 : memref<1x128x128xf32, #tpu.memory_space<vmem>> -> memref<128x128xf32, #tpu.memory_space<vmem>>
      %dma_start3A_24 = arith.constant 0 : i32
      %dma_start3A_25 = tpu.memref_slice %arg5[%dma_start3A, %dma_start3A_24] : memref<2x128xi32, #tpu.memory_space<vmem>> -> memref<1x128xi32, #tpu.memory_space<vmem>>
      %dma_start3A_26 = tpu.memref_squeeze %dma_start3A_25 : memref<1x128xi32, #tpu.memory_space<vmem>> -> memref<128xi32, #tpu.memory_space<vmem>>
      %dma_start3A_27 = arith.constant 0 : i32
      %dma_start3A_28 = arith.constant 0 : i32
      %dma_start3A_29 = tpu.memref_slice %arg2[%dma_start3A_27, %dma_start3A_28] : memref<10000x128xf32, #tpu.memory_space<hbm>> -> memref<10000x128xf32, #tpu.memory_space<hbm>>
      tpu.enqueue_indirect_dma source(%dma_start3A_29 : memref<10000x128xf32, #tpu.memory_space<hbm>>) target(%dma_start3A_23 : memref<128x128xf32, #tpu.memory_space<vmem>>) offsets(%dma_start3A_26 : memref<128xi32, #tpu.memory_space<vmem>>) semaphore(%arg7 : memref<!tpu.dma_semaphore, #tpu.memory_space<semaphore_mem>>)
    } else {
    }
    %scan3A = arith.constant 0 : i32
    %scan3A_5 = arith.constant 0 : i32
    %scan3A_6 = arith.constant 156 : i32
    %scan3A_7 = arith.addi %scan3A_5, %scan3A_6 : i32
    %scan3A_8 = arith.constant 1 : i32
    scf.for %scan3A_17 = %scan3A_5 to %scan3A_7 step %scan3A_8  : i32 {
      %add3A_18 = arith.constant 1 : i32
      %add3A_19 = arith.addi %scan3A_17, %add3A_18 : i32
      %and3A = arith.constant 1 : i32
      %and3A_20 = arith.andi %add3A_19, %and3A : i32
      %mul3A_21 = arith.constant 32 : i32
      %mul3A_22 = arith.muli %mul3A_21, %add3A_19 : i32
      %add3A_23 = arith.addi %add3A, %mul3A_22 : i32
      %lt3A_24 = arith.constant 5000 : i32
      %lt3A_25 = arith.cmpi slt, %add3A_23, %lt3A_24 : i32
      %convert_element_type3A_26 = arith.extui %lt3A_25 : i1 to i32
      %cond3A_27 = arith.constant 0 : i32
      %cond3A_28 = arith.cmpi ne, %convert_element_type3A_26, %cond3A_27 : i32
      scf.if %cond3A_28 {
        %mul3A_39 = arith.constant 128 : i32
        %mul3A_40 = arith.muli %add3A_23, %mul3A_39 : i32
        "tpu.region"() ({
          %run_scoped3A = tpu.sem_alloc : memref<!tpu.dma_semaphore, #tpu.memory_space<semaphore_mem>>
          %dma_start3A_50 = arith.constant 0 : i32
          %dma_start3A_51 = tpu.memref_slice %arg5[%and3A_20, %dma_start3A_50] : memref<2x128xi32, #tpu.memory_space<vmem>> -> memref<1x128xi32, #tpu.memory_space<vmem>>
          %dma_start3A_52 = tpu.memref_squeeze %dma_start3A_51 : memref<1x128xi32, #tpu.memory_space<vmem>> -> memref<128xi32, #tpu.memory_space<vmem>>
          %dma_start3A_53 = tpu.memref_slice %arg3[%mul3A_40] : memref<640000xi32, #tpu.memory_space<hbm>> -> memref<128xi32, #tpu.memory_space<hbm>>
          %dma_start3A_54 = arith.constant 0 : i32
          %dma_start3A_55 = tpu.memref_slice %arg5[%and3A_20, %dma_start3A_54] : memref<2x128xi32, #tpu.memory_space<vmem>> -> memref<1x128xi32, #tpu.memory_space<vmem>>
          %dma_start3A_56 = tpu.memref_squeeze %dma_start3A_55 : memref<1x128xi32, #tpu.memory_space<vmem>> -> memref<128xi32, #tpu.memory_space<vmem>>
          %dma_start3A_57 = tpu.memref_slice %arg3[%mul3A_40] : memref<640000xi32, #tpu.memory_space<hbm>> -> memref<128xi32, #tpu.memory_space<hbm>>
          tpu.enqueue_dma source(%dma_start3A_57 : memref<128xi32, #tpu.memory_space<hbm>>) target(%dma_start3A_56 : memref<128xi32, #tpu.memory_space<vmem>>) target_semaphore(%run_scoped3A : memref<!tpu.dma_semaphore, #tpu.memory_space<semaphore_mem>>)
          %dma_wait3A = arith.constant 0 : i32
          %dma_wait3A_58 = tpu.memref_slice %arg5[%and3A_20, %dma_wait3A] : memref<2x128xi32, #tpu.memory_space<vmem>> -> memref<1x128xi32, #tpu.memory_space<vmem>>
          %dma_wait3A_59 = tpu.memref_squeeze %dma_wait3A_58 : memref<1x128xi32, #tpu.memory_space<vmem>> -> memref<128xi32, #tpu.memory_space<vmem>>
          %dma_wait3A_60 = tpu.memref_slice %arg3[%mul3A_40] : memref<640000xi32, #tpu.memory_space<hbm>> -> memref<128xi32, #tpu.memory_space<hbm>>
          %dma_wait3A_61 = arith.constant 0 : i32
          %dma_wait3A_62 = tpu.memref_slice %arg5[%and3A_20, %dma_wait3A_61] : memref<2x128xi32, #tpu.memory_space<vmem>> -> memref<1x128xi32, #tpu.memory_space<vmem>>
          %dma_wait3A_63 = tpu.memref_squeeze %dma_wait3A_62 : memref<1x128xi32, #tpu.memory_space<vmem>> -> memref<128xi32, #tpu.memory_space<vmem>>
          %dma_wait3A_64 = tpu.memref_slice %arg3[%mul3A_40] : memref<640000xi32, #tpu.memory_space<hbm>> -> memref<128xi32, #tpu.memory_space<hbm>>
          tpu.wait_dma2 semaphore(%run_scoped3A : memref<!tpu.dma_semaphore, #tpu.memory_space<semaphore_mem>>) src(%dma_wait3A_64 : memref<128xi32, #tpu.memory_space<hbm>>) dst(%dma_wait3A_63 : memref<128xi32, #tpu.memory_space<vmem>>)
          tpu.yield
        }) : () -> ()
        %dma_start3A = arith.constant 0 : i32
        %dma_start3A_41 = arith.constant 0 : i32
        %dma_start3A_42 = tpu.memref_slice %arg6[%and3A_20, %dma_start3A, %dma_start3A_41] : memref<2x128x128xf32, #tpu.memory_space<vmem>> -> memref<1x128x128xf32, #tpu.memory_space<vmem>>
        %dma_start3A_43 = tpu.memref_squeeze %dma_start3A_42 : memref<1x128x128xf32, #tpu.memory_space<vmem>> -> memref<128x128xf32, #tpu.memory_space<vmem>>
        %dma_start3A_44 = arith.constant 0 : i32
        %dma_start3A_45 = tpu.memref_slice %arg5[%and3A_20, %dma_start3A_44] : memref<2x128xi32, #tpu.memory_space<vmem>> -> memref<1x128xi32, #tpu.memory_space<vmem>>
        %dma_start3A_46 = tpu.memref_squeeze %dma_start3A_45 : memref<1x128xi32, #tpu.memory_space<vmem>> -> memref<128xi32, #tpu.memory_space<vmem>>
        %dma_start3A_47 = arith.constant 0 : i32
        %dma_start3A_48 = arith.constant 0 : i32
        %dma_start3A_49 = tpu.memref_slice %arg2[%dma_start3A_47, %dma_start3A_48] : memref<10000x128xf32, #tpu.memory_space<hbm>> -> memref<10000x128xf32, #tpu.memory_space<hbm>>
        tpu.enqueue_indirect_dma source(%dma_start3A_49 : memref<10000x128xf32, #tpu.memory_space<hbm>>) target(%dma_start3A_43 : memref<128x128xf32, #tpu.memory_space<vmem>>) offsets(%dma_start3A_46 : memref<128xi32, #tpu.memory_space<vmem>>) semaphore(%arg7 : memref<!tpu.dma_semaphore, #tpu.memory_space<semaphore_mem>>)
      } else {
      }
      %and3A_29 = arith.constant 1 : i32
      %and3A_30 = arith.andi %scan3A_17, %and3A_29 : i32
      %mul3A_31 = arith.constant 32 : i32
      %mul3A_32 = arith.muli %mul3A_31, %scan3A_17 : i32
      %add3A_33 = arith.addi %add3A, %mul3A_32 : i32
      %lt3A_34 = arith.constant 5000 : i32
      %lt3A_35 = arith.cmpi slt, %add3A_33, %lt3A_34 : i32
      %convert_element_type3A_36 = arith.extui %lt3A_35 : i1 to i32
      %cond3A_37 = arith.constant 0 : i32
      %cond3A_38 = arith.cmpi ne, %convert_element_type3A_36, %cond3A_37 : i32
      scf.if %cond3A_38 {
        %dma_wait3A = arith.constant 0 : i32
        %dma_wait3A_39 = arith.constant 0 : i32
        %dma_wait3A_40 = tpu.memref_slice %arg6[%and3A_30, %dma_wait3A, %dma_wait3A_39] : memref<2x128x128xf32, #tpu.memory_space<vmem>> -> memref<1x128x128xf32, #tpu.memory_space<vmem>>
        %dma_wait3A_41 = tpu.memref_squeeze %dma_wait3A_40 : memref<1x128x128xf32, #tpu.memory_space<vmem>> -> memref<128x128xf32, #tpu.memory_space<vmem>>
        %dma_wait3A_42 = arith.constant 0 : i32
        %dma_wait3A_43 = tpu.memref_slice %arg5[%and3A_30, %dma_wait3A_42] : memref<2x128xi32, #tpu.memory_space<vmem>> -> memref<1x128xi32, #tpu.memory_space<vmem>>
        %dma_wait3A_44 = tpu.memref_squeeze %dma_wait3A_43 : memref<1x128xi32, #tpu.memory_space<vmem>> -> memref<128xi32, #tpu.memory_space<vmem>>
        %dma_wait3A_45 = arith.constant 0 : i32
        %dma_wait3A_46 = arith.constant 0 : i32
        %dma_wait3A_47 = tpu.memref_slice %arg2[%dma_wait3A_45, %dma_wait3A_46] : memref<10000x128xf32, #tpu.memory_space<hbm>> -> memref<10000x128xf32, #tpu.memory_space<hbm>>
        tpu.wait_indirect_dma semaphore(%arg7 : memref<!tpu.dma_semaphore, #tpu.memory_space<semaphore_mem>>) src(%dma_wait3A_47 : memref<10000x128xf32, #tpu.memory_space<hbm>>) dst(%dma_wait3A_41 : memref<128x128xf32, #tpu.memory_space<vmem>>)
        %mul3A_48 = arith.constant 128 : i32
        %mul3A_49 = arith.muli %add3A_33, %mul3A_48 : i32
        "tpu.region"() ({
          %run_scoped3A = tpu.sem_alloc : memref<!tpu.dma_semaphore, #tpu.memory_space<semaphore_mem>>
          %dma_start3A = arith.constant 0 : i32
          %dma_start3A_50 = arith.constant 0 : i32
          %dma_start3A_51 = tpu.memref_slice %arg6[%and3A_30, %dma_start3A, %dma_start3A_50] : memref<2x128x128xf32, #tpu.memory_space<vmem>> -> memref<1x128x128xf32, #tpu.memory_space<vmem>>
          %dma_start3A_52 = tpu.memref_squeeze %dma_start3A_51 : memref<1x128x128xf32, #tpu.memory_space<vmem>> -> memref<128x128xf32, #tpu.memory_space<vmem>>
          %dma_start3A_53 = arith.constant 0 : i32
          %dma_start3A_54 = tpu.memref_slice %arg4[%mul3A_49, %dma_start3A_53] : memref<640000x128xf32, #tpu.memory_space<hbm>> -> memref<128x128xf32, #tpu.memory_space<hbm>>
          %dma_start3A_55 = arith.constant 0 : i32
          %dma_start3A_56 = tpu.memref_slice %arg4[%mul3A_49, %dma_start3A_55] : memref<640000x128xf32, #tpu.memory_space<hbm>> -> memref<128x128xf32, #tpu.memory_space<hbm>>
          %dma_start3A_57 = arith.constant 0 : i32
          %dma_start3A_58 = arith.constant 0 : i32
          %dma_start3A_59 = tpu.memref_slice %arg6[%and3A_30, %dma_start3A_57, %dma_start3A_58] : memref<2x128x128xf32, #tpu.memory_space<vmem>> -> memref<1x128x128xf32, #tpu.memory_space<vmem>>
          %dma_start3A_60 = tpu.memref_squeeze %dma_start3A_59 : memref<1x128x128xf32, #tpu.memory_space<vmem>> -> memref<128x128xf32, #tpu.memory_space<vmem>>
          tpu.enqueue_dma source(%dma_start3A_60 : memref<128x128xf32, #tpu.memory_space<vmem>>) target(%dma_start3A_56 : memref<128x128xf32, #tpu.memory_space<hbm>>) target_semaphore(%run_scoped3A : memref<!tpu.dma_semaphore, #tpu.memory_space<semaphore_mem>>)
          %dma_wait3A_61 = arith.constant 0 : i32
          %dma_wait3A_62 = arith.constant 0 : i32
          %dma_wait3A_63 = tpu.memref_slice %arg6[%and3A_30, %dma_wait3A_61, %dma_wait3A_62] : memref<2x128x128xf32, #tpu.memory_space<vmem>> -> memref<1x128x128xf32, #tpu.memory_space<vmem>>
          %dma_wait3A_64 = tpu.memref_squeeze %dma_wait3A_63 : memref<1x128x128xf32, #tpu.memory_space<vmem>> -> memref<128x128xf32, #tpu.memory_space<vmem>>
          %dma_wait3A_65 = arith.constant 0 : i32
          %dma_wait3A_66 = tpu.memref_slice %arg4[%mul3A_49, %dma_wait3A_65] : memref<640000x128xf32, #tpu.memory_space<hbm>> -> memref<128x128xf32, #tpu.memory_space<hbm>>
          %dma_wait3A_67 = arith.constant 0 : i32
          %dma_wait3A_68 = tpu.memref_slice %arg4[%mul3A_49, %dma_wait3A_67] : memref<640000x128xf32, #tpu.memory_space<hbm>> -> memref<128x128xf32, #tpu.memory_space<hbm>>
          %dma_wait3A_69 = arith.constant 0 : i32
          %dma_wait3A_70 = arith.constant 0 : i32
          %dma_wait3A_71 = tpu.memref_slice %arg6[%and3A_30, %dma_wait3A_69, %dma_wait3A_70] : memref<2x128x128xf32, #tpu.memory_space<vmem>> -> memref<1x128x128xf32, #tpu.memory_space<vmem>>
          %dma_wait3A_72 = tpu.memref_squeeze %dma_wait3A_71 : memref<1x128x128xf32, #tpu.memory_space<vmem>> -> memref<128x128xf32, #tpu.memory_space<vmem>>
          tpu.wait_dma2 semaphore(%run_scoped3A : memref<!tpu.dma_semaphore, #tpu.memory_space<semaphore_mem>>) src(%dma_wait3A_72 : memref<128x128xf32, #tpu.memory_space<vmem>>) dst(%dma_wait3A_68 : memref<128x128xf32, #tpu.memory_space<hbm>>)
          tpu.yield
        }) : () -> ()
      } else {
      }
    }
    %scan3A_9 = arith.constant 156 : i32
    %add3A_10 = arith.constant 4992 : i32
    %add3A_11 = arith.addi %add3A, %add3A_10 : i32
    %lt3A_12 = arith.constant 5000 : i32
    %lt3A_13 = arith.cmpi slt, %add3A_11, %lt3A_12 : i32
    %convert_element_type3A_14 = arith.extui %lt3A_13 : i1 to i32
    %cond3A_15 = arith.constant 0 : i32
    %cond3A_16 = arith.cmpi ne, %convert_element_type3A_14, %cond3A_15 : i32
    scf.if %cond3A_16 {
      %dma_wait3A = arith.constant 0 : i32
      %dma_wait3A_17 = arith.constant 0 : i32
      %dma_wait3A_18 = arith.constant 0 : i32
      %dma_wait3A_19 = arith.constant 0 : i32
      %dma_wait3A_20 = tpu.memref_slice %arg6[%dma_wait3A_17, %dma_wait3A_18, %dma_wait3A_19] : memref<2x128x128xf32, #tpu.memory_space<vmem>> -> memref<1x128x128xf32, #tpu.memory_space<vmem>>
      %dma_wait3A_21 = tpu.memref_squeeze %dma_wait3A_20 : memref<1x128x128xf32, #tpu.memory_space<vmem>> -> memref<128x128xf32, #tpu.memory_space<vmem>>
      %dma_wait3A_22 = arith.constant 0 : i32
      %dma_wait3A_23 = tpu.memref_slice %arg5[%dma_wait3A, %dma_wait3A_22] : memref<2x128xi32, #tpu.memory_space<vmem>> -> memref<1x128xi32, #tpu.memory_space<vmem>>
      %dma_wait3A_24 = tpu.memref_squeeze %dma_wait3A_23 : memref<1x128xi32, #tpu.memory_space<vmem>> -> memref<128xi32, #tpu.memory_space<vmem>>
      %dma_wait3A_25 = arith.constant 0 : i32
      %dma_wait3A_26 = arith.constant 0 : i32
      %dma_wait3A_27 = tpu.memref_slice %arg2[%dma_wait3A_25, %dma_wait3A_26] : memref<10000x128xf32, #tpu.memory_space<hbm>> -> memref<10000x128xf32, #tpu.memory_space<hbm>>
      tpu.wait_indirect_dma semaphore(%arg7 : memref<!tpu.dma_semaphore, #tpu.memory_space<semaphore_mem>>) src(%dma_wait3A_27 : memref<10000x128xf32, #tpu.memory_space<hbm>>) dst(%dma_wait3A_21 : memref<128x128xf32, #tpu.memory_space<vmem>>)
      %mul3A_28 = arith.constant 128 : i32
      %mul3A_29 = arith.muli %add3A_11, %mul3A_28 : i32
      %run_scoped3A = arith.constant 0 : i32
      "tpu.region"() ({
        %run_scoped3A_30 = tpu.sem_alloc : memref<!tpu.dma_semaphore, #tpu.memory_space<semaphore_mem>>
        %dma_start3A = arith.constant 0 : i32
        %dma_start3A_31 = arith.constant 0 : i32
        %dma_start3A_32 = tpu.memref_slice %arg6[%run_scoped3A, %dma_start3A, %dma_start3A_31] : memref<2x128x128xf32, #tpu.memory_space<vmem>> -> memref<1x128x128xf32, #tpu.memory_space<vmem>>
        %dma_start3A_33 = tpu.memref_squeeze %dma_start3A_32 : memref<1x128x128xf32, #tpu.memory_space<vmem>> -> memref<128x128xf32, #tpu.memory_space<vmem>>
        %dma_start3A_34 = arith.constant 0 : i32
        %dma_start3A_35 = tpu.memref_slice %arg4[%mul3A_29, %dma_start3A_34] : memref<640000x128xf32, #tpu.memory_space<hbm>> -> memref<128x128xf32, #tpu.memory_space<hbm>>
        %dma_start3A_36 = arith.constant 0 : i32
        %dma_start3A_37 = tpu.memref_slice %arg4[%mul3A_29, %dma_start3A_36] : memref<640000x128xf32, #tpu.memory_space<hbm>> -> memref<128x128xf32, #tpu.memory_space<hbm>>
        %dma_start3A_38 = arith.constant 0 : i32
        %dma_start3A_39 = arith.constant 0 : i32
        %dma_start3A_40 = tpu.memref_slice %arg6[%run_scoped3A, %dma_start3A_38, %dma_start3A_39] : memref<2x128x128xf32, #tpu.memory_space<vmem>> -> memref<1x128x128xf32, #tpu.memory_space<vmem>>
        %dma_start3A_41 = tpu.memref_squeeze %dma_start3A_40 : memref<1x128x128xf32, #tpu.memory_space<vmem>> -> memref<128x128xf32, #tpu.memory_space<vmem>>
        tpu.enqueue_dma source(%dma_start3A_41 : memref<128x128xf32, #tpu.memory_space<vmem>>) target(%dma_start3A_37 : memref<128x128xf32, #tpu.memory_space<hbm>>) target_semaphore(%run_scoped3A_30 : memref<!tpu.dma_semaphore, #tpu.memory_space<semaphore_mem>>)
        %dma_wait3A_42 = arith.constant 0 : i32
        %dma_wait3A_43 = arith.constant 0 : i32
        %dma_wait3A_44 = tpu.memref_slice %arg6[%run_scoped3A, %dma_wait3A_42, %dma_wait3A_43] : memref<2x128x128xf32, #tpu.memory_space<vmem>> -> memref<1x128x128xf32, #tpu.memory_space<vmem>>
        %dma_wait3A_45 = tpu.memref_squeeze %dma_wait3A_44 : memref<1x128x128xf32, #tpu.memory_space<vmem>> -> memref<128x128xf32, #tpu.memory_space<vmem>>
        %dma_wait3A_46 = arith.constant 0 : i32
        %dma_wait3A_47 = tpu.memref_slice %arg4[%mul3A_29, %dma_wait3A_46] : memref<640000x128xf32, #tpu.memory_space<hbm>> -> memref<128x128xf32, #tpu.memory_space<hbm>>
        %dma_wait3A_48 = arith.constant 0 : i32
        %dma_wait3A_49 = tpu.memref_slice %arg4[%mul3A_29, %dma_wait3A_48] : memref<640000x128xf32, #tpu.memory_space<hbm>> -> memref<128x128xf32, #tpu.memory_space<hbm>>
        %dma_wait3A_50 = arith.constant 0 : i32
        %dma_wait3A_51 = arith.constant 0 : i32
        %dma_wait3A_52 = tpu.memref_slice %arg6[%run_scoped3A, %dma_wait3A_50, %dma_wait3A_51] : memref<2x128x128xf32, #tpu.memory_space<vmem>> -> memref<1x128x128xf32, #tpu.memory_space<vmem>>
        %dma_wait3A_53 = tpu.memref_squeeze %dma_wait3A_52 : memref<1x128x128xf32, #tpu.memory_space<vmem>> -> memref<128x128xf32, #tpu.memory_space<vmem>>
        tpu.wait_dma2 semaphore(%run_scoped3A_30 : memref<!tpu.dma_semaphore, #tpu.memory_space<semaphore_mem>>) src(%dma_wait3A_53 : memref<128x128xf32, #tpu.memory_space<vmem>>) dst(%dma_wait3A_49 : memref<128x128xf32, #tpu.memory_space<hbm>>)
        tpu.yield
      }) : () -> ()
    } else {
    }
    return
  }
}

#map = affine_map<(d0, d1) -> (0, 0)>
#map1 = affine_map<(d0, d1) -> (0)>
#map2 = affine_map<(d0, d1) -> (0, 0, 0)>
module attributes {stable_mosaic.version = 14 : i64} {
  func.func @_scatter_body(%arg0: i32, %arg1: i32, %arg2: memref<320000x128xf32, #tpu.memory_space<hbm>>, %arg3: memref<320000x128xf32, #tpu.memory_space<hbm>>, %arg4: memref<320000xi32, #tpu.memory_space<hbm>>, %arg5: memref<2x10000x128xf32, #tpu.memory_space<hbm>>, %arg6: memref<2x10000x128xf32, #tpu.memory_space<hbm>>, %arg7: memref<10000x128xf32, #tpu.memory_space<vmem_shared>>, %arg8: memref<80x128xf32, #tpu.memory_space<vmem>>, %arg9: memref<2x128xi32, #tpu.memory_space<vmem>>, %arg10: memref<2x128x128xf32, #tpu.memory_space<vmem>>, %arg11: memref<!tpu.dma_semaphore, #tpu.memory_space<semaphore_mem>>, %arg12: memref<!tpu.dma_semaphore, #tpu.memory_space<semaphore_mem>>) attributes {dimension_semantics = [#tpu.dimension_semantics<core_parallel>, #tpu.dimension_semantics<subcore_parallel>], iteration_bounds = array<i64: 2, 16>, scalar_prefetch = 0 : i64, scratch_operands = 6 : i64, tpu.core_type = #tpu.core_type<sc_vector_subcore>, window_params = [{transform_indices = #map}, {transform_indices = #map}, {transform_indices = #map1}, {transform_indices = #map2}, {transform_indices = #map2}]} {
    %scan3A = arith.constant 0 : i32
    %scan3A_0 = arith.constant 0 : i32
    %scan3A_1 = arith.constant 80 : i32
    %scan3A_2 = arith.addi %scan3A_0, %scan3A_1 : i32
    %scan3A_3 = arith.constant 1 : i32
    scf.for %scan3A_75 = %scan3A_0 to %scan3A_2 step %scan3A_3  : i32 {
      %broadcast_in_dim3A = arith.constant 0.000000e+00 : f32
      %broadcast_in_dim3A_76 = vector.broadcast %broadcast_in_dim3A : f32 to vector<16xf32>
      %swap3A = arith.index_cast %scan3A_75 : i32 to index
      %swap3A_77 = arith.constant 0 : index
      %swap3A_78 = tpu.vector_load %arg8[%swap3A, %swap3A_77] {strides = array<i32>} : memref<80x128xf32, #tpu.memory_space<vmem>>, vector<1x16xf32>,
      %swap3A_79 = vector.shape_cast %swap3A_78 : vector<1x16xf32> to vector<16xf32>
      %swap3A_80 = vector.shape_cast %broadcast_in_dim3A_76 : vector<16xf32> to vector<1x16xf32>
      tpu.vector_store %arg8[%swap3A, %swap3A_77], %swap3A_80 {strides = array<i32>} : memref<80x128xf32, #tpu.memory_space<vmem>>, vector<1x16xf32>,
      %broadcast_in_dim3A_81 = arith.constant 0.000000e+00 : f32
      %broadcast_in_dim3A_82 = vector.broadcast %broadcast_in_dim3A_81 : f32 to vector<16xf32>
      %swap3A_83 = arith.index_cast %scan3A_75 : i32 to index
      %swap3A_84 = arith.constant 16 : index
      %swap3A_85 = tpu.vector_load %arg8[%swap3A_83, %swap3A_84] {strides = array<i32>} : memref<80x128xf32, #tpu.memory_space<vmem>>, vector<1x16xf32>,
      %swap3A_86 = vector.shape_cast %swap3A_85 : vector<1x16xf32> to vector<16xf32>
      %swap3A_87 = vector.shape_cast %broadcast_in_dim3A_82 : vector<16xf32> to vector<1x16xf32>
      tpu.vector_store %arg8[%swap3A_83, %swap3A_84], %swap3A_87 {strides = array<i32>} : memref<80x128xf32, #tpu.memory_space<vmem>>, vector<1x16xf32>,
      %broadcast_in_dim3A_88 = arith.constant 0.000000e+00 : f32
      %broadcast_in_dim3A_89 = vector.broadcast %broadcast_in_dim3A_88 : f32 to vector<16xf32>
      %swap3A_90 = arith.index_cast %scan3A_75 : i32 to index
      %swap3A_91 = arith.constant 32 : index
      %swap3A_92 = tpu.vector_load %arg8[%swap3A_90, %swap3A_91] {strides = array<i32>} : memref<80x128xf32, #tpu.memory_space<vmem>>, vector<1x16xf32>,
      %swap3A_93 = vector.shape_cast %swap3A_92 : vector<1x16xf32> to vector<16xf32>
      %swap3A_94 = vector.shape_cast %broadcast_in_dim3A_89 : vector<16xf32> to vector<1x16xf32>
      tpu.vector_store %arg8[%swap3A_90, %swap3A_91], %swap3A_94 {strides = array<i32>} : memref<80x128xf32, #tpu.memory_space<vmem>>, vector<1x16xf32>,
      %broadcast_in_dim3A_95 = arith.constant 0.000000e+00 : f32
      %broadcast_in_dim3A_96 = vector.broadcast %broadcast_in_dim3A_95 : f32 to vector<16xf32>
      %swap3A_97 = arith.index_cast %scan3A_75 : i32 to index
      %swap3A_98 = arith.constant 48 : index
      %swap3A_99 = tpu.vector_load %arg8[%swap3A_97, %swap3A_98] {strides = array<i32>} : memref<80x128xf32, #tpu.memory_space<vmem>>, vector<1x16xf32>,
      %swap3A_100 = vector.shape_cast %swap3A_99 : vector<1x16xf32> to vector<16xf32>
      %swap3A_101 = vector.shape_cast %broadcast_in_dim3A_96 : vector<16xf32> to vector<1x16xf32>
      tpu.vector_store %arg8[%swap3A_97, %swap3A_98], %swap3A_101 {strides = array<i32>} : memref<80x128xf32, #tpu.memory_space<vmem>>, vector<1x16xf32>,
      %broadcast_in_dim3A_102 = arith.constant 0.000000e+00 : f32
      %broadcast_in_dim3A_103 = vector.broadcast %broadcast_in_dim3A_102 : f32 to vector<16xf32>
      %swap3A_104 = arith.index_cast %scan3A_75 : i32 to index
      %swap3A_105 = arith.constant 64 : index
      %swap3A_106 = tpu.vector_load %arg8[%swap3A_104, %swap3A_105] {strides = array<i32>} : memref<80x128xf32, #tpu.memory_space<vmem>>, vector<1x16xf32>,
      %swap3A_107 = vector.shape_cast %swap3A_106 : vector<1x16xf32> to vector<16xf32>
      %swap3A_108 = vector.shape_cast %broadcast_in_dim3A_103 : vector<16xf32> to vector<1x16xf32>
      tpu.vector_store %arg8[%swap3A_104, %swap3A_105], %swap3A_108 {strides = array<i32>} : memref<80x128xf32, #tpu.memory_space<vmem>>, vector<1x16xf32>,
      %broadcast_in_dim3A_109 = arith.constant 0.000000e+00 : f32
      %broadcast_in_dim3A_110 = vector.broadcast %broadcast_in_dim3A_109 : f32 to vector<16xf32>
      %swap3A_111 = arith.index_cast %scan3A_75 : i32 to index
      %swap3A_112 = arith.constant 80 : index
      %swap3A_113 = tpu.vector_load %arg8[%swap3A_111, %swap3A_112] {strides = array<i32>} : memref<80x128xf32, #tpu.memory_space<vmem>>, vector<1x16xf32>,
      %swap3A_114 = vector.shape_cast %swap3A_113 : vector<1x16xf32> to vector<16xf32>
      %swap3A_115 = vector.shape_cast %broadcast_in_dim3A_110 : vector<16xf32> to vector<1x16xf32>
      tpu.vector_store %arg8[%swap3A_111, %swap3A_112], %swap3A_115 {strides = array<i32>} : memref<80x128xf32, #tpu.memory_space<vmem>>, vector<1x16xf32>,
      %broadcast_in_dim3A_116 = arith.constant 0.000000e+00 : f32
      %broadcast_in_dim3A_117 = vector.broadcast %broadcast_in_dim3A_116 : f32 to vector<16xf32>
      %swap3A_118 = arith.index_cast %scan3A_75 : i32 to index
      %swap3A_119 = arith.constant 96 : index
      %swap3A_120 = tpu.vector_load %arg8[%swap3A_118, %swap3A_119] {strides = array<i32>} : memref<80x128xf32, #tpu.memory_space<vmem>>, vector<1x16xf32>,
      %swap3A_121 = vector.shape_cast %swap3A_120 : vector<1x16xf32> to vector<16xf32>
      %swap3A_122 = vector.shape_cast %broadcast_in_dim3A_117 : vector<16xf32> to vector<1x16xf32>
      tpu.vector_store %arg8[%swap3A_118, %swap3A_119], %swap3A_122 {strides = array<i32>} : memref<80x128xf32, #tpu.memory_space<vmem>>, vector<1x16xf32>,
      %broadcast_in_dim3A_123 = arith.constant 0.000000e+00 : f32
      %broadcast_in_dim3A_124 = vector.broadcast %broadcast_in_dim3A_123 : f32 to vector<16xf32>
      %swap3A_125 = arith.index_cast %scan3A_75 : i32 to index
      %swap3A_126 = arith.constant 112 : index
      %swap3A_127 = tpu.vector_load %arg8[%swap3A_125, %swap3A_126] {strides = array<i32>} : memref<80x128xf32, #tpu.memory_space<vmem>>, vector<1x16xf32>,
      %swap3A_128 = vector.shape_cast %swap3A_127 : vector<1x16xf32> to vector<16xf32>
      %swap3A_129 = vector.shape_cast %broadcast_in_dim3A_124 : vector<16xf32> to vector<1x16xf32>
      tpu.vector_store %arg8[%swap3A_125, %swap3A_126], %swap3A_129 {strides = array<i32>} : memref<80x128xf32, #tpu.memory_space<vmem>>, vector<1x16xf32>,
    }
    %scan3A_4 = arith.constant 80 : i32
    %scan3A_5 = arith.constant 0 : i32
    %scan3A_6 = arith.constant 0 : i32
    %scan3A_7 = arith.constant 8 : i32
    %scan3A_8 = arith.addi %scan3A_6, %scan3A_7 : i32
    %scan3A_9 = arith.constant 1 : i32
    scf.for %scan3A_75 = %scan3A_6 to %scan3A_8 step %scan3A_9  : i32 {
      %mul3A = arith.constant 16 : i32
      %mul3A_76 = arith.muli %mul3A, %scan3A_75 : i32
      %add3A_77 = arith.addi %arg1, %mul3A_76 : i32
      %lt3A_78 = arith.constant 125 : i32
      %lt3A_79 = arith.cmpi slt, %add3A_77, %lt3A_78 : i32
      %convert_element_type3A_80 = arith.extui %lt3A_79 : i1 to i32
      %cond3A_81 = arith.constant 0 : i32
      %cond3A_82 = arith.cmpi ne, %convert_element_type3A_80, %cond3A_81 : i32
      scf.if %cond3A_82 {
        %mul3A_83 = arith.constant 80 : i32
        %mul3A_84 = arith.muli %add3A_77, %mul3A_83 : i32
        "tpu.region"() ({
          %run_scoped3A = tpu.sem_alloc : memref<!tpu.dma_semaphore, #tpu.memory_space<semaphore_mem>>
          %dma_start3A = arith.constant 0 : i32
          %dma_start3A_85 = tpu.memref_slice %arg7[%mul3A_84, %dma_start3A] : memref<10000x128xf32, #tpu.memory_space<vmem_shared>> -> memref<80x128xf32, #tpu.memory_space<vmem_shared>>
          %dma_start3A_86 = arith.constant 0 : i32
          %dma_start3A_87 = tpu.memref_slice %arg7[%mul3A_84, %dma_start3A_86] : memref<10000x128xf32, #tpu.memory_space<vmem_shared>> -> memref<80x128xf32, #tpu.memory_space<vmem_shared>>
          tpu.enqueue_dma source(%arg8 : memref<80x128xf32, #tpu.memory_space<vmem>>) target(%dma_start3A_87 : memref<80x128xf32, #tpu.memory_space<vmem_shared>>) target_semaphore(%run_scoped3A : memref<!tpu.dma_semaphore, #tpu.memory_space<semaphore_mem>>)
          %dma_wait3A = arith.constant 0 : i32
          %dma_wait3A_88 = tpu.memref_slice %arg7[%mul3A_84, %dma_wait3A] : memref<10000x128xf32, #tpu.memory_space<vmem_shared>> -> memref<80x128xf32, #tpu.memory_space<vmem_shared>>
          %dma_wait3A_89 = arith.constant 0 : i32
          %dma_wait3A_90 = tpu.memref_slice %arg7[%mul3A_84, %dma_wait3A_89] : memref<10000x128xf32, #tpu.memory_space<vmem_shared>> -> memref<80x128xf32, #tpu.memory_space<vmem_shared>>
          tpu.wait_dma2 semaphore(%run_scoped3A : memref<!tpu.dma_semaphore, #tpu.memory_space<semaphore_mem>>) src(%arg8 : memref<80x128xf32, #tpu.memory_space<vmem>>) dst(%dma_wait3A_90 : memref<80x128xf32, #tpu.memory_space<vmem_shared>>)
          tpu.yield
        }) : () -> ()
      } else {
      }
    }
    %scan3A_10 = arith.constant 8 : i32
    %barrier3A = arith.constant 0 : index
    tpu.barrier barrier_id(%barrier3A)
    %add3A = arith.constant 0 : i32
    %add3A_11 = arith.addi %arg1, %add3A : i32
    %lt3A = arith.constant 1250 : i32
    %lt3A_12 = arith.cmpi slt, %add3A_11, %lt3A : i32
    %convert_element_type3A = arith.extui %lt3A_12 : i1 to i32
    %cond3A = arith.constant 0 : i32
    %cond3A_13 = arith.cmpi ne, %convert_element_type3A, %cond3A : i32
    scf.if %cond3A_13 {
      %mul3A = arith.constant 160000 : i32
      %mul3A_75 = arith.muli %arg0, %mul3A : i32
      %mul3A_76 = arith.constant 128 : i32
      %mul3A_77 = arith.muli %add3A_11, %mul3A_76 : i32
      %add3A_78 = arith.addi %mul3A_75, %mul3A_77 : i32
      %dma_start3A = arith.constant 0 : i32
      %dma_start3A_79 = arith.constant 0 : i32
      %dma_start3A_80 = tpu.memref_slice %arg9[%dma_start3A, %dma_start3A_79] : memref<2x128xi32, #tpu.memory_space<vmem>> -> memref<1x128xi32, #tpu.memory_space<vmem>>
      %dma_start3A_81 = tpu.memref_squeeze %dma_start3A_80 : memref<1x128xi32, #tpu.memory_space<vmem>> -> memref<128xi32, #tpu.memory_space<vmem>>
      %dma_start3A_82 = tpu.memref_slice %arg4[%add3A_78] : memref<320000xi32, #tpu.memory_space<hbm>> -> memref<128xi32, #tpu.memory_space<hbm>>
      %dma_start3A_83 = arith.constant 0 : i32
      %dma_start3A_84 = tpu.memref_slice %arg9[%dma_start3A, %dma_start3A_83] : memref<2x128xi32, #tpu.memory_space<vmem>> -> memref<1x128xi32, #tpu.memory_space<vmem>>
      %dma_start3A_85 = tpu.memref_squeeze %dma_start3A_84 : memref<1x128xi32, #tpu.memory_space<vmem>> -> memref<128xi32, #tpu.memory_space<vmem>>
      %dma_start3A_86 = tpu.memref_slice %arg4[%add3A_78] : memref<320000xi32, #tpu.memory_space<hbm>> -> memref<128xi32, #tpu.memory_space<hbm>>
      tpu.enqueue_dma source(%dma_start3A_86 : memref<128xi32, #tpu.memory_space<hbm>>) target(%dma_start3A_85 : memref<128xi32, #tpu.memory_space<vmem>>) target_semaphore(%arg11 : memref<!tpu.dma_semaphore, #tpu.memory_space<semaphore_mem>>)
      %dma_start3A_87 = arith.constant 0 : i32
      %dma_start3A_88 = arith.constant 0 : i32
      %dma_start3A_89 = arith.constant 0 : i32
      %dma_start3A_90 = tpu.memref_slice %arg10[%dma_start3A_87, %dma_start3A_88, %dma_start3A_89] : memref<2x128x128xf32, #tpu.memory_space<vmem>> -> memref<1x128x128xf32, #tpu.memory_space<vmem>>
      %dma_start3A_91 = tpu.memref_squeeze %dma_start3A_90 : memref<1x128x128xf32, #tpu.memory_space<vmem>> -> memref<128x128xf32, #tpu.memory_space<vmem>>
      %dma_start3A_92 = arith.constant 0 : i32
      %dma_start3A_93 = tpu.memref_slice %arg2[%add3A_78, %dma_start3A_92] : memref<320000x128xf32, #tpu.memory_space<hbm>> -> memref<128x128xf32, #tpu.memory_space<hbm>>
      %dma_start3A_94 = arith.constant 0 : i32
      %dma_start3A_95 = arith.constant 0 : i32
      %dma_start3A_96 = tpu.memref_slice %arg10[%dma_start3A_87, %dma_start3A_94, %dma_start3A_95] : memref<2x128x128xf32, #tpu.memory_space<vmem>> -> memref<1x128x128xf32, #tpu.memory_space<vmem>>
      %dma_start3A_97 = tpu.memref_squeeze %dma_start3A_96 : memref<1x128x128xf32, #tpu.memory_space<vmem>> -> memref<128x128xf32, #tpu.memory_space<vmem>>
      %dma_start3A_98 = arith.constant 0 : i32
      %dma_start3A_99 = tpu.memref_slice %arg2[%add3A_78, %dma_start3A_98] : memref<320000x128xf32, #tpu.memory_space<hbm>> -> memref<128x128xf32, #tpu.memory_space<hbm>>
      tpu.enqueue_dma source(%dma_start3A_99 : memref<128x128xf32, #tpu.memory_space<hbm>>) target(%dma_start3A_97 : memref<128x128xf32, #tpu.memory_space<vmem>>) target_semaphore(%arg12 : memref<!tpu.dma_semaphore, #tpu.memory_space<semaphore_mem>>)
    } else {
    }
    %scan3A_14 = arith.constant 0 : i32
    %scan3A_15 = arith.constant 0 : i32
    %scan3A_16 = arith.constant 78 : i32
    %scan3A_17 = arith.addi %scan3A_15, %scan3A_16 : i32
    %scan3A_18 = arith.constant 1 : i32
    scf.for %scan3A_75 = %scan3A_15 to %scan3A_17 step %scan3A_18  : i32 {
      %add3A_76 = arith.constant 1 : i32
      %add3A_77 = arith.addi %scan3A_75, %add3A_76 : i32
      %and3A = arith.constant 1 : i32
      %and3A_78 = arith.andi %add3A_77, %and3A : i32
      %mul3A = arith.constant 16 : i32
      %mul3A_79 = arith.muli %mul3A, %add3A_77 : i32
      %add3A_80 = arith.addi %arg1, %mul3A_79 : i32
      %lt3A_81 = arith.constant 1250 : i32
      %lt3A_82 = arith.cmpi slt, %add3A_80, %lt3A_81 : i32
      %convert_element_type3A_83 = arith.extui %lt3A_82 : i1 to i32
      %cond3A_84 = arith.constant 0 : i32
      %cond3A_85 = arith.cmpi ne, %convert_element_type3A_83, %cond3A_84 : i32
      scf.if %cond3A_85 {
        %mul3A_96 = arith.constant 160000 : i32
        %mul3A_97 = arith.muli %arg0, %mul3A_96 : i32
        %mul3A_98 = arith.constant 128 : i32
        %mul3A_99 = arith.muli %add3A_80, %mul3A_98 : i32
        %add3A_100 = arith.addi %mul3A_97, %mul3A_99 : i32
        %dma_start3A = arith.constant 0 : i32
        %dma_start3A_101 = tpu.memref_slice %arg9[%and3A_78, %dma_start3A] : memref<2x128xi32, #tpu.memory_space<vmem>> -> memref<1x128xi32, #tpu.memory_space<vmem>>
        %dma_start3A_102 = tpu.memref_squeeze %dma_start3A_101 : memref<1x128xi32, #tpu.memory_space<vmem>> -> memref<128xi32, #tpu.memory_space<vmem>>
        %dma_start3A_103 = tpu.memref_slice %arg4[%add3A_100] : memref<320000xi32, #tpu.memory_space<hbm>> -> memref<128xi32, #tpu.memory_space<hbm>>
        %dma_start3A_104 = arith.constant 0 : i32
        %dma_start3A_105 = tpu.memref_slice %arg9[%and3A_78, %dma_start3A_104] : memref<2x128xi32, #tpu.memory_space<vmem>> -> memref<1x128xi32, #tpu.memory_space<vmem>>
        %dma_start3A_106 = tpu.memref_squeeze %dma_start3A_105 : memref<1x128xi32, #tpu.memory_space<vmem>> -> memref<128xi32, #tpu.memory_space<vmem>>
        %dma_start3A_107 = tpu.memref_slice %arg4[%add3A_100] : memref<320000xi32, #tpu.memory_space<hbm>> -> memref<128xi32, #tpu.memory_space<hbm>>
        tpu.enqueue_dma source(%dma_start3A_107 : memref<128xi32, #tpu.memory_space<hbm>>) target(%dma_start3A_106 : memref<128xi32, #tpu.memory_space<vmem>>) target_semaphore(%arg11 : memref<!tpu.dma_semaphore, #tpu.memory_space<semaphore_mem>>)
        %dma_start3A_108 = arith.constant 0 : i32
        %dma_start3A_109 = arith.constant 0 : i32
        %dma_start3A_110 = tpu.memref_slice %arg10[%and3A_78, %dma_start3A_108, %dma_start3A_109] : memref<2x128x128xf32, #tpu.memory_space<vmem>> -> memref<1x128x128xf32, #tpu.memory_space<vmem>>
        %dma_start3A_111 = tpu.memref_squeeze %dma_start3A_110 : memref<1x128x128xf32, #tpu.memory_space<vmem>> -> memref<128x128xf32, #tpu.memory_space<vmem>>
        %dma_start3A_112 = arith.constant 0 : i32
        %dma_start3A_113 = tpu.memref_slice %arg2[%add3A_100, %dma_start3A_112] : memref<320000x128xf32, #tpu.memory_space<hbm>> -> memref<128x128xf32, #tpu.memory_space<hbm>>
        %dma_start3A_114 = arith.constant 0 : i32
        %dma_start3A_115 = arith.constant 0 : i32
        %dma_start3A_116 = tpu.memref_slice %arg10[%and3A_78, %dma_start3A_114, %dma_start3A_115] : memref<2x128x128xf32, #tpu.memory_space<vmem>> -> memref<1x128x128xf32, #tpu.memory_space<vmem>>
        %dma_start3A_117 = tpu.memref_squeeze %dma_start3A_116 : memref<1x128x128xf32, #tpu.memory_space<vmem>> -> memref<128x128xf32, #tpu.memory_space<vmem>>
        %dma_start3A_118 = arith.constant 0 : i32
        %dma_start3A_119 = tpu.memref_slice %arg2[%add3A_100, %dma_start3A_118] : memref<320000x128xf32, #tpu.memory_space<hbm>> -> memref<128x128xf32, #tpu.memory_space<hbm>>
        tpu.enqueue_dma source(%dma_start3A_119 : memref<128x128xf32, #tpu.memory_space<hbm>>) target(%dma_start3A_117 : memref<128x128xf32, #tpu.memory_space<vmem>>) target_semaphore(%arg12 : memref<!tpu.dma_semaphore, #tpu.memory_space<semaphore_mem>>)
      } else {
      }
      %and3A_86 = arith.constant 1 : i32
      %and3A_87 = arith.andi %scan3A_75, %and3A_86 : i32
      %mul3A_88 = arith.constant 16 : i32
      %mul3A_89 = arith.muli %mul3A_88, %scan3A_75 : i32
      %add3A_90 = arith.addi %arg1, %mul3A_89 : i32
      %lt3A_91 = arith.constant 1250 : i32
      %lt3A_92 = arith.cmpi slt, %add3A_90, %lt3A_91 : i32
      %convert_element_type3A_93 = arith.extui %lt3A_92 : i1 to i32
      %cond3A_94 = arith.constant 0 : i32
      %cond3A_95 = arith.cmpi ne, %convert_element_type3A_93, %cond3A_94 : i32
      scf.if %cond3A_95 {
        %mul3A_96 = arith.constant 160000 : i32
        %mul3A_97 = arith.muli %arg0, %mul3A_96 : i32
        %mul3A_98 = arith.constant 128 : i32
        %mul3A_99 = arith.muli %add3A_90, %mul3A_98 : i32
        %add3A_100 = arith.addi %mul3A_97, %mul3A_99 : i32
        %dma_wait3A = arith.constant 0 : i32
        %dma_wait3A_101 = tpu.memref_slice %arg9[%and3A_87, %dma_wait3A] : memref<2x128xi32, #tpu.memory_space<vmem>> -> memref<1x128xi32, #tpu.memory_space<vmem>>
        %dma_wait3A_102 = tpu.memref_squeeze %dma_wait3A_101 : memref<1x128xi32, #tpu.memory_space<vmem>> -> memref<128xi32, #tpu.memory_space<vmem>>
        %dma_wait3A_103 = tpu.memref_slice %arg4[%add3A_100] : memref<320000xi32, #tpu.memory_space<hbm>> -> memref<128xi32, #tpu.memory_space<hbm>>
        %dma_wait3A_104 = arith.constant 0 : i32
        %dma_wait3A_105 = tpu.memref_slice %arg9[%and3A_87, %dma_wait3A_104] : memref<2x128xi32, #tpu.memory_space<vmem>> -> memref<1x128xi32, #tpu.memory_space<vmem>>
        %dma_wait3A_106 = tpu.memref_squeeze %dma_wait3A_105 : memref<1x128xi32, #tpu.memory_space<vmem>> -> memref<128xi32, #tpu.memory_space<vmem>>
        %dma_wait3A_107 = tpu.memref_slice %arg4[%add3A_100] : memref<320000xi32, #tpu.memory_space<hbm>> -> memref<128xi32, #tpu.memory_space<hbm>>
        tpu.wait_dma2 semaphore(%arg11 : memref<!tpu.dma_semaphore, #tpu.memory_space<semaphore_mem>>) src(%dma_wait3A_107 : memref<128xi32, #tpu.memory_space<hbm>>) dst(%dma_wait3A_106 : memref<128xi32, #tpu.memory_space<vmem>>)
        %dma_wait3A_108 = arith.constant 0 : i32
        %dma_wait3A_109 = arith.constant 0 : i32
        %dma_wait3A_110 = tpu.memref_slice %arg10[%and3A_87, %dma_wait3A_108, %dma_wait3A_109] : memref<2x128x128xf32, #tpu.memory_space<vmem>> -> memref<1x128x128xf32, #tpu.memory_space<vmem>>
        %dma_wait3A_111 = tpu.memref_squeeze %dma_wait3A_110 : memref<1x128x128xf32, #tpu.memory_space<vmem>> -> memref<128x128xf32, #tpu.memory_space<vmem>>
        %dma_wait3A_112 = arith.constant 0 : i32
        %dma_wait3A_113 = tpu.memref_slice %arg2[%add3A_100, %dma_wait3A_112] : memref<320000x128xf32, #tpu.memory_space<hbm>> -> memref<128x128xf32, #tpu.memory_space<hbm>>
        %dma_wait3A_114 = arith.constant 0 : i32
        %dma_wait3A_115 = arith.constant 0 : i32
        %dma_wait3A_116 = tpu.memref_slice %arg10[%and3A_87, %dma_wait3A_114, %dma_wait3A_115] : memref<2x128x128xf32, #tpu.memory_space<vmem>> -> memref<1x128x128xf32, #tpu.memory_space<vmem>>
        %dma_wait3A_117 = tpu.memref_squeeze %dma_wait3A_116 : memref<1x128x128xf32, #tpu.memory_space<vmem>> -> memref<128x128xf32, #tpu.memory_space<vmem>>
        %dma_wait3A_118 = arith.constant 0 : i32
        %dma_wait3A_119 = tpu.memref_slice %arg2[%add3A_100, %dma_wait3A_118] : memref<320000x128xf32, #tpu.memory_space<hbm>> -> memref<128x128xf32, #tpu.memory_space<hbm>>
        tpu.wait_dma2 semaphore(%arg12 : memref<!tpu.dma_semaphore, #tpu.memory_space<semaphore_mem>>) src(%dma_wait3A_119 : memref<128x128xf32, #tpu.memory_space<hbm>>) dst(%dma_wait3A_117 : memref<128x128xf32, #tpu.memory_space<vmem>>)
        "tpu.region"() ({
          %run_scoped3A = tpu.sem_alloc : memref<!tpu.dma_semaphore, #tpu.memory_space<semaphore_mem>>
          %dma_start3A = arith.constant 0 : i32
          %dma_start3A_120 = arith.constant 0 : i32
          %dma_start3A_121 = tpu.memref_slice %arg10[%and3A_87, %dma_start3A, %dma_start3A_120] : memref<2x128x128xf32, #tpu.memory_space<vmem>> -> memref<1x128x128xf32, #tpu.memory_space<vmem>>
          %dma_start3A_122 = tpu.memref_squeeze %dma_start3A_121 : memref<1x128x128xf32, #tpu.memory_space<vmem>> -> memref<128x128xf32, #tpu.memory_space<vmem>>
          %dma_start3A_123 = arith.constant 0 : i32
          %dma_start3A_124 = tpu.memref_slice %arg9[%and3A_87, %dma_start3A_123] : memref<2x128xi32, #tpu.memory_space<vmem>> -> memref<1x128xi32, #tpu.memory_space<vmem>>
          %dma_start3A_125 = tpu.memref_squeeze %dma_start3A_124 : memref<1x128xi32, #tpu.memory_space<vmem>> -> memref<128xi32, #tpu.memory_space<vmem>>
          %dma_start3A_126 = arith.constant 0 : i32
          %dma_start3A_127 = arith.constant 0 : i32
          %dma_start3A_128 = tpu.memref_slice %arg7[%dma_start3A_126, %dma_start3A_127] : memref<10000x128xf32, #tpu.memory_space<vmem_shared>> -> memref<10000x128xf32, #tpu.memory_space<vmem_shared>>
          tpu.enqueue_indirect_dma source(%dma_start3A_122 : memref<128x128xf32, #tpu.memory_space<vmem>>) target(%dma_start3A_128 : memref<10000x128xf32, #tpu.memory_space<vmem_shared>>) offsets(%dma_start3A_125 : memref<128xi32, #tpu.memory_space<vmem>>) semaphore(%run_scoped3A : memref<!tpu.dma_semaphore, #tpu.memory_space<semaphore_mem>>) {add = true}
          %dma_wait3A_129 = arith.constant 0 : i32
          %dma_wait3A_130 = arith.constant 0 : i32
          %dma_wait3A_131 = tpu.memref_slice %arg10[%and3A_87, %dma_wait3A_129, %dma_wait3A_130] : memref<2x128x128xf32, #tpu.memory_space<vmem>> -> memref<1x128x128xf32, #tpu.memory_space<vmem>>
          %dma_wait3A_132 = tpu.memref_squeeze %dma_wait3A_131 : memref<1x128x128xf32, #tpu.memory_space<vmem>> -> memref<128x128xf32, #tpu.memory_space<vmem>>
          %dma_wait3A_133 = arith.constant 0 : i32
          %dma_wait3A_134 = tpu.memref_slice %arg9[%and3A_87, %dma_wait3A_133] : memref<2x128xi32, #tpu.memory_space<vmem>> -> memref<1x128xi32, #tpu.memory_space<vmem>>
          %dma_wait3A_135 = tpu.memref_squeeze %dma_wait3A_134 : memref<1x128xi32, #tpu.memory_space<vmem>> -> memref<128xi32, #tpu.memory_space<vmem>>
          %dma_wait3A_136 = arith.constant 0 : i32
          %dma_wait3A_137 = arith.constant 0 : i32
          %dma_wait3A_138 = tpu.memref_slice %arg7[%dma_wait3A_136, %dma_wait3A_137] : memref<10000x128xf32, #tpu.memory_space<vmem_shared>> -> memref<10000x128xf32, #tpu.memory_space<vmem_shared>>
          tpu.wait_indirect_dma semaphore(%run_scoped3A : memref<!tpu.dma_semaphore, #tpu.memory_space<semaphore_mem>>) src(%dma_wait3A_132 : memref<128x128xf32, #tpu.memory_space<vmem>>) dst(%dma_wait3A_138 : memref<10000x128xf32, #tpu.memory_space<vmem_shared>>)
          tpu.yield
        }) : () -> ()
      } else {
      }
    }
    %scan3A_19 = arith.constant 78 : i32
    %add3A_20 = arith.constant 1248 : i32
    %add3A_21 = arith.addi %arg1, %add3A_20 : i32
    %lt3A_22 = arith.constant 1250 : i32
    %lt3A_23 = arith.cmpi slt, %add3A_21, %lt3A_22 : i32
    %convert_element_type3A_24 = arith.extui %lt3A_23 : i1 to i32
    %cond3A_25 = arith.constant 0 : i32
    %cond3A_26 = arith.cmpi ne, %convert_element_type3A_24, %cond3A_25 : i32
    scf.if %cond3A_26 {
      %mul3A = arith.constant 160000 : i32
      %mul3A_75 = arith.muli %arg0, %mul3A : i32
      %mul3A_76 = arith.constant 128 : i32
      %mul3A_77 = arith.muli %add3A_21, %mul3A_76 : i32
      %add3A_78 = arith.addi %mul3A_75, %mul3A_77 : i32
      %dma_wait3A = arith.constant 0 : i32
      %dma_wait3A_79 = arith.constant 0 : i32
      %dma_wait3A_80 = tpu.memref_slice %arg9[%dma_wait3A, %dma_wait3A_79] : memref<2x128xi32, #tpu.memory_space<vmem>> -> memref<1x128xi32, #tpu.memory_space<vmem>>
      %dma_wait3A_81 = tpu.memref_squeeze %dma_wait3A_80 : memref<1x128xi32, #tpu.memory_space<vmem>> -> memref<128xi32, #tpu.memory_space<vmem>>
      %dma_wait3A_82 = tpu.memref_slice %arg4[%add3A_78] : memref<320000xi32, #tpu.memory_space<hbm>> -> memref<128xi32, #tpu.memory_space<hbm>>
      %dma_wait3A_83 = arith.constant 0 : i32
      %dma_wait3A_84 = tpu.memref_slice %arg9[%dma_wait3A, %dma_wait3A_83] : memref<2x128xi32, #tpu.memory_space<vmem>> -> memref<1x128xi32, #tpu.memory_space<vmem>>
      %dma_wait3A_85 = tpu.memref_squeeze %dma_wait3A_84 : memref<1x128xi32, #tpu.memory_space<vmem>> -> memref<128xi32, #tpu.memory_space<vmem>>
      %dma_wait3A_86 = tpu.memref_slice %arg4[%add3A_78] : memref<320000xi32, #tpu.memory_space<hbm>> -> memref<128xi32, #tpu.memory_space<hbm>>
      tpu.wait_dma2 semaphore(%arg11 : memref<!tpu.dma_semaphore, #tpu.memory_space<semaphore_mem>>) src(%dma_wait3A_86 : memref<128xi32, #tpu.memory_space<hbm>>) dst(%dma_wait3A_85 : memref<128xi32, #tpu.memory_space<vmem>>)
      %dma_wait3A_87 = arith.constant 0 : i32
      %dma_wait3A_88 = arith.constant 0 : i32
      %dma_wait3A_89 = arith.constant 0 : i32
      %dma_wait3A_90 = tpu.memref_slice %arg10[%dma_wait3A_87, %dma_wait3A_88, %dma_wait3A_89] : memref<2x128x128xf32, #tpu.memory_space<vmem>> -> memref<1x128x128xf32, #tpu.memory_space<vmem>>
      %dma_wait3A_91 = tpu.memref_squeeze %dma_wait3A_90 : memref<1x128x128xf32, #tpu.memory_space<vmem>> -> memref<128x128xf32, #tpu.memory_space<vmem>>
      %dma_wait3A_92 = arith.constant 0 : i32
      %dma_wait3A_93 = tpu.memref_slice %arg2[%add3A_78, %dma_wait3A_92] : memref<320000x128xf32, #tpu.memory_space<hbm>> -> memref<128x128xf32, #tpu.memory_space<hbm>>
      %dma_wait3A_94 = arith.constant 0 : i32
      %dma_wait3A_95 = arith.constant 0 : i32
      %dma_wait3A_96 = tpu.memref_slice %arg10[%dma_wait3A_87, %dma_wait3A_94, %dma_wait3A_95] : memref<2x128x128xf32, #tpu.memory_space<vmem>> -> memref<1x128x128xf32, #tpu.memory_space<vmem>>
      %dma_wait3A_97 = tpu.memref_squeeze %dma_wait3A_96 : memref<1x128x128xf32, #tpu.memory_space<vmem>> -> memref<128x128xf32, #tpu.memory_space<vmem>>
      %dma_wait3A_98 = arith.constant 0 : i32
      %dma_wait3A_99 = tpu.memref_slice %arg2[%add3A_78, %dma_wait3A_98] : memref<320000x128xf32, #tpu.memory_space<hbm>> -> memref<128x128xf32, #tpu.memory_space<hbm>>
      tpu.wait_dma2 semaphore(%arg12 : memref<!tpu.dma_semaphore, #tpu.memory_space<semaphore_mem>>) src(%dma_wait3A_99 : memref<128x128xf32, #tpu.memory_space<hbm>>) dst(%dma_wait3A_97 : memref<128x128xf32, #tpu.memory_space<vmem>>)
      %run_scoped3A = arith.constant 0 : i32
      %run_scoped3A_100 = arith.constant 0 : i32
      "tpu.region"() ({
        %run_scoped3A_101 = tpu.sem_alloc : memref<!tpu.dma_semaphore, #tpu.memory_space<semaphore_mem>>
        %dma_start3A = arith.constant 0 : i32
        %dma_start3A_102 = arith.constant 0 : i32
        %dma_start3A_103 = tpu.memref_slice %arg10[%run_scoped3A, %dma_start3A, %dma_start3A_102] : memref<2x128x128xf32, #tpu.memory_space<vmem>> -> memref<1x128x128xf32, #tpu.memory_space<vmem>>
        %dma_start3A_104 = tpu.memref_squeeze %dma_start3A_103 : memref<1x128x128xf32, #tpu.memory_space<vmem>> -> memref<128x128xf32, #tpu.memory_space<vmem>>
        %dma_start3A_105 = arith.constant 0 : i32
        %dma_start3A_106 = tpu.memref_slice %arg9[%run_scoped3A_100, %dma_start3A_105] : memref<2x128xi32, #tpu.memory_space<vmem>> -> memref<1x128xi32, #tpu.memory_space<vmem>>
        %dma_start3A_107 = tpu.memref_squeeze %dma_start3A_106 : memref<1x128xi32, #tpu.memory_space<vmem>> -> memref<128xi32, #tpu.memory_space<vmem>>
        %dma_start3A_108 = arith.constant 0 : i32
        %dma_start3A_109 = arith.constant 0 : i32
        %dma_start3A_110 = tpu.memref_slice %arg7[%dma_start3A_108, %dma_start3A_109] : memref<10000x128xf32, #tpu.memory_space<vmem_shared>> -> memref<10000x128xf32, #tpu.memory_space<vmem_shared>>
        tpu.enqueue_indirect_dma source(%dma_start3A_104 : memref<128x128xf32, #tpu.memory_space<vmem>>) target(%dma_start3A_110 : memref<10000x128xf32, #tpu.memory_space<vmem_shared>>) offsets(%dma_start3A_107 : memref<128xi32, #tpu.memory_space<vmem>>) semaphore(%run_scoped3A_101 : memref<!tpu.dma_semaphore, #tpu.memory_space<semaphore_mem>>) {add = true}
        %dma_wait3A_111 = arith.constant 0 : i32
        %dma_wait3A_112 = arith.constant 0 : i32
        %dma_wait3A_113 = tpu.memref_slice %arg10[%run_scoped3A, %dma_wait3A_111, %dma_wait3A_112] : memref<2x128x128xf32, #tpu.memory_space<vmem>> -> memref<1x128x128xf32, #tpu.memory_space<vmem>>
        %dma_wait3A_114 = tpu.memref_squeeze %dma_wait3A_113 : memref<1x128x128xf32, #tpu.memory_space<vmem>> -> memref<128x128xf32, #tpu.memory_space<vmem>>
        %dma_wait3A_115 = arith.constant 0 : i32
        %dma_wait3A_116 = tpu.memref_slice %arg9[%run_scoped3A_100, %dma_wait3A_115] : memref<2x128xi32, #tpu.memory_space<vmem>> -> memref<1x128xi32, #tpu.memory_space<vmem>>
        %dma_wait3A_117 = tpu.memref_squeeze %dma_wait3A_116 : memref<1x128xi32, #tpu.memory_space<vmem>> -> memref<128xi32, #tpu.memory_space<vmem>>
        %dma_wait3A_118 = arith.constant 0 : i32
        %dma_wait3A_119 = arith.constant 0 : i32
        %dma_wait3A_120 = tpu.memref_slice %arg7[%dma_wait3A_118, %dma_wait3A_119] : memref<10000x128xf32, #tpu.memory_space<vmem_shared>> -> memref<10000x128xf32, #tpu.memory_space<vmem_shared>>
        tpu.wait_indirect_dma semaphore(%run_scoped3A_101 : memref<!tpu.dma_semaphore, #tpu.memory_space<semaphore_mem>>) src(%dma_wait3A_114 : memref<128x128xf32, #tpu.memory_space<vmem>>) dst(%dma_wait3A_120 : memref<10000x128xf32, #tpu.memory_space<vmem_shared>>)
        tpu.yield
      }) : () -> ()
    } else {
    }
    %barrier3A_27 = arith.constant 0 : index
    tpu.barrier barrier_id(%barrier3A_27)
    %scan3A_28 = arith.constant 0 : i32
    %scan3A_29 = arith.constant 0 : i32
    %scan3A_30 = arith.constant 8 : i32
    %scan3A_31 = arith.addi %scan3A_29, %scan3A_30 : i32
    %scan3A_32 = arith.constant 1 : i32
    scf.for %scan3A_75 = %scan3A_29 to %scan3A_31 step %scan3A_32  : i32 {
      %mul3A = arith.constant 16 : i32
      %mul3A_76 = arith.muli %mul3A, %scan3A_75 : i32
      %add3A_77 = arith.addi %arg1, %mul3A_76 : i32
      %lt3A_78 = arith.constant 125 : i32
      %lt3A_79 = arith.cmpi slt, %add3A_77, %lt3A_78 : i32
      %convert_element_type3A_80 = arith.extui %lt3A_79 : i1 to i32
      %cond3A_81 = arith.constant 0 : i32
      %cond3A_82 = arith.cmpi ne, %convert_element_type3A_80, %cond3A_81 : i32
      scf.if %cond3A_82 {
        %mul3A_83 = arith.constant 80 : i32
        %mul3A_84 = arith.muli %add3A_77, %mul3A_83 : i32
        "tpu.region"() ({
          %run_scoped3A = tpu.sem_alloc : memref<!tpu.dma_semaphore, #tpu.memory_space<semaphore_mem>>
          %dma_start3A = arith.constant 0 : i32
          %dma_start3A_85 = tpu.memref_slice %arg7[%mul3A_84, %dma_start3A] : memref<10000x128xf32, #tpu.memory_space<vmem_shared>> -> memref<80x128xf32, #tpu.memory_space<vmem_shared>>
          %dma_start3A_86 = arith.constant 0 : i32
          %dma_start3A_87 = tpu.memref_slice %arg7[%mul3A_84, %dma_start3A_86] : memref<10000x128xf32, #tpu.memory_space<vmem_shared>> -> memref<80x128xf32, #tpu.memory_space<vmem_shared>>
          tpu.enqueue_dma source(%dma_start3A_87 : memref<80x128xf32, #tpu.memory_space<vmem_shared>>) target(%arg8 : memref<80x128xf32, #tpu.memory_space<vmem>>) target_semaphore(%run_scoped3A : memref<!tpu.dma_semaphore, #tpu.memory_space<semaphore_mem>>)
          %dma_wait3A = arith.constant 0 : i32
          %dma_wait3A_88 = tpu.memref_slice %arg7[%mul3A_84, %dma_wait3A] : memref<10000x128xf32, #tpu.memory_space<vmem_shared>> -> memref<80x128xf32, #tpu.memory_space<vmem_shared>>
          %dma_wait3A_89 = arith.constant 0 : i32
          %dma_wait3A_90 = tpu.memref_slice %arg7[%mul3A_84, %dma_wait3A_89] : memref<10000x128xf32, #tpu.memory_space<vmem_shared>> -> memref<80x128xf32, #tpu.memory_space<vmem_shared>>
          tpu.wait_dma2 semaphore(%run_scoped3A : memref<!tpu.dma_semaphore, #tpu.memory_space<semaphore_mem>>) src(%dma_wait3A_90 : memref<80x128xf32, #tpu.memory_space<vmem_shared>>) dst(%arg8 : memref<80x128xf32, #tpu.memory_space<vmem>>)
          tpu.yield
        }) : () -> ()
        "tpu.region"() ({
          %run_scoped3A = tpu.sem_alloc : memref<!tpu.dma_semaphore, #tpu.memory_space<semaphore_mem>>
          %dma_start3A = arith.constant 0 : i32
          %dma_start3A_85 = tpu.memref_slice %arg5[%arg0, %mul3A_84, %dma_start3A] : memref<2x10000x128xf32, #tpu.memory_space<hbm>> -> memref<1x80x128xf32, #tpu.memory_space<hbm>>
          %dma_start3A_86 = tpu.memref_squeeze %dma_start3A_85 : memref<1x80x128xf32, #tpu.memory_space<hbm>> -> memref<80x128xf32, #tpu.memory_space<hbm>>
          %dma_start3A_87 = arith.constant 0 : i32
          %dma_start3A_88 = tpu.memref_slice %arg5[%arg0, %mul3A_84, %dma_start3A_87] : memref<2x10000x128xf32, #tpu.memory_space<hbm>> -> memref<1x80x128xf32, #tpu.memory_space<hbm>>
          %dma_start3A_89 = tpu.memref_squeeze %dma_start3A_88 : memref<1x80x128xf32, #tpu.memory_space<hbm>> -> memref<80x128xf32, #tpu.memory_space<hbm>>
          tpu.enqueue_dma source(%arg8 : memref<80x128xf32, #tpu.memory_space<vmem>>) target(%dma_start3A_89 : memref<80x128xf32, #tpu.memory_space<hbm>>) target_semaphore(%run_scoped3A : memref<!tpu.dma_semaphore, #tpu.memory_space<semaphore_mem>>)
          %dma_wait3A = arith.constant 0 : i32
          %dma_wait3A_90 = tpu.memref_slice %arg5[%arg0, %mul3A_84, %dma_wait3A] : memref<2x10000x128xf32, #tpu.memory_space<hbm>> -> memref<1x80x128xf32, #tpu.memory_space<hbm>>
          %dma_wait3A_91 = tpu.memref_squeeze %dma_wait3A_90 : memref<1x80x128xf32, #tpu.memory_space<hbm>> -> memref<80x128xf32, #tpu.memory_space<hbm>>
          %dma_wait3A_92 = arith.constant 0 : i32
          %dma_wait3A_93 = tpu.memref_slice %arg5[%arg0, %mul3A_84, %dma_wait3A_92] : memref<2x10000x128xf32, #tpu.memory_space<hbm>> -> memref<1x80x128xf32, #tpu.memory_space<hbm>>
          %dma_wait3A_94 = tpu.memref_squeeze %dma_wait3A_93 : memref<1x80x128xf32, #tpu.memory_space<hbm>> -> memref<80x128xf32, #tpu.memory_space<hbm>>
          tpu.wait_dma2 semaphore(%run_scoped3A : memref<!tpu.dma_semaphore, #tpu.memory_space<semaphore_mem>>) src(%arg8 : memref<80x128xf32, #tpu.memory_space<vmem>>) dst(%dma_wait3A_94 : memref<80x128xf32, #tpu.memory_space<hbm>>)
          tpu.yield
        }) : () -> ()
      } else {
      }
    }
    %scan3A_33 = arith.constant 8 : i32
    %barrier3A_34 = arith.constant 0 : index
    tpu.barrier barrier_id(%barrier3A_34)
    %scan3A_35 = arith.constant 0 : i32
    %scan3A_36 = arith.constant 0 : i32
    %scan3A_37 = arith.constant 80 : i32
    %scan3A_38 = arith.addi %scan3A_36, %scan3A_37 : i32
    %scan3A_39 = arith.constant 1 : i32
    scf.for %scan3A_75 = %scan3A_36 to %scan3A_38 step %scan3A_39  : i32 {
      %broadcast_in_dim3A = arith.constant 0.000000e+00 : f32
      %broadcast_in_dim3A_76 = vector.broadcast %broadcast_in_dim3A : f32 to vector<16xf32>
      %swap3A = arith.index_cast %scan3A_75 : i32 to index
      %swap3A_77 = arith.constant 0 : index
      %swap3A_78 = tpu.vector_load %arg8[%swap3A, %swap3A_77] {strides = array<i32>} : memref<80x128xf32, #tpu.memory_space<vmem>>, vector<1x16xf32>,
      %swap3A_79 = vector.shape_cast %swap3A_78 : vector<1x16xf32> to vector<16xf32>
      %swap3A_80 = vector.shape_cast %broadcast_in_dim3A_76 : vector<16xf32> to vector<1x16xf32>
      tpu.vector_store %arg8[%swap3A, %swap3A_77], %swap3A_80 {strides = array<i32>} : memref<80x128xf32, #tpu.memory_space<vmem>>, vector<1x16xf32>,
      %broadcast_in_dim3A_81 = arith.constant 0.000000e+00 : f32
      %broadcast_in_dim3A_82 = vector.broadcast %broadcast_in_dim3A_81 : f32 to vector<16xf32>
      %swap3A_83 = arith.index_cast %scan3A_75 : i32 to index
      %swap3A_84 = arith.constant 16 : index
      %swap3A_85 = tpu.vector_load %arg8[%swap3A_83, %swap3A_84] {strides = array<i32>} : memref<80x128xf32, #tpu.memory_space<vmem>>, vector<1x16xf32>,
      %swap3A_86 = vector.shape_cast %swap3A_85 : vector<1x16xf32> to vector<16xf32>
      %swap3A_87 = vector.shape_cast %broadcast_in_dim3A_82 : vector<16xf32> to vector<1x16xf32>
      tpu.vector_store %arg8[%swap3A_83, %swap3A_84], %swap3A_87 {strides = array<i32>} : memref<80x128xf32, #tpu.memory_space<vmem>>, vector<1x16xf32>,
      %broadcast_in_dim3A_88 = arith.constant 0.000000e+00 : f32
      %broadcast_in_dim3A_89 = vector.broadcast %broadcast_in_dim3A_88 : f32 to vector<16xf32>
      %swap3A_90 = arith.index_cast %scan3A_75 : i32 to index
      %swap3A_91 = arith.constant 32 : index
      %swap3A_92 = tpu.vector_load %arg8[%swap3A_90, %swap3A_91] {strides = array<i32>} : memref<80x128xf32, #tpu.memory_space<vmem>>, vector<1x16xf32>,
      %swap3A_93 = vector.shape_cast %swap3A_92 : vector<1x16xf32> to vector<16xf32>
      %swap3A_94 = vector.shape_cast %broadcast_in_dim3A_89 : vector<16xf32> to vector<1x16xf32>
      tpu.vector_store %arg8[%swap3A_90, %swap3A_91], %swap3A_94 {strides = array<i32>} : memref<80x128xf32, #tpu.memory_space<vmem>>, vector<1x16xf32>,
      %broadcast_in_dim3A_95 = arith.constant 0.000000e+00 : f32
      %broadcast_in_dim3A_96 = vector.broadcast %broadcast_in_dim3A_95 : f32 to vector<16xf32>
      %swap3A_97 = arith.index_cast %scan3A_75 : i32 to index
      %swap3A_98 = arith.constant 48 : index
      %swap3A_99 = tpu.vector_load %arg8[%swap3A_97, %swap3A_98] {strides = array<i32>} : memref<80x128xf32, #tpu.memory_space<vmem>>, vector<1x16xf32>,
      %swap3A_100 = vector.shape_cast %swap3A_99 : vector<1x16xf32> to vector<16xf32>
      %swap3A_101 = vector.shape_cast %broadcast_in_dim3A_96 : vector<16xf32> to vector<1x16xf32>
      tpu.vector_store %arg8[%swap3A_97, %swap3A_98], %swap3A_101 {strides = array<i32>} : memref<80x128xf32, #tpu.memory_space<vmem>>, vector<1x16xf32>,
      %broadcast_in_dim3A_102 = arith.constant 0.000000e+00 : f32
      %broadcast_in_dim3A_103 = vector.broadcast %broadcast_in_dim3A_102 : f32 to vector<16xf32>
      %swap3A_104 = arith.index_cast %scan3A_75 : i32 to index
      %swap3A_105 = arith.constant 64 : index
      %swap3A_106 = tpu.vector_load %arg8[%swap3A_104, %swap3A_105] {strides = array<i32>} : memref<80x128xf32, #tpu.memory_space<vmem>>, vector<1x16xf32>,
      %swap3A_107 = vector.shape_cast %swap3A_106 : vector<1x16xf32> to vector<16xf32>
      %swap3A_108 = vector.shape_cast %broadcast_in_dim3A_103 : vector<16xf32> to vector<1x16xf32>
      tpu.vector_store %arg8[%swap3A_104, %swap3A_105], %swap3A_108 {strides = array<i32>} : memref<80x128xf32, #tpu.memory_space<vmem>>, vector<1x16xf32>,
      %broadcast_in_dim3A_109 = arith.constant 0.000000e+00 : f32
      %broadcast_in_dim3A_110 = vector.broadcast %broadcast_in_dim3A_109 : f32 to vector<16xf32>
      %swap3A_111 = arith.index_cast %scan3A_75 : i32 to index
      %swap3A_112 = arith.constant 80 : index
      %swap3A_113 = tpu.vector_load %arg8[%swap3A_111, %swap3A_112] {strides = array<i32>} : memref<80x128xf32, #tpu.memory_space<vmem>>, vector<1x16xf32>,
      %swap3A_114 = vector.shape_cast %swap3A_113 : vector<1x16xf32> to vector<16xf32>
      %swap3A_115 = vector.shape_cast %broadcast_in_dim3A_110 : vector<16xf32> to vector<1x16xf32>
      tpu.vector_store %arg8[%swap3A_111, %swap3A_112], %swap3A_115 {strides = array<i32>} : memref<80x128xf32, #tpu.memory_space<vmem>>, vector<1x16xf32>,
      %broadcast_in_dim3A_116 = arith.constant 0.000000e+00 : f32
      %broadcast_in_dim3A_117 = vector.broadcast %broadcast_in_dim3A_116 : f32 to vector<16xf32>
      %swap3A_118 = arith.index_cast %scan3A_75 : i32 to index
      %swap3A_119 = arith.constant 96 : index
      %swap3A_120 = tpu.vector_load %arg8[%swap3A_118, %swap3A_119] {strides = array<i32>} : memref<80x128xf32, #tpu.memory_space<vmem>>, vector<1x16xf32>,
      %swap3A_121 = vector.shape_cast %swap3A_120 : vector<1x16xf32> to vector<16xf32>
      %swap3A_122 = vector.shape_cast %broadcast_in_dim3A_117 : vector<16xf32> to vector<1x16xf32>
      tpu.vector_store %arg8[%swap3A_118, %swap3A_119], %swap3A_122 {strides = array<i32>} : memref<80x128xf32, #tpu.memory_space<vmem>>, vector<1x16xf32>,
      %broadcast_in_dim3A_123 = arith.constant 0.000000e+00 : f32
      %broadcast_in_dim3A_124 = vector.broadcast %broadcast_in_dim3A_123 : f32 to vector<16xf32>
      %swap3A_125 = arith.index_cast %scan3A_75 : i32 to index
      %swap3A_126 = arith.constant 112 : index
      %swap3A_127 = tpu.vector_load %arg8[%swap3A_125, %swap3A_126] {strides = array<i32>} : memref<80x128xf32, #tpu.memory_space<vmem>>, vector<1x16xf32>,
      %swap3A_128 = vector.shape_cast %swap3A_127 : vector<1x16xf32> to vector<16xf32>
      %swap3A_129 = vector.shape_cast %broadcast_in_dim3A_124 : vector<16xf32> to vector<1x16xf32>
      tpu.vector_store %arg8[%swap3A_125, %swap3A_126], %swap3A_129 {strides = array<i32>} : memref<80x128xf32, #tpu.memory_space<vmem>>, vector<1x16xf32>,
    }
    %scan3A_40 = arith.constant 80 : i32
    %scan3A_41 = arith.constant 0 : i32
    %scan3A_42 = arith.constant 0 : i32
    %scan3A_43 = arith.constant 8 : i32
    %scan3A_44 = arith.addi %scan3A_42, %scan3A_43 : i32
    %scan3A_45 = arith.constant 1 : i32
    scf.for %scan3A_75 = %scan3A_42 to %scan3A_44 step %scan3A_45  : i32 {
      %mul3A = arith.constant 16 : i32
      %mul3A_76 = arith.muli %mul3A, %scan3A_75 : i32
      %add3A_77 = arith.addi %arg1, %mul3A_76 : i32
      %lt3A_78 = arith.constant 125 : i32
      %lt3A_79 = arith.cmpi slt, %add3A_77, %lt3A_78 : i32
      %convert_element_type3A_80 = arith.extui %lt3A_79 : i1 to i32
      %cond3A_81 = arith.constant 0 : i32
      %cond3A_82 = arith.cmpi ne, %convert_element_type3A_80, %cond3A_81 : i32
      scf.if %cond3A_82 {
        %mul3A_83 = arith.constant 80 : i32
        %mul3A_84 = arith.muli %add3A_77, %mul3A_83 : i32
        "tpu.region"() ({
          %run_scoped3A = tpu.sem_alloc : memref<!tpu.dma_semaphore, #tpu.memory_space<semaphore_mem>>
          %dma_start3A = arith.constant 0 : i32
          %dma_start3A_85 = tpu.memref_slice %arg7[%mul3A_84, %dma_start3A] : memref<10000x128xf32, #tpu.memory_space<vmem_shared>> -> memref<80x128xf32, #tpu.memory_space<vmem_shared>>
          %dma_start3A_86 = arith.constant 0 : i32
          %dma_start3A_87 = tpu.memref_slice %arg7[%mul3A_84, %dma_start3A_86] : memref<10000x128xf32, #tpu.memory_space<vmem_shared>> -> memref<80x128xf32, #tpu.memory_space<vmem_shared>>
          tpu.enqueue_dma source(%arg8 : memref<80x128xf32, #tpu.memory_space<vmem>>) target(%dma_start3A_87 : memref<80x128xf32, #tpu.memory_space<vmem_shared>>) target_semaphore(%run_scoped3A : memref<!tpu.dma_semaphore, #tpu.memory_space<semaphore_mem>>)
          %dma_wait3A = arith.constant 0 : i32
          %dma_wait3A_88 = tpu.memref_slice %arg7[%mul3A_84, %dma_wait3A] : memref<10000x128xf32, #tpu.memory_space<vmem_shared>> -> memref<80x128xf32, #tpu.memory_space<vmem_shared>>
          %dma_wait3A_89 = arith.constant 0 : i32
          %dma_wait3A_90 = tpu.memref_slice %arg7[%mul3A_84, %dma_wait3A_89] : memref<10000x128xf32, #tpu.memory_space<vmem_shared>> -> memref<80x128xf32, #tpu.memory_space<vmem_shared>>
          tpu.wait_dma2 semaphore(%run_scoped3A : memref<!tpu.dma_semaphore, #tpu.memory_space<semaphore_mem>>) src(%arg8 : memref<80x128xf32, #tpu.memory_space<vmem>>) dst(%dma_wait3A_90 : memref<80x128xf32, #tpu.memory_space<vmem_shared>>)
          tpu.yield
        }) : () -> ()
      } else {
      }
    }
    %scan3A_46 = arith.constant 8 : i32
    %barrier3A_47 = arith.constant 0 : index
    tpu.barrier barrier_id(%barrier3A_47)
    %add3A_48 = arith.constant 0 : i32
    %add3A_49 = arith.addi %arg1, %add3A_48 : i32
    %lt3A_50 = arith.constant 1250 : i32
    %lt3A_51 = arith.cmpi slt, %add3A_49, %lt3A_50 : i32
    %convert_element_type3A_52 = arith.extui %lt3A_51 : i1 to i32
    %cond3A_53 = arith.constant 0 : i32
    %cond3A_54 = arith.cmpi ne, %convert_element_type3A_52, %cond3A_53 : i32
    scf.if %cond3A_54 {
      %mul3A = arith.constant 160000 : i32
      %mul3A_75 = arith.muli %arg0, %mul3A : i32
      %mul3A_76 = arith.constant 128 : i32
      %mul3A_77 = arith.muli %add3A_49, %mul3A_76 : i32
      %add3A_78 = arith.addi %mul3A_75, %mul3A_77 : i32
      %dma_start3A = arith.constant 0 : i32
      %dma_start3A_79 = arith.constant 0 : i32
      %dma_start3A_80 = tpu.memref_slice %arg9[%dma_start3A, %dma_start3A_79] : memref<2x128xi32, #tpu.memory_space<vmem>> -> memref<1x128xi32, #tpu.memory_space<vmem>>
      %dma_start3A_81 = tpu.memref_squeeze %dma_start3A_80 : memref<1x128xi32, #tpu.memory_space<vmem>> -> memref<128xi32, #tpu.memory_space<vmem>>
      %dma_start3A_82 = tpu.memref_slice %arg4[%add3A_78] : memref<320000xi32, #tpu.memory_space<hbm>> -> memref<128xi32, #tpu.memory_space<hbm>>
      %dma_start3A_83 = arith.constant 0 : i32
      %dma_start3A_84 = tpu.memref_slice %arg9[%dma_start3A, %dma_start3A_83] : memref<2x128xi32, #tpu.memory_space<vmem>> -> memref<1x128xi32, #tpu.memory_space<vmem>>
      %dma_start3A_85 = tpu.memref_squeeze %dma_start3A_84 : memref<1x128xi32, #tpu.memory_space<vmem>> -> memref<128xi32, #tpu.memory_space<vmem>>
      %dma_start3A_86 = tpu.memref_slice %arg4[%add3A_78] : memref<320000xi32, #tpu.memory_space<hbm>> -> memref<128xi32, #tpu.memory_space<hbm>>
      tpu.enqueue_dma source(%dma_start3A_86 : memref<128xi32, #tpu.memory_space<hbm>>) target(%dma_start3A_85 : memref<128xi32, #tpu.memory_space<vmem>>) target_semaphore(%arg11 : memref<!tpu.dma_semaphore, #tpu.memory_space<semaphore_mem>>)
      %dma_start3A_87 = arith.constant 0 : i32
      %dma_start3A_88 = arith.constant 0 : i32
      %dma_start3A_89 = arith.constant 0 : i32
      %dma_start3A_90 = tpu.memref_slice %arg10[%dma_start3A_87, %dma_start3A_88, %dma_start3A_89] : memref<2x128x128xf32, #tpu.memory_space<vmem>> -> memref<1x128x128xf32, #tpu.memory_space<vmem>>
      %dma_start3A_91 = tpu.memref_squeeze %dma_start3A_90 : memref<1x128x128xf32, #tpu.memory_space<vmem>> -> memref<128x128xf32, #tpu.memory_space<vmem>>
      %dma_start3A_92 = arith.constant 0 : i32
      %dma_start3A_93 = tpu.memref_slice %arg3[%add3A_78, %dma_start3A_92] : memref<320000x128xf32, #tpu.memory_space<hbm>> -> memref<128x128xf32, #tpu.memory_space<hbm>>
      %dma_start3A_94 = arith.constant 0 : i32
      %dma_start3A_95 = arith.constant 0 : i32
      %dma_start3A_96 = tpu.memref_slice %arg10[%dma_start3A_87, %dma_start3A_94, %dma_start3A_95] : memref<2x128x128xf32, #tpu.memory_space<vmem>> -> memref<1x128x128xf32, #tpu.memory_space<vmem>>
      %dma_start3A_97 = tpu.memref_squeeze %dma_start3A_96 : memref<1x128x128xf32, #tpu.memory_space<vmem>> -> memref<128x128xf32, #tpu.memory_space<vmem>>
      %dma_start3A_98 = arith.constant 0 : i32
      %dma_start3A_99 = tpu.memref_slice %arg3[%add3A_78, %dma_start3A_98] : memref<320000x128xf32, #tpu.memory_space<hbm>> -> memref<128x128xf32, #tpu.memory_space<hbm>>
      tpu.enqueue_dma source(%dma_start3A_99 : memref<128x128xf32, #tpu.memory_space<hbm>>) target(%dma_start3A_97 : memref<128x128xf32, #tpu.memory_space<vmem>>) target_semaphore(%arg12 : memref<!tpu.dma_semaphore, #tpu.memory_space<semaphore_mem>>)
    } else {
    }
    %scan3A_55 = arith.constant 0 : i32
    %scan3A_56 = arith.constant 0 : i32
    %scan3A_57 = arith.constant 78 : i32
    %scan3A_58 = arith.addi %scan3A_56, %scan3A_57 : i32
    %scan3A_59 = arith.constant 1 : i32
    scf.for %scan3A_75 = %scan3A_56 to %scan3A_58 step %scan3A_59  : i32 {
      %add3A_76 = arith.constant 1 : i32
      %add3A_77 = arith.addi %scan3A_75, %add3A_76 : i32
      %and3A = arith.constant 1 : i32
      %and3A_78 = arith.andi %add3A_77, %and3A : i32
      %mul3A = arith.constant 16 : i32
      %mul3A_79 = arith.muli %mul3A, %add3A_77 : i32
      %add3A_80 = arith.addi %arg1, %mul3A_79 : i32
      %lt3A_81 = arith.constant 1250 : i32
      %lt3A_82 = arith.cmpi slt, %add3A_80, %lt3A_81 : i32
      %convert_element_type3A_83 = arith.extui %lt3A_82 : i1 to i32
      %cond3A_84 = arith.constant 0 : i32
      %cond3A_85 = arith.cmpi ne, %convert_element_type3A_83, %cond3A_84 : i32
      scf.if %cond3A_85 {
        %mul3A_96 = arith.constant 160000 : i32
        %mul3A_97 = arith.muli %arg0, %mul3A_96 : i32
        %mul3A_98 = arith.constant 128 : i32
        %mul3A_99 = arith.muli %add3A_80, %mul3A_98 : i32
        %add3A_100 = arith.addi %mul3A_97, %mul3A_99 : i32
        %dma_start3A = arith.constant 0 : i32
        %dma_start3A_101 = tpu.memref_slice %arg9[%and3A_78, %dma_start3A] : memref<2x128xi32, #tpu.memory_space<vmem>> -> memref<1x128xi32, #tpu.memory_space<vmem>>
        %dma_start3A_102 = tpu.memref_squeeze %dma_start3A_101 : memref<1x128xi32, #tpu.memory_space<vmem>> -> memref<128xi32, #tpu.memory_space<vmem>>
        %dma_start3A_103 = tpu.memref_slice %arg4[%add3A_100] : memref<320000xi32, #tpu.memory_space<hbm>> -> memref<128xi32, #tpu.memory_space<hbm>>
        %dma_start3A_104 = arith.constant 0 : i32
        %dma_start3A_105 = tpu.memref_slice %arg9[%and3A_78, %dma_start3A_104] : memref<2x128xi32, #tpu.memory_space<vmem>> -> memref<1x128xi32, #tpu.memory_space<vmem>>
        %dma_start3A_106 = tpu.memref_squeeze %dma_start3A_105 : memref<1x128xi32, #tpu.memory_space<vmem>> -> memref<128xi32, #tpu.memory_space<vmem>>
        %dma_start3A_107 = tpu.memref_slice %arg4[%add3A_100] : memref<320000xi32, #tpu.memory_space<hbm>> -> memref<128xi32, #tpu.memory_space<hbm>>
        tpu.enqueue_dma source(%dma_start3A_107 : memref<128xi32, #tpu.memory_space<hbm>>) target(%dma_start3A_106 : memref<128xi32, #tpu.memory_space<vmem>>) target_semaphore(%arg11 : memref<!tpu.dma_semaphore, #tpu.memory_space<semaphore_mem>>)
        %dma_start3A_108 = arith.constant 0 : i32
        %dma_start3A_109 = arith.constant 0 : i32
        %dma_start3A_110 = tpu.memref_slice %arg10[%and3A_78, %dma_start3A_108, %dma_start3A_109] : memref<2x128x128xf32, #tpu.memory_space<vmem>> -> memref<1x128x128xf32, #tpu.memory_space<vmem>>
        %dma_start3A_111 = tpu.memref_squeeze %dma_start3A_110 : memref<1x128x128xf32, #tpu.memory_space<vmem>> -> memref<128x128xf32, #tpu.memory_space<vmem>>
        %dma_start3A_112 = arith.constant 0 : i32
        %dma_start3A_113 = tpu.memref_slice %arg3[%add3A_100, %dma_start3A_112] : memref<320000x128xf32, #tpu.memory_space<hbm>> -> memref<128x128xf32, #tpu.memory_space<hbm>>
        %dma_start3A_114 = arith.constant 0 : i32
        %dma_start3A_115 = arith.constant 0 : i32
        %dma_start3A_116 = tpu.memref_slice %arg10[%and3A_78, %dma_start3A_114, %dma_start3A_115] : memref<2x128x128xf32, #tpu.memory_space<vmem>> -> memref<1x128x128xf32, #tpu.memory_space<vmem>>
        %dma_start3A_117 = tpu.memref_squeeze %dma_start3A_116 : memref<1x128x128xf32, #tpu.memory_space<vmem>> -> memref<128x128xf32, #tpu.memory_space<vmem>>
        %dma_start3A_118 = arith.constant 0 : i32
        %dma_start3A_119 = tpu.memref_slice %arg3[%add3A_100, %dma_start3A_118] : memref<320000x128xf32, #tpu.memory_space<hbm>> -> memref<128x128xf32, #tpu.memory_space<hbm>>
        tpu.enqueue_dma source(%dma_start3A_119 : memref<128x128xf32, #tpu.memory_space<hbm>>) target(%dma_start3A_117 : memref<128x128xf32, #tpu.memory_space<vmem>>) target_semaphore(%arg12 : memref<!tpu.dma_semaphore, #tpu.memory_space<semaphore_mem>>)
      } else {
      }
      %and3A_86 = arith.constant 1 : i32
      %and3A_87 = arith.andi %scan3A_75, %and3A_86 : i32
      %mul3A_88 = arith.constant 16 : i32
      %mul3A_89 = arith.muli %mul3A_88, %scan3A_75 : i32
      %add3A_90 = arith.addi %arg1, %mul3A_89 : i32
      %lt3A_91 = arith.constant 1250 : i32
      %lt3A_92 = arith.cmpi slt, %add3A_90, %lt3A_91 : i32
      %convert_element_type3A_93 = arith.extui %lt3A_92 : i1 to i32
      %cond3A_94 = arith.constant 0 : i32
      %cond3A_95 = arith.cmpi ne, %convert_element_type3A_93, %cond3A_94 : i32
      scf.if %cond3A_95 {
        %mul3A_96 = arith.constant 160000 : i32
        %mul3A_97 = arith.muli %arg0, %mul3A_96 : i32
        %mul3A_98 = arith.constant 128 : i32
        %mul3A_99 = arith.muli %add3A_90, %mul3A_98 : i32
        %add3A_100 = arith.addi %mul3A_97, %mul3A_99 : i32
        %dma_wait3A = arith.constant 0 : i32
        %dma_wait3A_101 = tpu.memref_slice %arg9[%and3A_87, %dma_wait3A] : memref<2x128xi32, #tpu.memory_space<vmem>> -> memref<1x128xi32, #tpu.memory_space<vmem>>
        %dma_wait3A_102 = tpu.memref_squeeze %dma_wait3A_101 : memref<1x128xi32, #tpu.memory_space<vmem>> -> memref<128xi32, #tpu.memory_space<vmem>>
        %dma_wait3A_103 = tpu.memref_slice %arg4[%add3A_100] : memref<320000xi32, #tpu.memory_space<hbm>> -> memref<128xi32, #tpu.memory_space<hbm>>
        %dma_wait3A_104 = arith.constant 0 : i32
        %dma_wait3A_105 = tpu.memref_slice %arg9[%and3A_87, %dma_wait3A_104] : memref<2x128xi32, #tpu.memory_space<vmem>> -> memref<1x128xi32, #tpu.memory_space<vmem>>
        %dma_wait3A_106 = tpu.memref_squeeze %dma_wait3A_105 : memref<1x128xi32, #tpu.memory_space<vmem>> -> memref<128xi32, #tpu.memory_space<vmem>>
        %dma_wait3A_107 = tpu.memref_slice %arg4[%add3A_100] : memref<320000xi32, #tpu.memory_space<hbm>> -> memref<128xi32, #tpu.memory_space<hbm>>
        tpu.wait_dma2 semaphore(%arg11 : memref<!tpu.dma_semaphore, #tpu.memory_space<semaphore_mem>>) src(%dma_wait3A_107 : memref<128xi32, #tpu.memory_space<hbm>>) dst(%dma_wait3A_106 : memref<128xi32, #tpu.memory_space<vmem>>)
        %dma_wait3A_108 = arith.constant 0 : i32
        %dma_wait3A_109 = arith.constant 0 : i32
        %dma_wait3A_110 = tpu.memref_slice %arg10[%and3A_87, %dma_wait3A_108, %dma_wait3A_109] : memref<2x128x128xf32, #tpu.memory_space<vmem>> -> memref<1x128x128xf32, #tpu.memory_space<vmem>>
        %dma_wait3A_111 = tpu.memref_squeeze %dma_wait3A_110 : memref<1x128x128xf32, #tpu.memory_space<vmem>> -> memref<128x128xf32, #tpu.memory_space<vmem>>
        %dma_wait3A_112 = arith.constant 0 : i32
        %dma_wait3A_113 = tpu.memref_slice %arg3[%add3A_100, %dma_wait3A_112] : memref<320000x128xf32, #tpu.memory_space<hbm>> -> memref<128x128xf32, #tpu.memory_space<hbm>>
        %dma_wait3A_114 = arith.constant 0 : i32
        %dma_wait3A_115 = arith.constant 0 : i32
        %dma_wait3A_116 = tpu.memref_slice %arg10[%and3A_87, %dma_wait3A_114, %dma_wait3A_115] : memref<2x128x128xf32, #tpu.memory_space<vmem>> -> memref<1x128x128xf32, #tpu.memory_space<vmem>>
        %dma_wait3A_117 = tpu.memref_squeeze %dma_wait3A_116 : memref<1x128x128xf32, #tpu.memory_space<vmem>> -> memref<128x128xf32, #tpu.memory_space<vmem>>
        %dma_wait3A_118 = arith.constant 0 : i32
        %dma_wait3A_119 = tpu.memref_slice %arg3[%add3A_100, %dma_wait3A_118] : memref<320000x128xf32, #tpu.memory_space<hbm>> -> memref<128x128xf32, #tpu.memory_space<hbm>>
        tpu.wait_dma2 semaphore(%arg12 : memref<!tpu.dma_semaphore, #tpu.memory_space<semaphore_mem>>) src(%dma_wait3A_119 : memref<128x128xf32, #tpu.memory_space<hbm>>) dst(%dma_wait3A_117 : memref<128x128xf32, #tpu.memory_space<vmem>>)
        "tpu.region"() ({
          %run_scoped3A = tpu.sem_alloc : memref<!tpu.dma_semaphore, #tpu.memory_space<semaphore_mem>>
          %dma_start3A = arith.constant 0 : i32
          %dma_start3A_120 = arith.constant 0 : i32
          %dma_start3A_121 = tpu.memref_slice %arg10[%and3A_87, %dma_start3A, %dma_start3A_120] : memref<2x128x128xf32, #tpu.memory_space<vmem>> -> memref<1x128x128xf32, #tpu.memory_space<vmem>>
          %dma_start3A_122 = tpu.memref_squeeze %dma_start3A_121 : memref<1x128x128xf32, #tpu.memory_space<vmem>> -> memref<128x128xf32, #tpu.memory_space<vmem>>
          %dma_start3A_123 = arith.constant 0 : i32
          %dma_start3A_124 = tpu.memref_slice %arg9[%and3A_87, %dma_start3A_123] : memref<2x128xi32, #tpu.memory_space<vmem>> -> memref<1x128xi32, #tpu.memory_space<vmem>>
          %dma_start3A_125 = tpu.memref_squeeze %dma_start3A_124 : memref<1x128xi32, #tpu.memory_space<vmem>> -> memref<128xi32, #tpu.memory_space<vmem>>
          %dma_start3A_126 = arith.constant 0 : i32
          %dma_start3A_127 = arith.constant 0 : i32
          %dma_start3A_128 = tpu.memref_slice %arg7[%dma_start3A_126, %dma_start3A_127] : memref<10000x128xf32, #tpu.memory_space<vmem_shared>> -> memref<10000x128xf32, #tpu.memory_space<vmem_shared>>
          tpu.enqueue_indirect_dma source(%dma_start3A_122 : memref<128x128xf32, #tpu.memory_space<vmem>>) target(%dma_start3A_128 : memref<10000x128xf32, #tpu.memory_space<vmem_shared>>) offsets(%dma_start3A_125 : memref<128xi32, #tpu.memory_space<vmem>>) semaphore(%run_scoped3A : memref<!tpu.dma_semaphore, #tpu.memory_space<semaphore_mem>>) {add = true}
          %dma_wait3A_129 = arith.constant 0 : i32
          %dma_wait3A_130 = arith.constant 0 : i32
          %dma_wait3A_131 = tpu.memref_slice %arg10[%and3A_87, %dma_wait3A_129, %dma_wait3A_130] : memref<2x128x128xf32, #tpu.memory_space<vmem>> -> memref<1x128x128xf32, #tpu.memory_space<vmem>>
          %dma_wait3A_132 = tpu.memref_squeeze %dma_wait3A_131 : memref<1x128x128xf32, #tpu.memory_space<vmem>> -> memref<128x128xf32, #tpu.memory_space<vmem>>
          %dma_wait3A_133 = arith.constant 0 : i32
          %dma_wait3A_134 = tpu.memref_slice %arg9[%and3A_87, %dma_wait3A_133] : memref<2x128xi32, #tpu.memory_space<vmem>> -> memref<1x128xi32, #tpu.memory_space<vmem>>
          %dma_wait3A_135 = tpu.memref_squeeze %dma_wait3A_134 : memref<1x128xi32, #tpu.memory_space<vmem>> -> memref<128xi32, #tpu.memory_space<vmem>>
          %dma_wait3A_136 = arith.constant 0 : i32
          %dma_wait3A_137 = arith.constant 0 : i32
          %dma_wait3A_138 = tpu.memref_slice %arg7[%dma_wait3A_136, %dma_wait3A_137] : memref<10000x128xf32, #tpu.memory_space<vmem_shared>> -> memref<10000x128xf32, #tpu.memory_space<vmem_shared>>
          tpu.wait_indirect_dma semaphore(%run_scoped3A : memref<!tpu.dma_semaphore, #tpu.memory_space<semaphore_mem>>) src(%dma_wait3A_132 : memref<128x128xf32, #tpu.memory_space<vmem>>) dst(%dma_wait3A_138 : memref<10000x128xf32, #tpu.memory_space<vmem_shared>>)
          tpu.yield
        }) : () -> ()
      } else {
      }
    }
    %scan3A_60 = arith.constant 78 : i32
    %add3A_61 = arith.constant 1248 : i32
    %add3A_62 = arith.addi %arg1, %add3A_61 : i32
    %lt3A_63 = arith.constant 1250 : i32
    %lt3A_64 = arith.cmpi slt, %add3A_62, %lt3A_63 : i32
    %convert_element_type3A_65 = arith.extui %lt3A_64 : i1 to i32
    %cond3A_66 = arith.constant 0 : i32
    %cond3A_67 = arith.cmpi ne, %convert_element_type3A_65, %cond3A_66 : i32
    scf.if %cond3A_67 {
      %mul3A = arith.constant 160000 : i32
      %mul3A_75 = arith.muli %arg0, %mul3A : i32
      %mul3A_76 = arith.constant 128 : i32
      %mul3A_77 = arith.muli %add3A_62, %mul3A_76 : i32
      %add3A_78 = arith.addi %mul3A_75, %mul3A_77 : i32
      %dma_wait3A = arith.constant 0 : i32
      %dma_wait3A_79 = arith.constant 0 : i32
      %dma_wait3A_80 = tpu.memref_slice %arg9[%dma_wait3A, %dma_wait3A_79] : memref<2x128xi32, #tpu.memory_space<vmem>> -> memref<1x128xi32, #tpu.memory_space<vmem>>
      %dma_wait3A_81 = tpu.memref_squeeze %dma_wait3A_80 : memref<1x128xi32, #tpu.memory_space<vmem>> -> memref<128xi32, #tpu.memory_space<vmem>>
      %dma_wait3A_82 = tpu.memref_slice %arg4[%add3A_78] : memref<320000xi32, #tpu.memory_space<hbm>> -> memref<128xi32, #tpu.memory_space<hbm>>
      %dma_wait3A_83 = arith.constant 0 : i32
      %dma_wait3A_84 = tpu.memref_slice %arg9[%dma_wait3A, %dma_wait3A_83] : memref<2x128xi32, #tpu.memory_space<vmem>> -> memref<1x128xi32, #tpu.memory_space<vmem>>
      %dma_wait3A_85 = tpu.memref_squeeze %dma_wait3A_84 : memref<1x128xi32, #tpu.memory_space<vmem>> -> memref<128xi32, #tpu.memory_space<vmem>>
      %dma_wait3A_86 = tpu.memref_slice %arg4[%add3A_78] : memref<320000xi32, #tpu.memory_space<hbm>> -> memref<128xi32, #tpu.memory_space<hbm>>
      tpu.wait_dma2 semaphore(%arg11 : memref<!tpu.dma_semaphore, #tpu.memory_space<semaphore_mem>>) src(%dma_wait3A_86 : memref<128xi32, #tpu.memory_space<hbm>>) dst(%dma_wait3A_85 : memref<128xi32, #tpu.memory_space<vmem>>)
      %dma_wait3A_87 = arith.constant 0 : i32
      %dma_wait3A_88 = arith.constant 0 : i32
      %dma_wait3A_89 = arith.constant 0 : i32
      %dma_wait3A_90 = tpu.memref_slice %arg10[%dma_wait3A_87, %dma_wait3A_88, %dma_wait3A_89] : memref<2x128x128xf32, #tpu.memory_space<vmem>> -> memref<1x128x128xf32, #tpu.memory_space<vmem>>
      %dma_wait3A_91 = tpu.memref_squeeze %dma_wait3A_90 : memref<1x128x128xf32, #tpu.memory_space<vmem>> -> memref<128x128xf32, #tpu.memory_space<vmem>>
      %dma_wait3A_92 = arith.constant 0 : i32
      %dma_wait3A_93 = tpu.memref_slice %arg3[%add3A_78, %dma_wait3A_92] : memref<320000x128xf32, #tpu.memory_space<hbm>> -> memref<128x128xf32, #tpu.memory_space<hbm>>
      %dma_wait3A_94 = arith.constant 0 : i32
      %dma_wait3A_95 = arith.constant 0 : i32
      %dma_wait3A_96 = tpu.memref_slice %arg10[%dma_wait3A_87, %dma_wait3A_94, %dma_wait3A_95] : memref<2x128x128xf32, #tpu.memory_space<vmem>> -> memref<1x128x128xf32, #tpu.memory_space<vmem>>
      %dma_wait3A_97 = tpu.memref_squeeze %dma_wait3A_96 : memref<1x128x128xf32, #tpu.memory_space<vmem>> -> memref<128x128xf32, #tpu.memory_space<vmem>>
      %dma_wait3A_98 = arith.constant 0 : i32
      %dma_wait3A_99 = tpu.memref_slice %arg3[%add3A_78, %dma_wait3A_98] : memref<320000x128xf32, #tpu.memory_space<hbm>> -> memref<128x128xf32, #tpu.memory_space<hbm>>
      tpu.wait_dma2 semaphore(%arg12 : memref<!tpu.dma_semaphore, #tpu.memory_space<semaphore_mem>>) src(%dma_wait3A_99 : memref<128x128xf32, #tpu.memory_space<hbm>>) dst(%dma_wait3A_97 : memref<128x128xf32, #tpu.memory_space<vmem>>)
      %run_scoped3A = arith.constant 0 : i32
      %run_scoped3A_100 = arith.constant 0 : i32
      "tpu.region"() ({
        %run_scoped3A_101 = tpu.sem_alloc : memref<!tpu.dma_semaphore, #tpu.memory_space<semaphore_mem>>
        %dma_start3A = arith.constant 0 : i32
        %dma_start3A_102 = arith.constant 0 : i32
        %dma_start3A_103 = tpu.memref_slice %arg10[%run_scoped3A, %dma_start3A, %dma_start3A_102] : memref<2x128x128xf32, #tpu.memory_space<vmem>> -> memref<1x128x128xf32, #tpu.memory_space<vmem>>
        %dma_start3A_104 = tpu.memref_squeeze %dma_start3A_103 : memref<1x128x128xf32, #tpu.memory_space<vmem>> -> memref<128x128xf32, #tpu.memory_space<vmem>>
        %dma_start3A_105 = arith.constant 0 : i32
        %dma_start3A_106 = tpu.memref_slice %arg9[%run_scoped3A_100, %dma_start3A_105] : memref<2x128xi32, #tpu.memory_space<vmem>> -> memref<1x128xi32, #tpu.memory_space<vmem>>
        %dma_start3A_107 = tpu.memref_squeeze %dma_start3A_106 : memref<1x128xi32, #tpu.memory_space<vmem>> -> memref<128xi32, #tpu.memory_space<vmem>>
        %dma_start3A_108 = arith.constant 0 : i32
        %dma_start3A_109 = arith.constant 0 : i32
        %dma_start3A_110 = tpu.memref_slice %arg7[%dma_start3A_108, %dma_start3A_109] : memref<10000x128xf32, #tpu.memory_space<vmem_shared>> -> memref<10000x128xf32, #tpu.memory_space<vmem_shared>>
        tpu.enqueue_indirect_dma source(%dma_start3A_104 : memref<128x128xf32, #tpu.memory_space<vmem>>) target(%dma_start3A_110 : memref<10000x128xf32, #tpu.memory_space<vmem_shared>>) offsets(%dma_start3A_107 : memref<128xi32, #tpu.memory_space<vmem>>) semaphore(%run_scoped3A_101 : memref<!tpu.dma_semaphore, #tpu.memory_space<semaphore_mem>>) {add = true}
        %dma_wait3A_111 = arith.constant 0 : i32
        %dma_wait3A_112 = arith.constant 0 : i32
        %dma_wait3A_113 = tpu.memref_slice %arg10[%run_scoped3A, %dma_wait3A_111, %dma_wait3A_112] : memref<2x128x128xf32, #tpu.memory_space<vmem>> -> memref<1x128x128xf32, #tpu.memory_space<vmem>>
        %dma_wait3A_114 = tpu.memref_squeeze %dma_wait3A_113 : memref<1x128x128xf32, #tpu.memory_space<vmem>> -> memref<128x128xf32, #tpu.memory_space<vmem>>
        %dma_wait3A_115 = arith.constant 0 : i32
        %dma_wait3A_116 = tpu.memref_slice %arg9[%run_scoped3A_100, %dma_wait3A_115] : memref<2x128xi32, #tpu.memory_space<vmem>> -> memref<1x128xi32, #tpu.memory_space<vmem>>
        %dma_wait3A_117 = tpu.memref_squeeze %dma_wait3A_116 : memref<1x128xi32, #tpu.memory_space<vmem>> -> memref<128xi32, #tpu.memory_space<vmem>>
        %dma_wait3A_118 = arith.constant 0 : i32
        %dma_wait3A_119 = arith.constant 0 : i32
        %dma_wait3A_120 = tpu.memref_slice %arg7[%dma_wait3A_118, %dma_wait3A_119] : memref<10000x128xf32, #tpu.memory_space<vmem_shared>> -> memref<10000x128xf32, #tpu.memory_space<vmem_shared>>
        tpu.wait_indirect_dma semaphore(%run_scoped3A_101 : memref<!tpu.dma_semaphore, #tpu.memory_space<semaphore_mem>>) src(%dma_wait3A_114 : memref<128x128xf32, #tpu.memory_space<vmem>>) dst(%dma_wait3A_120 : memref<10000x128xf32, #tpu.memory_space<vmem_shared>>)
        tpu.yield
      }) : () -> ()
    } else {
    }
    %barrier3A_68 = arith.constant 0 : index
    tpu.barrier barrier_id(%barrier3A_68)
    %scan3A_69 = arith.constant 0 : i32
    %scan3A_70 = arith.constant 0 : i32
    %scan3A_71 = arith.constant 8 : i32
    %scan3A_72 = arith.addi %scan3A_70, %scan3A_71 : i32
    %scan3A_73 = arith.constant 1 : i32
    scf.for %scan3A_75 = %scan3A_70 to %scan3A_72 step %scan3A_73  : i32 {
      %mul3A = arith.constant 16 : i32
      %mul3A_76 = arith.muli %mul3A, %scan3A_75 : i32
      %add3A_77 = arith.addi %arg1, %mul3A_76 : i32
      %lt3A_78 = arith.constant 125 : i32
      %lt3A_79 = arith.cmpi slt, %add3A_77, %lt3A_78 : i32
      %convert_element_type3A_80 = arith.extui %lt3A_79 : i1 to i32
      %cond3A_81 = arith.constant 0 : i32
      %cond3A_82 = arith.cmpi ne, %convert_element_type3A_80, %cond3A_81 : i32
      scf.if %cond3A_82 {
        %mul3A_83 = arith.constant 80 : i32
        %mul3A_84 = arith.muli %add3A_77, %mul3A_83 : i32
        "tpu.region"() ({
          %run_scoped3A = tpu.sem_alloc : memref<!tpu.dma_semaphore, #tpu.memory_space<semaphore_mem>>
          %dma_start3A = arith.constant 0 : i32
          %dma_start3A_85 = tpu.memref_slice %arg7[%mul3A_84, %dma_start3A] : memref<10000x128xf32, #tpu.memory_space<vmem_shared>> -> memref<80x128xf32, #tpu.memory_space<vmem_shared>>
          %dma_start3A_86 = arith.constant 0 : i32
          %dma_start3A_87 = tpu.memref_slice %arg7[%mul3A_84, %dma_start3A_86] : memref<10000x128xf32, #tpu.memory_space<vmem_shared>> -> memref<80x128xf32, #tpu.memory_space<vmem_shared>>
          tpu.enqueue_dma source(%dma_start3A_87 : memref<80x128xf32, #tpu.memory_space<vmem_shared>>) target(%arg8 : memref<80x128xf32, #tpu.memory_space<vmem>>) target_semaphore(%run_scoped3A : memref<!tpu.dma_semaphore, #tpu.memory_space<semaphore_mem>>)
          %dma_wait3A = arith.constant 0 : i32
          %dma_wait3A_88 = tpu.memref_slice %arg7[%mul3A_84, %dma_wait3A] : memref<10000x128xf32, #tpu.memory_space<vmem_shared>> -> memref<80x128xf32, #tpu.memory_space<vmem_shared>>
          %dma_wait3A_89 = arith.constant 0 : i32
          %dma_wait3A_90 = tpu.memref_slice %arg7[%mul3A_84, %dma_wait3A_89] : memref<10000x128xf32, #tpu.memory_space<vmem_shared>> -> memref<80x128xf32, #tpu.memory_space<vmem_shared>>
          tpu.wait_dma2 semaphore(%run_scoped3A : memref<!tpu.dma_semaphore, #tpu.memory_space<semaphore_mem>>) src(%dma_wait3A_90 : memref<80x128xf32, #tpu.memory_space<vmem_shared>>) dst(%arg8 : memref<80x128xf32, #tpu.memory_space<vmem>>)
          tpu.yield
        }) : () -> ()
        "tpu.region"() ({
          %run_scoped3A = tpu.sem_alloc : memref<!tpu.dma_semaphore, #tpu.memory_space<semaphore_mem>>
          %dma_start3A = arith.constant 0 : i32
          %dma_start3A_85 = tpu.memref_slice %arg6[%arg0, %mul3A_84, %dma_start3A] : memref<2x10000x128xf32, #tpu.memory_space<hbm>> -> memref<1x80x128xf32, #tpu.memory_space<hbm>>
          %dma_start3A_86 = tpu.memref_squeeze %dma_start3A_85 : memref<1x80x128xf32, #tpu.memory_space<hbm>> -> memref<80x128xf32, #tpu.memory_space<hbm>>
          %dma_start3A_87 = arith.constant 0 : i32
          %dma_start3A_88 = tpu.memref_slice %arg6[%arg0, %mul3A_84, %dma_start3A_87] : memref<2x10000x128xf32, #tpu.memory_space<hbm>> -> memref<1x80x128xf32, #tpu.memory_space<hbm>>
          %dma_start3A_89 = tpu.memref_squeeze %dma_start3A_88 : memref<1x80x128xf32, #tpu.memory_space<hbm>> -> memref<80x128xf32, #tpu.memory_space<hbm>>
          tpu.enqueue_dma source(%arg8 : memref<80x128xf32, #tpu.memory_space<vmem>>) target(%dma_start3A_89 : memref<80x128xf32, #tpu.memory_space<hbm>>) target_semaphore(%run_scoped3A : memref<!tpu.dma_semaphore, #tpu.memory_space<semaphore_mem>>)
          %dma_wait3A = arith.constant 0 : i32
          %dma_wait3A_90 = tpu.memref_slice %arg6[%arg0, %mul3A_84, %dma_wait3A] : memref<2x10000x128xf32, #tpu.memory_space<hbm>> -> memref<1x80x128xf32, #tpu.memory_space<hbm>>
          %dma_wait3A_91 = tpu.memref_squeeze %dma_wait3A_90 : memref<1x80x128xf32, #tpu.memory_space<hbm>> -> memref<80x128xf32, #tpu.memory_space<hbm>>
          %dma_wait3A_92 = arith.constant 0 : i32
          %dma_wait3A_93 = tpu.memref_slice %arg6[%arg0, %mul3A_84, %dma_wait3A_92] : memref<2x10000x128xf32, #tpu.memory_space<hbm>> -> memref<1x80x128xf32, #tpu.memory_space<hbm>>
          %dma_wait3A_94 = tpu.memref_squeeze %dma_wait3A_93 : memref<1x80x128xf32, #tpu.memory_space<hbm>> -> memref<80x128xf32, #tpu.memory_space<hbm>>
          tpu.wait_dma2 semaphore(%run_scoped3A : memref<!tpu.dma_semaphore, #tpu.memory_space<semaphore_mem>>) src(%arg8 : memref<80x128xf32, #tpu.memory_space<vmem>>) dst(%dma_wait3A_94 : memref<80x128xf32, #tpu.memory_space<hbm>>)
          tpu.yield
        }) : () -> ()
      } else {
      }
    }
    %scan3A_74 = arith.constant 8 : i32
    return
  }
}

module attributes {stable_mosaic.version = 14 : i64} {
  func.func @_rpe_body(%arg0: i32, %arg1: memref<400x64xf32, #tpu.memory_space<vmem>>, %arg2: memref<64x128xf32, #tpu.memory_space<vmem>>, %arg3: memref<1x128xf32, #tpu.memory_space<vmem>>, %arg4: memref<1x128xf32, #tpu.memory_space<vmem>>, %arg5: memref<1x128xf32, #tpu.memory_space<vmem>>, %arg6: memref<400x128xf32, #tpu.memory_space<vmem>>) attributes {dimension_semantics = [#tpu.dimension_semantics<arbitrary>], iteration_bounds = array<i64: 200>, scalar_prefetch = 0 : i64, scratch_operands = 0 : i64, tpu.core_type = #tpu.core_type<tc>, window_params = [{transform_indices = @transform_0, window_bounds = array<i64: 400, 64>}, {pipeline_mode = #tpu.pipeline_mode<synchronous>, transform_indices = @transform_1, window_bounds = array<i64: 64, 128>}, {pipeline_mode = #tpu.pipeline_mode<synchronous>, transform_indices = @transform_2, window_bounds = array<i64: 1, 128>}, {pipeline_mode = #tpu.pipeline_mode<synchronous>, transform_indices = @transform_3, window_bounds = array<i64: 1, 128>}, {pipeline_mode = #tpu.pipeline_mode<synchronous>, transform_indices = @transform_4, window_bounds = array<i64: 1, 128>}, {transform_indices = @transform_5, window_bounds = array<i64: 400, 128>}]} {
    %get3A = arith.constant 0 : index
    %get3A_0 = arith.constant 0 : index
    %get3A_1 = vector.load %arg1[%get3A, %get3A_0] : memref<400x64xf32, #tpu.memory_space<vmem>>, vector<400x64xf32>
    %get3A_2 = arith.constant 0 : index
    %get3A_3 = arith.constant 0 : index
    %get3A_4 = vector.load %arg2[%get3A_2, %get3A_3] : memref<64x128xf32, #tpu.memory_space<vmem>>, vector<64x128xf32>
    %dot_general3A = arith.constant dense<0.000000e+00> : vector<400x128xf32>
    %dot_general3A_5 = tpu.matmul %get3A_1, %get3A_4, %dot_general3A {dimension_numbers = #tpu.dot_dimension_numbers<[1], [0], [0], [1], [0, 0, 1, 1], [], []>, transpose_lhs_hint = false} : vector<400x64xf32>, vector<64x128xf32>, vector<400x128xf32> -> vector<400x128xf32>
    %get3A_6 = arith.constant 0 : index
    %get3A_7 = arith.constant 0 : index
    %get3A_8 = vector.load %arg3[%get3A_6, %get3A_7] : memref<1x128xf32, #tpu.memory_space<vmem>>, vector<1x128xf32>
    %add3A = vector.broadcast %get3A_8 : vector<1x128xf32> to vector<400x128xf32>
    %add3A_9 = arith.addf %dot_general3A_5, %add3A : vector<400x128xf32>
    %get3A_10 = arith.constant 0 : index
    %get3A_11 = arith.constant 0 : index
    %get3A_12 = vector.load %arg4[%get3A_10, %get3A_11] : memref<1x128xf32, #tpu.memory_space<vmem>>, vector<1x128xf32>
    %get3A_13 = arith.constant 0 : index
    %get3A_14 = arith.constant 0 : index
    %get3A_15 = vector.load %arg5[%get3A_13, %get3A_14] : memref<1x128xf32, #tpu.memory_space<vmem>>, vector<1x128xf32>
    %reduce_sum3A = arith.constant dense<0.000000e+00> : vector<400xf32>
    %reduce_sum3A_16 = vector.multi_reduction <add>, %add3A_9, %reduce_sum3A [1] : vector<400x128xf32> to vector<400xf32>
    %broadcast_in_dim3A = vector.shape_cast %reduce_sum3A_16 : vector<400xf32> to vector<400x1xf32>
    %div3A = arith.constant 1.280000e+02 : f32
    %div3A_17 = vector.broadcast %div3A : f32 to vector<400x1xf32>
    %div3A_18 = arith.divf %broadcast_in_dim3A, %div3A_17 : vector<400x1xf32>
    %sub3A = vector.broadcast %div3A_18 : vector<400x1xf32> to vector<400x128xf32>
    %sub3A_19 = arith.subf %add3A_9, %sub3A : vector<400x128xf32>
    %integer_pow3A = arith.mulf %sub3A_19, %sub3A_19 : vector<400x128xf32>
    %reduce_sum3A_20 = arith.constant dense<0.000000e+00> : vector<400xf32>
    %reduce_sum3A_21 = vector.multi_reduction <add>, %integer_pow3A, %reduce_sum3A_20 [1] : vector<400x128xf32> to vector<400xf32>
    %broadcast_in_dim3A_22 = vector.shape_cast %reduce_sum3A_21 : vector<400xf32> to vector<400x1xf32>
    %div3A_23 = arith.constant 1.280000e+02 : f32
    %div3A_24 = vector.broadcast %div3A_23 : f32 to vector<400x1xf32>
    %div3A_25 = arith.divf %broadcast_in_dim3A_22, %div3A_24 : vector<400x1xf32>
    %sub3A_26 = vector.broadcast %div3A_18 : vector<400x1xf32> to vector<400x128xf32>
    %sub3A_27 = arith.subf %add3A_9, %sub3A_26 : vector<400x128xf32>
    %mul3A = vector.broadcast %get3A_12 : vector<1x128xf32> to vector<400x128xf32>
    %mul3A_28 = arith.mulf %mul3A, %sub3A_27 : vector<400x128xf32>
    %add3A_29 = arith.constant 9.99999974E-6 : f32
    %add3A_30 = vector.broadcast %add3A_29 : f32 to vector<400x1xf32>
    %add3A_31 = arith.addf %div3A_25, %add3A_30 : vector<400x1xf32>
    %sqrt3A = math.sqrt %add3A_31 : vector<400x1xf32>
    %div3A_32 = vector.broadcast %sqrt3A : vector<400x1xf32> to vector<400x128xf32>
    %div3A_33 = arith.divf %mul3A_28, %div3A_32 : vector<400x128xf32>
    %add3A_34 = vector.broadcast %get3A_15 : vector<1x128xf32> to vector<400x128xf32>
    %add3A_35 = arith.addf %div3A_33, %add3A_34 : vector<400x128xf32>
    %max3A = arith.constant 0.000000e+00 : f32
    %max3A_36 = vector.broadcast %max3A : f32 to vector<400x128xf32>
    %max3A_37 = arith.maximumf %add3A_35, %max3A_36 : vector<400x128xf32>
    %swap3A = arith.constant 0 : index
    %swap3A_38 = arith.constant 0 : index
    %swap3A_39 = vector.load %arg6[%swap3A, %swap3A_38] : memref<400x128xf32, #tpu.memory_space<vmem>>, vector<400x128xf32>
    tpu.vector_store %arg6[%swap3A, %swap3A_38], %max3A_37 {strides = array<i32>} : memref<400x128xf32, #tpu.memory_space<vmem>>, vector<400x128xf32>,
    return
  }
  func.func @transform_0(%arg0: i32) -> (i32, i32) {
    %c0_i32 = arith.constant 0 : i32
    %c0_i32_0 = arith.constant 0 : i32
    return %arg0, %c0_i32 : i32, i32
  }
  func.func @transform_1(%arg0: i32) -> (i32, i32) {
    %c0_i32 = arith.constant 0 : i32
    %c0_i32_0 = arith.constant 0 : i32
    %c0_i32_1 = arith.constant 0 : i32
    return %c0_i32, %c0_i32_0 : i32, i32
  }
  func.func @transform_2(%arg0: i32) -> (i32, i32) {
    %c0_i32 = arith.constant 0 : i32
    %c0_i32_0 = arith.constant 0 : i32
    %c0_i32_1 = arith.constant 0 : i32
    return %c0_i32, %c0_i32_0 : i32, i32
  }
  func.func @transform_3(%arg0: i32) -> (i32, i32) {
    %c0_i32 = arith.constant 0 : i32
    %c0_i32_0 = arith.constant 0 : i32
    %c0_i32_1 = arith.constant 0 : i32
    return %c0_i32, %c0_i32_0 : i32, i32
  }
  func.func @transform_4(%arg0: i32) -> (i32, i32) {
    %c0_i32 = arith.constant 0 : i32
    %c0_i32_0 = arith.constant 0 : i32
    %c0_i32_1 = arith.constant 0 : i32
    return %c0_i32, %c0_i32_0 : i32, i32
  }
  func.func @transform_5(%arg0: i32) -> (i32, i32) {
    %c0_i32 = arith.constant 0 : i32
    %c0_i32_0 = arith.constant 0 : i32
    return %arg0, %c0_i32 : i32, i32
  }
}

module attributes {stable_mosaic.version = 14 : i64} {
  func.func @_edge_body(%arg0: i32, %arg1: memref<2560x128xf32, #tpu.memory_space<vmem>>, %arg2: memref<2560x128xf32, #tpu.memory_space<vmem>>, %arg3: memref<2560x128xf32, #tpu.memory_space<vmem>>, %arg4: memref<128x384xf32, #tpu.memory_space<vmem>>, %arg5: memref<128x256xf32, #tpu.memory_space<vmem>>, %arg6: memref<128x128xf32, #tpu.memory_space<vmem>>, %arg7: memref<1x128xf32, #tpu.memory_space<vmem>>, %arg8: memref<1x128xf32, #tpu.memory_space<vmem>>, %arg9: memref<1x128xf32, #tpu.memory_space<vmem>>, %arg10: memref<128x128xf32, #tpu.memory_space<vmem>>, %arg11: memref<1x128xf32, #tpu.memory_space<vmem>>, %arg12: memref<1x128xf32, #tpu.memory_space<vmem>>, %arg13: memref<1x128xf32, #tpu.memory_space<vmem>>, %arg14: memref<1x128xf32, #tpu.memory_space<vmem>>, %arg15: memref<1x128xf32, #tpu.memory_space<vmem>>, %arg16: memref<128x128xf32, #tpu.memory_space<vmem>>, %arg17: memref<1x128xf32, #tpu.memory_space<vmem>>, %arg18: memref<1x128xf32, #tpu.memory_space<vmem>>, %arg19: memref<1x128xf32, #tpu.memory_space<vmem>>, %arg20: memref<128x256xf32, #tpu.memory_space<vmem>>, %arg21: memref<128x128xf32, #tpu.memory_space<vmem>>, %arg22: memref<2560x128xf32, #tpu.memory_space<vmem>>, %arg23: memref<2560x128xf32, #tpu.memory_space<vmem>>) attributes {dimension_semantics = [#tpu.dimension_semantics<arbitrary>], iteration_bounds = array<i64: 125>, scalar_prefetch = 0 : i64, scratch_operands = 0 : i64, tpu.core_type = #tpu.core_type<tc>, window_params = [{transform_indices = @transform_0, window_bounds = array<i64: 2560, 128>}, {transform_indices = @transform_1, window_bounds = array<i64: 2560, 128>}, {transform_indices = @transform_2, window_bounds = array<i64: 2560, 128>}, {pipeline_mode = #tpu.pipeline_mode<synchronous>, transform_indices = @transform_3, window_bounds = array<i64: 128, 384>}, {pipeline_mode = #tpu.pipeline_mode<synchronous>, transform_indices = @transform_4, window_bounds = array<i64: 128, 256>}, {pipeline_mode = #tpu.pipeline_mode<synchronous>, transform_indices = @transform_5, window_bounds = array<i64: 128, 128>}, {pipeline_mode = #tpu.pipeline_mode<synchronous>, transform_indices = @transform_6, window_bounds = array<i64: 1, 128>}, {pipeline_mode = #tpu.pipeline_mode<synchronous>, transform_indices = @transform_7, window_bounds = array<i64: 1, 128>}, {pipeline_mode = #tpu.pipeline_mode<synchronous>, transform_indices = @transform_8, window_bounds = array<i64: 1, 128>}, {pipeline_mode = #tpu.pipeline_mode<synchronous>, transform_indices = @transform_9, window_bounds = array<i64: 128, 128>}, {pipeline_mode = #tpu.pipeline_mode<synchronous>, transform_indices = @transform_10, window_bounds = array<i64: 1, 128>}, {pipeline_mode = #tpu.pipeline_mode<synchronous>, transform_indices = @transform_11, window_bounds = array<i64: 1, 128>}, {pipeline_mode = #tpu.pipeline_mode<synchronous>, transform_indices = @transform_12, window_bounds = array<i64: 1, 128>}, {pipeline_mode = #tpu.pipeline_mode<synchronous>, transform_indices = @transform_13, window_bounds = array<i64: 1, 128>}, {pipeline_mode = #tpu.pipeline_mode<synchronous>, transform_indices = @transform_14, window_bounds = array<i64: 1, 128>}, {pipeline_mode = #tpu.pipeline_mode<synchronous>, transform_indices = @transform_15, window_bounds = array<i64: 128, 128>}, {pipeline_mode = #tpu.pipeline_mode<synchronous>, transform_indices = @transform_16, window_bounds = array<i64: 1, 128>}, {pipeline_mode = #tpu.pipeline_mode<synchronous>, transform_indices = @transform_17, window_bounds = array<i64: 1, 128>}, {pipeline_mode = #tpu.pipeline_mode<synchronous>, transform_indices = @transform_18, window_bounds = array<i64: 1, 128>}, {pipeline_mode = #tpu.pipeline_mode<synchronous>, transform_indices = @transform_19, window_bounds = array<i64: 128, 256>}, {pipeline_mode = #tpu.pipeline_mode<synchronous>, transform_indices = @transform_20, window_bounds = array<i64: 128, 128>}, {transform_indices = @transform_21, window_bounds = array<i64: 2560, 128>}, {transform_indices = @transform_22, window_bounds = array<i64: 2560, 128>}]} {
    %get3A = arith.constant 0 : index
    %get3A_0 = arith.constant 0 : index
    %get3A_1 = vector.load %arg1[%get3A, %get3A_0] : memref<2560x128xf32, #tpu.memory_space<vmem>>, vector<2560x128xf32>
    %get3A_2 = arith.constant 0 : index
    %get3A_3 = arith.constant 0 : index
    %get3A_4 = vector.load %arg2[%get3A_2, %get3A_3] : memref<2560x128xf32, #tpu.memory_space<vmem>>, vector<2560x128xf32>
    %get3A_5 = arith.constant 0 : index
    %get3A_6 = arith.constant 0 : index
    %get3A_7 = vector.load %arg3[%get3A_5, %get3A_6] : memref<2560x128xf32, #tpu.memory_space<vmem>>, vector<2560x128xf32>
    %get3A_8 = arith.constant 0 : index
    %get3A_9 = arith.constant 0 : index
    %get3A_10 = vector.load %arg4[%get3A_8, %get3A_9] : memref<128x384xf32, #tpu.memory_space<vmem>>, vector<128x384xf32>
    %dot_general3A = arith.constant dense<0.000000e+00> : vector<2560x384xf32>
    %dot_general3A_11 = tpu.matmul %get3A_1, %get3A_10, %dot_general3A {dimension_numbers = #tpu.dot_dimension_numbers<[1], [0], [0], [1], [0, 0, 1, 1], [], []>, transpose_lhs_hint = false} : vector<2560x128xf32>, vector<128x384xf32>, vector<2560x384xf32> -> vector<2560x384xf32>
    %get3A_12 = arith.constant 0 : index
    %get3A_13 = arith.constant 0 : index
    %get3A_14 = vector.load %arg5[%get3A_12, %get3A_13] : memref<128x256xf32, #tpu.memory_space<vmem>>, vector<128x256xf32>
    %dot_general3A_15 = arith.constant dense<0.000000e+00> : vector<2560x256xf32>
    %dot_general3A_16 = tpu.matmul %get3A_4, %get3A_14, %dot_general3A_15 {dimension_numbers = #tpu.dot_dimension_numbers<[1], [0], [0], [1], [0, 0, 1, 1], [], []>, transpose_lhs_hint = false} : vector<2560x128xf32>, vector<128x256xf32>, vector<2560x256xf32> -> vector<2560x256xf32>
    %slice3A = vector.extract_strided_slice %dot_general3A_11 {offsets = [0, 0], sizes = [2560, 128], strides = [1, 1]} : vector<2560x384xf32> to vector<2560x128xf32>
    %slice3A_17 = vector.extract_strided_slice %dot_general3A_16 {offsets = [0, 0], sizes = [2560, 128], strides = [1, 1]} : vector<2560x256xf32> to vector<2560x128xf32>
    %add3A = arith.addf %slice3A, %slice3A_17 : vector<2560x128xf32>
    %get3A_18 = arith.constant 0 : index
    %get3A_19 = arith.constant 0 : index
    %get3A_20 = vector.load %arg6[%get3A_18, %get3A_19] : memref<128x128xf32, #tpu.memory_space<vmem>>, vector<128x128xf32>
    %dot_general3A_21 = arith.constant dense<0.000000e+00> : vector<2560x128xf32>
    %dot_general3A_22 = tpu.matmul %get3A_7, %get3A_20, %dot_general3A_21 {dimension_numbers = #tpu.dot_dimension_numbers<[1], [0], [0], [1], [0, 0, 1, 1], [], []>, transpose_lhs_hint = false} : vector<2560x128xf32>, vector<128x128xf32>, vector<2560x128xf32> -> vector<2560x128xf32>
    %add3A_23 = arith.addf %add3A, %dot_general3A_22 : vector<2560x128xf32>
    %get3A_24 = arith.constant 0 : index
    %get3A_25 = arith.constant 0 : index
    %get3A_26 = vector.load %arg7[%get3A_24, %get3A_25] : memref<1x128xf32, #tpu.memory_space<vmem>>, vector<1x128xf32>
    %add3A_27 = vector.broadcast %get3A_26 : vector<1x128xf32> to vector<2560x128xf32>
    %add3A_28 = arith.addf %add3A_23, %add3A_27 : vector<2560x128xf32>
    %get3A_29 = arith.constant 0 : index
    %get3A_30 = arith.constant 0 : index
    %get3A_31 = vector.load %arg8[%get3A_29, %get3A_30] : memref<1x128xf32, #tpu.memory_space<vmem>>, vector<1x128xf32>
    %get3A_32 = arith.constant 0 : index
    %get3A_33 = arith.constant 0 : index
    %get3A_34 = vector.load %arg9[%get3A_32, %get3A_33] : memref<1x128xf32, #tpu.memory_space<vmem>>, vector<1x128xf32>
    %reduce_sum3A = arith.constant dense<0.000000e+00> : vector<2560xf32>
    %reduce_sum3A_35 = vector.multi_reduction <add>, %add3A_28, %reduce_sum3A [1] : vector<2560x128xf32> to vector<2560xf32>
    %broadcast_in_dim3A = vector.shape_cast %reduce_sum3A_35 : vector<2560xf32> to vector<2560x1xf32>
    %div3A = arith.constant 1.280000e+02 : f32
    %div3A_36 = vector.broadcast %div3A : f32 to vector<2560x1xf32>
    %div3A_37 = arith.divf %broadcast_in_dim3A, %div3A_36 : vector<2560x1xf32>
    %sub3A = vector.broadcast %div3A_37 : vector<2560x1xf32> to vector<2560x128xf32>
    %sub3A_38 = arith.subf %add3A_28, %sub3A : vector<2560x128xf32>
    %integer_pow3A = arith.mulf %sub3A_38, %sub3A_38 : vector<2560x128xf32>
    %reduce_sum3A_39 = arith.constant dense<0.000000e+00> : vector<2560xf32>
    %reduce_sum3A_40 = vector.multi_reduction <add>, %integer_pow3A, %reduce_sum3A_39 [1] : vector<2560x128xf32> to vector<2560xf32>
    %broadcast_in_dim3A_41 = vector.shape_cast %reduce_sum3A_40 : vector<2560xf32> to vector<2560x1xf32>
    %div3A_42 = arith.constant 1.280000e+02 : f32
    %div3A_43 = vector.broadcast %div3A_42 : f32 to vector<2560x1xf32>
    %div3A_44 = arith.divf %broadcast_in_dim3A_41, %div3A_43 : vector<2560x1xf32>
    %sub3A_45 = vector.broadcast %div3A_37 : vector<2560x1xf32> to vector<2560x128xf32>
    %sub3A_46 = arith.subf %add3A_28, %sub3A_45 : vector<2560x128xf32>
    %mul3A = vector.broadcast %get3A_31 : vector<1x128xf32> to vector<2560x128xf32>
    %mul3A_47 = arith.mulf %mul3A, %sub3A_46 : vector<2560x128xf32>
    %add3A_48 = arith.constant 9.99999974E-6 : f32
    %add3A_49 = vector.broadcast %add3A_48 : f32 to vector<2560x1xf32>
    %add3A_50 = arith.addf %div3A_44, %add3A_49 : vector<2560x1xf32>
    %sqrt3A = math.sqrt %add3A_50 : vector<2560x1xf32>
    %div3A_51 = vector.broadcast %sqrt3A : vector<2560x1xf32> to vector<2560x128xf32>
    %div3A_52 = arith.divf %mul3A_47, %div3A_51 : vector<2560x128xf32>
    %add3A_53 = vector.broadcast %get3A_34 : vector<1x128xf32> to vector<2560x128xf32>
    %add3A_54 = arith.addf %div3A_52, %add3A_53 : vector<2560x128xf32>
    %max3A = arith.constant 0.000000e+00 : f32
    %max3A_55 = vector.broadcast %max3A : f32 to vector<2560x128xf32>
    %max3A_56 = arith.maximumf %add3A_54, %max3A_55 : vector<2560x128xf32>
    %get3A_57 = arith.constant 0 : index
    %get3A_58 = arith.constant 0 : index
    %get3A_59 = vector.load %arg10[%get3A_57, %get3A_58] : memref<128x128xf32, #tpu.memory_space<vmem>>, vector<128x128xf32>
    %dot_general3A_60 = arith.constant dense<0.000000e+00> : vector<2560x128xf32>
    %dot_general3A_61 = tpu.matmul %max3A_56, %get3A_59, %dot_general3A_60 {dimension_numbers = #tpu.dot_dimension_numbers<[1], [0], [0], [1], [0, 0, 1, 1], [], []>, transpose_lhs_hint = false} : vector<2560x128xf32>, vector<128x128xf32>, vector<2560x128xf32> -> vector<2560x128xf32>
    %get3A_62 = arith.constant 0 : index
    %get3A_63 = arith.constant 0 : index
    %get3A_64 = vector.load %arg11[%get3A_62, %get3A_63] : memref<1x128xf32, #tpu.memory_space<vmem>>, vector<1x128xf32>
    %add3A_65 = vector.broadcast %get3A_64 : vector<1x128xf32> to vector<2560x128xf32>
    %add3A_66 = arith.addf %dot_general3A_61, %add3A_65 : vector<2560x128xf32>
    %get3A_67 = arith.constant 0 : index
    %get3A_68 = arith.constant 0 : index
    %get3A_69 = vector.load %arg12[%get3A_67, %get3A_68] : memref<1x128xf32, #tpu.memory_space<vmem>>, vector<1x128xf32>
    %get3A_70 = arith.constant 0 : index
    %get3A_71 = arith.constant 0 : index
    %get3A_72 = vector.load %arg13[%get3A_70, %get3A_71] : memref<1x128xf32, #tpu.memory_space<vmem>>, vector<1x128xf32>
    %reduce_sum3A_73 = arith.constant dense<0.000000e+00> : vector<2560xf32>
    %reduce_sum3A_74 = vector.multi_reduction <add>, %add3A_66, %reduce_sum3A_73 [1] : vector<2560x128xf32> to vector<2560xf32>
    %broadcast_in_dim3A_75 = vector.shape_cast %reduce_sum3A_74 : vector<2560xf32> to vector<2560x1xf32>
    %div3A_76 = arith.constant 1.280000e+02 : f32
    %div3A_77 = vector.broadcast %div3A_76 : f32 to vector<2560x1xf32>
    %div3A_78 = arith.divf %broadcast_in_dim3A_75, %div3A_77 : vector<2560x1xf32>
    %sub3A_79 = vector.broadcast %div3A_78 : vector<2560x1xf32> to vector<2560x128xf32>
    %sub3A_80 = arith.subf %add3A_66, %sub3A_79 : vector<2560x128xf32>
    %integer_pow3A_81 = arith.mulf %sub3A_80, %sub3A_80 : vector<2560x128xf32>
    %reduce_sum3A_82 = arith.constant dense<0.000000e+00> : vector<2560xf32>
    %reduce_sum3A_83 = vector.multi_reduction <add>, %integer_pow3A_81, %reduce_sum3A_82 [1] : vector<2560x128xf32> to vector<2560xf32>
    %broadcast_in_dim3A_84 = vector.shape_cast %reduce_sum3A_83 : vector<2560xf32> to vector<2560x1xf32>
    %div3A_85 = arith.constant 1.280000e+02 : f32
    %div3A_86 = vector.broadcast %div3A_85 : f32 to vector<2560x1xf32>
    %div3A_87 = arith.divf %broadcast_in_dim3A_84, %div3A_86 : vector<2560x1xf32>
    %sub3A_88 = vector.broadcast %div3A_78 : vector<2560x1xf32> to vector<2560x128xf32>
    %sub3A_89 = arith.subf %add3A_66, %sub3A_88 : vector<2560x128xf32>
    %mul3A_90 = vector.broadcast %get3A_69 : vector<1x128xf32> to vector<2560x128xf32>
    %mul3A_91 = arith.mulf %mul3A_90, %sub3A_89 : vector<2560x128xf32>
    %add3A_92 = arith.constant 9.99999974E-6 : f32
    %add3A_93 = vector.broadcast %add3A_92 : f32 to vector<2560x1xf32>
    %add3A_94 = arith.addf %div3A_87, %add3A_93 : vector<2560x1xf32>
    %sqrt3A_95 = math.sqrt %add3A_94 : vector<2560x1xf32>
    %div3A_96 = vector.broadcast %sqrt3A_95 : vector<2560x1xf32> to vector<2560x128xf32>
    %div3A_97 = arith.divf %mul3A_91, %div3A_96 : vector<2560x128xf32>
    %add3A_98 = vector.broadcast %get3A_72 : vector<1x128xf32> to vector<2560x128xf32>
    %add3A_99 = arith.addf %div3A_97, %add3A_98 : vector<2560x128xf32>
    %max3A_100 = arith.constant 0.000000e+00 : f32
    %max3A_101 = vector.broadcast %max3A_100 : f32 to vector<2560x128xf32>
    %max3A_102 = arith.maximumf %add3A_99, %max3A_101 : vector<2560x128xf32>
    %add3A_103 = arith.addf %get3A_7, %max3A_102 : vector<2560x128xf32>
    %get3A_104 = arith.constant 0 : index
    %get3A_105 = arith.constant 0 : index
    %get3A_106 = vector.load %arg14[%get3A_104, %get3A_105] : memref<1x128xf32, #tpu.memory_space<vmem>>, vector<1x128xf32>
    %get3A_107 = arith.constant 0 : index
    %get3A_108 = arith.constant 0 : index
    %get3A_109 = vector.load %arg15[%get3A_107, %get3A_108] : memref<1x128xf32, #tpu.memory_space<vmem>>, vector<1x128xf32>
    %reduce_sum3A_110 = arith.constant dense<0.000000e+00> : vector<2560xf32>
    %reduce_sum3A_111 = vector.multi_reduction <add>, %add3A_103, %reduce_sum3A_110 [1] : vector<2560x128xf32> to vector<2560xf32>
    %broadcast_in_dim3A_112 = vector.shape_cast %reduce_sum3A_111 : vector<2560xf32> to vector<2560x1xf32>
    %div3A_113 = arith.constant 1.280000e+02 : f32
    %div3A_114 = vector.broadcast %div3A_113 : f32 to vector<2560x1xf32>
    %div3A_115 = arith.divf %broadcast_in_dim3A_112, %div3A_114 : vector<2560x1xf32>
    %sub3A_116 = vector.broadcast %div3A_115 : vector<2560x1xf32> to vector<2560x128xf32>
    %sub3A_117 = arith.subf %add3A_103, %sub3A_116 : vector<2560x128xf32>
    %integer_pow3A_118 = arith.mulf %sub3A_117, %sub3A_117 : vector<2560x128xf32>
    %reduce_sum3A_119 = arith.constant dense<0.000000e+00> : vector<2560xf32>
    %reduce_sum3A_120 = vector.multi_reduction <add>, %integer_pow3A_118, %reduce_sum3A_119 [1] : vector<2560x128xf32> to vector<2560xf32>
    %broadcast_in_dim3A_121 = vector.shape_cast %reduce_sum3A_120 : vector<2560xf32> to vector<2560x1xf32>
    %div3A_122 = arith.constant 1.280000e+02 : f32
    %div3A_123 = vector.broadcast %div3A_122 : f32 to vector<2560x1xf32>
    %div3A_124 = arith.divf %broadcast_in_dim3A_121, %div3A_123 : vector<2560x1xf32>
    %sub3A_125 = vector.broadcast %div3A_115 : vector<2560x1xf32> to vector<2560x128xf32>
    %sub3A_126 = arith.subf %add3A_103, %sub3A_125 : vector<2560x128xf32>
    %mul3A_127 = vector.broadcast %get3A_106 : vector<1x128xf32> to vector<2560x128xf32>
    %mul3A_128 = arith.mulf %mul3A_127, %sub3A_126 : vector<2560x128xf32>
    %add3A_129 = arith.constant 9.99999974E-6 : f32
    %add3A_130 = vector.broadcast %add3A_129 : f32 to vector<2560x1xf32>
    %add3A_131 = arith.addf %div3A_124, %add3A_130 : vector<2560x1xf32>
    %sqrt3A_132 = math.sqrt %add3A_131 : vector<2560x1xf32>
    %div3A_133 = vector.broadcast %sqrt3A_132 : vector<2560x1xf32> to vector<2560x128xf32>
    %div3A_134 = arith.divf %mul3A_128, %div3A_133 : vector<2560x128xf32>
    %add3A_135 = vector.broadcast %get3A_109 : vector<1x128xf32> to vector<2560x128xf32>
    %add3A_136 = arith.addf %div3A_134, %add3A_135 : vector<2560x128xf32>
    %slice3A_137 = vector.extract_strided_slice %dot_general3A_11 {offsets = [0, 128], sizes = [2560, 128], strides = [1, 1]} : vector<2560x384xf32> to vector<2560x128xf32>
    %slice3A_138 = vector.extract_strided_slice %dot_general3A_16 {offsets = [0, 128], sizes = [2560, 128], strides = [1, 1]} : vector<2560x256xf32> to vector<2560x128xf32>
    %add3A_139 = arith.addf %slice3A_137, %slice3A_138 : vector<2560x128xf32>
    %get3A_140 = arith.constant 0 : index
    %get3A_141 = arith.constant 0 : index
    %get3A_142 = vector.load %arg16[%get3A_140, %get3A_141] : memref<128x128xf32, #tpu.memory_space<vmem>>, vector<128x128xf32>
    %dot_general3A_143 = arith.constant dense<0.000000e+00> : vector<2560x128xf32>
    %dot_general3A_144 = tpu.matmul %add3A_136, %get3A_142, %dot_general3A_143 {dimension_numbers = #tpu.dot_dimension_numbers<[1], [0], [0], [1], [0, 0, 1, 1], [], []>, transpose_lhs_hint = false} : vector<2560x128xf32>, vector<128x128xf32>, vector<2560x128xf32> -> vector<2560x128xf32>
    %add3A_145 = arith.addf %add3A_139, %dot_general3A_144 : vector<2560x128xf32>
    %get3A_146 = arith.constant 0 : index
    %get3A_147 = arith.constant 0 : index
    %get3A_148 = vector.load %arg17[%get3A_146, %get3A_147] : memref<1x128xf32, #tpu.memory_space<vmem>>, vector<1x128xf32>
    %add3A_149 = vector.broadcast %get3A_148 : vector<1x128xf32> to vector<2560x128xf32>
    %add3A_150 = arith.addf %add3A_145, %add3A_149 : vector<2560x128xf32>
    %get3A_151 = arith.constant 0 : index
    %get3A_152 = arith.constant 0 : index
    %get3A_153 = vector.load %arg18[%get3A_151, %get3A_152] : memref<1x128xf32, #tpu.memory_space<vmem>>, vector<1x128xf32>
    %get3A_154 = arith.constant 0 : index
    %get3A_155 = arith.constant 0 : index
    %get3A_156 = vector.load %arg19[%get3A_154, %get3A_155] : memref<1x128xf32, #tpu.memory_space<vmem>>, vector<1x128xf32>
    %reduce_sum3A_157 = arith.constant dense<0.000000e+00> : vector<2560xf32>
    %reduce_sum3A_158 = vector.multi_reduction <add>, %add3A_150, %reduce_sum3A_157 [1] : vector<2560x128xf32> to vector<2560xf32>
    %broadcast_in_dim3A_159 = vector.shape_cast %reduce_sum3A_158 : vector<2560xf32> to vector<2560x1xf32>
    %div3A_160 = arith.constant 1.280000e+02 : f32
    %div3A_161 = vector.broadcast %div3A_160 : f32 to vector<2560x1xf32>
    %div3A_162 = arith.divf %broadcast_in_dim3A_159, %div3A_161 : vector<2560x1xf32>
    %sub3A_163 = vector.broadcast %div3A_162 : vector<2560x1xf32> to vector<2560x128xf32>
    %sub3A_164 = arith.subf %add3A_150, %sub3A_163 : vector<2560x128xf32>
    %integer_pow3A_165 = arith.mulf %sub3A_164, %sub3A_164 : vector<2560x128xf32>
    %reduce_sum3A_166 = arith.constant dense<0.000000e+00> : vector<2560xf32>
    %reduce_sum3A_167 = vector.multi_reduction <add>, %integer_pow3A_165, %reduce_sum3A_166 [1] : vector<2560x128xf32> to vector<2560xf32>
    %broadcast_in_dim3A_168 = vector.shape_cast %reduce_sum3A_167 : vector<2560xf32> to vector<2560x1xf32>
    %div3A_169 = arith.constant 1.280000e+02 : f32
    %div3A_170 = vector.broadcast %div3A_169 : f32 to vector<2560x1xf32>
    %div3A_171 = arith.divf %broadcast_in_dim3A_168, %div3A_170 : vector<2560x1xf32>
    %sub3A_172 = vector.broadcast %div3A_162 : vector<2560x1xf32> to vector<2560x128xf32>
    %sub3A_173 = arith.subf %add3A_150, %sub3A_172 : vector<2560x128xf32>
    %mul3A_174 = vector.broadcast %get3A_153 : vector<1x128xf32> to vector<2560x128xf32>
    %mul3A_175 = arith.mulf %mul3A_174, %sub3A_173 : vector<2560x128xf32>
    %add3A_176 = arith.constant 9.99999974E-6 : f32
    %add3A_177 = vector.broadcast %add3A_176 : f32 to vector<2560x1xf32>
    %add3A_178 = arith.addf %div3A_171, %add3A_177 : vector<2560x1xf32>
    %sqrt3A_179 = math.sqrt %add3A_178 : vector<2560x1xf32>
    %div3A_180 = vector.broadcast %sqrt3A_179 : vector<2560x1xf32> to vector<2560x128xf32>
    %div3A_181 = arith.divf %mul3A_175, %div3A_180 : vector<2560x128xf32>
    %add3A_182 = vector.broadcast %get3A_156 : vector<1x128xf32> to vector<2560x128xf32>
    %add3A_183 = arith.addf %div3A_181, %add3A_182 : vector<2560x128xf32>
    %max3A_184 = arith.constant 0.000000e+00 : f32
    %max3A_185 = vector.broadcast %max3A_184 : f32 to vector<2560x128xf32>
    %max3A_186 = arith.maximumf %add3A_183, %max3A_185 : vector<2560x128xf32>
    %get3A_187 = arith.constant 0 : index
    %get3A_188 = arith.constant 0 : index
    %get3A_189 = vector.load %arg20[%get3A_187, %get3A_188] : memref<128x256xf32, #tpu.memory_space<vmem>>, vector<128x256xf32>
    %dot_general3A_190 = arith.constant dense<0.000000e+00> : vector<2560x256xf32>
    %dot_general3A_191 = tpu.matmul %max3A_186, %get3A_189, %dot_general3A_190 {dimension_numbers = #tpu.dot_dimension_numbers<[1], [0], [0], [1], [0, 0, 1, 1], [], []>, transpose_lhs_hint = false} : vector<2560x128xf32>, vector<128x256xf32>, vector<2560x256xf32> -> vector<2560x256xf32>
    %slice3A_192 = vector.extract_strided_slice %dot_general3A_11 {offsets = [0, 256], sizes = [2560, 128], strides = [1, 1]} : vector<2560x384xf32> to vector<2560x128xf32>
    %slice3A_193 = vector.extract_strided_slice %dot_general3A_191 {offsets = [0, 0], sizes = [2560, 128], strides = [1, 1]} : vector<2560x256xf32> to vector<2560x128xf32>
    %mul3A_194 = arith.mulf %slice3A_192, %slice3A_193 : vector<2560x128xf32>
    %get3A_195 = arith.constant 0 : index
    %get3A_196 = arith.constant 0 : index
    %get3A_197 = vector.load %arg21[%get3A_195, %get3A_196] : memref<128x128xf32, #tpu.memory_space<vmem>>, vector<128x128xf32>
    %dot_general3A_198 = arith.constant dense<0.000000e+00> : vector<2560x128xf32>
    %dot_general3A_199 = tpu.matmul %mul3A_194, %get3A_197, %dot_general3A_198 {dimension_numbers = #tpu.dot_dimension_numbers<[1], [0], [0], [1], [0, 0, 1, 1], [], []>, transpose_lhs_hint = false} : vector<2560x128xf32>, vector<128x128xf32>, vector<2560x128xf32> -> vector<2560x128xf32>
    %mul3A_200 = arith.constant 2.500000e-01 : f32
    %mul3A_201 = vector.broadcast %mul3A_200 : f32 to vector<2560x128xf32>
    %mul3A_202 = arith.mulf %dot_general3A_199, %mul3A_201 : vector<2560x128xf32>
    %jit3A = arith.constant -6.000000e+01 : f32
    %jit3A_203 = arith.constant 6.000000e+01 : f32
    %max3A_204 = vector.broadcast %jit3A : f32 to vector<2560x128xf32>
    %max3A_205 = arith.maximumf %max3A_204, %mul3A_202 : vector<2560x128xf32>
    %min3A = vector.broadcast %jit3A_203 : f32 to vector<2560x128xf32>
    %min3A_206 = arith.minimumf %min3A, %max3A_205 : vector<2560x128xf32>
    %exp3A = math.exp %min3A_206 : vector<2560x128xf32>
    %slice3A_207 = vector.extract_strided_slice %dot_general3A_191 {offsets = [0, 128], sizes = [2560, 128], strides = [1, 1]} : vector<2560x256xf32> to vector<2560x128xf32>
    %mul3A_208 = arith.mulf %exp3A, %slice3A_207 : vector<2560x128xf32>
    %swap3A = arith.constant 0 : index
    %swap3A_209 = arith.constant 0 : index
    %swap3A_210 = vector.load %arg22[%swap3A, %swap3A_209] : memref<2560x128xf32, #tpu.memory_space<vmem>>, vector<2560x128xf32>
    tpu.vector_store %arg22[%swap3A, %swap3A_209], %mul3A_208 {strides = array<i32>} : memref<2560x128xf32, #tpu.memory_space<vmem>>, vector<2560x128xf32>,
    %swap3A_211 = arith.constant 0 : index
    %swap3A_212 = arith.constant 0 : index
    %swap3A_213 = vector.load %arg23[%swap3A_211, %swap3A_212] : memref<2560x128xf32, #tpu.memory_space<vmem>>, vector<2560x128xf32>
    tpu.vector_store %arg23[%swap3A_211, %swap3A_212], %exp3A {strides = array<i32>} : memref<2560x128xf32, #tpu.memory_space<vmem>>, vector<2560x128xf32>,
    return
  }
  func.func @transform_0(%arg0: i32) -> (i32, i32) {
    %c0_i32 = arith.constant 0 : i32
    %c0_i32_0 = arith.constant 0 : i32
    return %arg0, %c0_i32 : i32, i32
  }
  func.func @transform_1(%arg0: i32) -> (i32, i32) {
    %c0_i32 = arith.constant 0 : i32
    %c0_i32_0 = arith.constant 0 : i32
    return %arg0, %c0_i32 : i32, i32
  }
  func.func @transform_2(%arg0: i32) -> (i32, i32) {
    %c0_i32 = arith.constant 0 : i32
    %c0_i32_0 = arith.constant 0 : i32
    return %arg0, %c0_i32 : i32, i32
  }
  func.func @transform_3(%arg0: i32) -> (i32, i32) {
    %c0_i32 = arith.constant 0 : i32
    %c0_i32_0 = arith.constant 0 : i32
    %c0_i32_1 = arith.constant 0 : i32
    return %c0_i32, %c0_i32_0 : i32, i32
  }
  func.func @transform_4(%arg0: i32) -> (i32, i32) {
    %c0_i32 = arith.constant 0 : i32
    %c0_i32_0 = arith.constant 0 : i32
    %c0_i32_1 = arith.constant 0 : i32
    return %c0_i32, %c0_i32_0 : i32, i32
  }
  func.func @transform_5(%arg0: i32) -> (i32, i32) {
    %c0_i32 = arith.constant 0 : i32
    %c0_i32_0 = arith.constant 0 : i32
    %c0_i32_1 = arith.constant 0 : i32
    return %c0_i32, %c0_i32_0 : i32, i32
  }
  func.func @transform_6(%arg0: i32) -> (i32, i32) {
    %c0_i32 = arith.constant 0 : i32
    %c0_i32_0 = arith.constant 0 : i32
    %c0_i32_1 = arith.constant 0 : i32
    return %c0_i32, %c0_i32_0 : i32, i32
  }
  func.func @transform_7(%arg0: i32) -> (i32, i32) {
    %c0_i32 = arith.constant 0 : i32
    %c0_i32_0 = arith.constant 0 : i32
    %c0_i32_1 = arith.constant 0 : i32
    return %c0_i32, %c0_i32_0 : i32, i32
  }
  func.func @transform_8(%arg0: i32) -> (i32, i32) {
    %c0_i32 = arith.constant 0 : i32
    %c0_i32_0 = arith.constant 0 : i32
    %c0_i32_1 = arith.constant 0 : i32
    return %c0_i32, %c0_i32_0 : i32, i32
  }
  func.func @transform_9(%arg0: i32) -> (i32, i32) {
    %c0_i32 = arith.constant 0 : i32
    %c0_i32_0 = arith.constant 0 : i32
    %c0_i32_1 = arith.constant 0 : i32
    return %c0_i32, %c0_i32_0 : i32, i32
  }
  func.func @transform_10(%arg0: i32) -> (i32, i32) {
    %c0_i32 = arith.constant 0 : i32
    %c0_i32_0 = arith.constant 0 : i32
    %c0_i32_1 = arith.constant 0 : i32
    return %c0_i32, %c0_i32_0 : i32, i32
  }
  func.func @transform_11(%arg0: i32) -> (i32, i32) {
    %c0_i32 = arith.constant 0 : i32
    %c0_i32_0 = arith.constant 0 : i32
    %c0_i32_1 = arith.constant 0 : i32
    return %c0_i32, %c0_i32_0 : i32, i32
  }
  func.func @transform_12(%arg0: i32) -> (i32, i32) {
    %c0_i32 = arith.constant 0 : i32
    %c0_i32_0 = arith.constant 0 : i32
    %c0_i32_1 = arith.constant 0 : i32
    return %c0_i32, %c0_i32_0 : i32, i32
  }
  func.func @transform_13(%arg0: i32) -> (i32, i32) {
    %c0_i32 = arith.constant 0 : i32
    %c0_i32_0 = arith.constant 0 : i32
    %c0_i32_1 = arith.constant 0 : i32
    return %c0_i32, %c0_i32_0 : i32, i32
  }
  func.func @transform_14(%arg0: i32) -> (i32, i32) {
    %c0_i32 = arith.constant 0 : i32
    %c0_i32_0 = arith.constant 0 : i32
    %c0_i32_1 = arith.constant 0 : i32
    return %c0_i32, %c0_i32_0 : i32, i32
  }
  func.func @transform_15(%arg0: i32) -> (i32, i32) {
    %c0_i32 = arith.constant 0 : i32
    %c0_i32_0 = arith.constant 0 : i32
    %c0_i32_1 = arith.constant 0 : i32
    return %c0_i32, %c0_i32_0 : i32, i32
  }
  func.func @transform_16(%arg0: i32) -> (i32, i32) {
    %c0_i32 = arith.constant 0 : i32
    %c0_i32_0 = arith.constant 0 : i32
    %c0_i32_1 = arith.constant 0 : i32
    return %c0_i32, %c0_i32_0 : i32, i32
  }
  func.func @transform_17(%arg0: i32) -> (i32, i32) {
    %c0_i32 = arith.constant 0 : i32
    %c0_i32_0 = arith.constant 0 : i32
    %c0_i32_1 = arith.constant 0 : i32
    return %c0_i32, %c0_i32_0 : i32, i32
  }
  func.func @transform_18(%arg0: i32) -> (i32, i32) {
    %c0_i32 = arith.constant 0 : i32
    %c0_i32_0 = arith.constant 0 : i32
    %c0_i32_1 = arith.constant 0 : i32
    return %c0_i32, %c0_i32_0 : i32, i32
  }
  func.func @transform_19(%arg0: i32) -> (i32, i32) {
    %c0_i32 = arith.constant 0 : i32
    %c0_i32_0 = arith.constant 0 : i32
    %c0_i32_1 = arith.constant 0 : i32
    return %c0_i32, %c0_i32_0 : i32, i32
  }
  func.func @transform_20(%arg0: i32) -> (i32, i32) {
    %c0_i32 = arith.constant 0 : i32
    %c0_i32_0 = arith.constant 0 : i32
    %c0_i32_1 = arith.constant 0 : i32
    return %c0_i32, %c0_i32_0 : i32, i32
  }
  func.func @transform_21(%arg0: i32) -> (i32, i32) {
    %c0_i32 = arith.constant 0 : i32
    %c0_i32_0 = arith.constant 0 : i32
    return %arg0, %c0_i32 : i32, i32
  }
  func.func @transform_22(%arg0: i32) -> (i32, i32) {
    %c0_i32 = arith.constant 0 : i32
    %c0_i32_0 = arith.constant 0 : i32
    return %arg0, %c0_i32 : i32, i32
  }
}

module attributes {stable_mosaic.version = 14 : i64} {
  func.func @_node_body(%arg0: i32, %arg1: memref<1000x128xf32, #tpu.memory_space<vmem>>, %arg2: memref<2x1000x128xf32, #tpu.memory_space<vmem>>, %arg3: memref<2x1000x128xf32, #tpu.memory_space<vmem>>, %arg4: memref<128x128xf32, #tpu.memory_space<vmem>>, %arg5: memref<1x128xf32, #tpu.memory_space<vmem>>, %arg6: memref<1x128xf32, #tpu.memory_space<vmem>>, %arg7: memref<128x256xf32, #tpu.memory_space<vmem>>, %arg8: memref<1x256xf32, #tpu.memory_space<vmem>>, %arg9: memref<256x128xf32, #tpu.memory_space<vmem>>, %arg10: memref<1x128xf32, #tpu.memory_space<vmem>>, %arg11: memref<1x128xf32, #tpu.memory_space<vmem>>, %arg12: memref<1x128xf32, #tpu.memory_space<vmem>>, %arg13: memref<1000x128xf32, #tpu.memory_space<vmem>>) attributes {dimension_semantics = [#tpu.dimension_semantics<arbitrary>], iteration_bounds = array<i64: 10>, scalar_prefetch = 0 : i64, scratch_operands = 0 : i64, tpu.core_type = #tpu.core_type<tc>, window_params = [{transform_indices = @transform_0, window_bounds = array<i64: 1000, 128>}, {transform_indices = @transform_1, window_bounds = array<i64: 2, 1000, 128>}, {transform_indices = @transform_2, window_bounds = array<i64: 2, 1000, 128>}, {pipeline_mode = #tpu.pipeline_mode<synchronous>, transform_indices = @transform_3, window_bounds = array<i64: 128, 128>}, {pipeline_mode = #tpu.pipeline_mode<synchronous>, transform_indices = @transform_4, window_bounds = array<i64: 1, 128>}, {pipeline_mode = #tpu.pipeline_mode<synchronous>, transform_indices = @transform_5, window_bounds = array<i64: 1, 128>}, {pipeline_mode = #tpu.pipeline_mode<synchronous>, transform_indices = @transform_6, window_bounds = array<i64: 128, 256>}, {pipeline_mode = #tpu.pipeline_mode<synchronous>, transform_indices = @transform_7, window_bounds = array<i64: 1, 256>}, {pipeline_mode = #tpu.pipeline_mode<synchronous>, transform_indices = @transform_8, window_bounds = array<i64: 256, 128>}, {pipeline_mode = #tpu.pipeline_mode<synchronous>, transform_indices = @transform_9, window_bounds = array<i64: 1, 128>}, {pipeline_mode = #tpu.pipeline_mode<synchronous>, transform_indices = @transform_10, window_bounds = array<i64: 1, 128>}, {pipeline_mode = #tpu.pipeline_mode<synchronous>, transform_indices = @transform_11, window_bounds = array<i64: 1, 128>}, {transform_indices = @transform_12, window_bounds = array<i64: 1000, 128>}]} {
    %get3A = arith.constant 0 : index
    %get3A_0 = arith.constant 0 : index
    %get3A_1 = arith.constant 0 : index
    %get3A_2 = vector.load %arg2[%get3A, %get3A_0, %get3A_1] : memref<2x1000x128xf32, #tpu.memory_space<vmem>>, vector<1x1000x128xf32>
    %get3A_3 = vector.shape_cast %get3A_2 : vector<1x1000x128xf32> to vector<1000x128xf32>
    %get3A_4 = arith.constant 1 : index
    %get3A_5 = arith.constant 0 : index
    %get3A_6 = arith.constant 0 : index
    %get3A_7 = vector.load %arg2[%get3A_4, %get3A_5, %get3A_6] : memref<2x1000x128xf32, #tpu.memory_space<vmem>>, vector<1x1000x128xf32>
    %get3A_8 = vector.shape_cast %get3A_7 : vector<1x1000x128xf32> to vector<1000x128xf32>
    %add3A = arith.addf %get3A_3, %get3A_8 : vector<1000x128xf32>
    %get3A_9 = arith.constant 0 : index
    %get3A_10 = arith.constant 0 : index
    %get3A_11 = arith.constant 0 : index
    %get3A_12 = vector.load %arg3[%get3A_9, %get3A_10, %get3A_11] : memref<2x1000x128xf32, #tpu.memory_space<vmem>>, vector<1x1000x128xf32>
    %get3A_13 = vector.shape_cast %get3A_12 : vector<1x1000x128xf32> to vector<1000x128xf32>
    %get3A_14 = arith.constant 1 : index
    %get3A_15 = arith.constant 0 : index
    %get3A_16 = arith.constant 0 : index
    %get3A_17 = vector.load %arg3[%get3A_14, %get3A_15, %get3A_16] : memref<2x1000x128xf32, #tpu.memory_space<vmem>>, vector<1x1000x128xf32>
    %get3A_18 = vector.shape_cast %get3A_17 : vector<1x1000x128xf32> to vector<1000x128xf32>
    %add3A_19 = arith.addf %get3A_13, %get3A_18 : vector<1000x128xf32>
    %gt3A = arith.constant 0.000000e+00 : f32
    %gt3A_20 = vector.broadcast %gt3A : f32 to vector<1000x128xf32>
    %gt3A_21 = arith.cmpf ogt, %add3A_19, %gt3A_20 : vector<1000x128xf32>
    %div3A = arith.constant 1.000000e+00 : f32
    %div3A_22 = vector.broadcast %div3A : f32 to vector<1000x128xf32>
    %div3A_23 = arith.divf %div3A_22, %add3A_19 : vector<1000x128xf32>
    %jit3A = arith.constant 0.000000e+00 : f32
    %broadcast_in_dim3A = vector.broadcast %jit3A : f32 to vector<1000x128xf32>
    %select_n3A = arith.select %gt3A_21, %div3A_23, %broadcast_in_dim3A : vector<1000x128xi1>, vector<1000x128xf32>
    %mul3A = arith.mulf %add3A, %select_n3A : vector<1000x128xf32>
    %get3A_24 = arith.constant 0 : index
    %get3A_25 = arith.constant 0 : index
    %get3A_26 = vector.load %arg4[%get3A_24, %get3A_25] : memref<128x128xf32, #tpu.memory_space<vmem>>, vector<128x128xf32>
    %dot_general3A = arith.constant dense<0.000000e+00> : vector<1000x128xf32>
    %dot_general3A_27 = tpu.matmul %mul3A, %get3A_26, %dot_general3A {dimension_numbers = #tpu.dot_dimension_numbers<[1], [0], [0], [1], [0, 0, 1, 1], [], []>, transpose_lhs_hint = false} : vector<1000x128xf32>, vector<128x128xf32>, vector<1000x128xf32> -> vector<1000x128xf32>
    %get3A_28 = arith.constant 0 : index
    %get3A_29 = arith.constant 0 : index
    %get3A_30 = vector.load %arg1[%get3A_28, %get3A_29] : memref<1000x128xf32, #tpu.memory_space<vmem>>, vector<1000x128xf32>
    %add3A_31 = arith.addf %get3A_30, %dot_general3A_27 : vector<1000x128xf32>
    %get3A_32 = arith.constant 0 : index
    %get3A_33 = arith.constant 0 : index
    %get3A_34 = vector.load %arg5[%get3A_32, %get3A_33] : memref<1x128xf32, #tpu.memory_space<vmem>>, vector<1x128xf32>
    %get3A_35 = arith.constant 0 : index
    %get3A_36 = arith.constant 0 : index
    %get3A_37 = vector.load %arg6[%get3A_35, %get3A_36] : memref<1x128xf32, #tpu.memory_space<vmem>>, vector<1x128xf32>
    %reduce_sum3A = arith.constant dense<0.000000e+00> : vector<1000xf32>
    %reduce_sum3A_38 = vector.multi_reduction <add>, %add3A_31, %reduce_sum3A [1] : vector<1000x128xf32> to vector<1000xf32>
    %broadcast_in_dim3A_39 = vector.shape_cast %reduce_sum3A_38 : vector<1000xf32> to vector<1000x1xf32>
    %div3A_40 = arith.constant 1.280000e+02 : f32
    %div3A_41 = vector.broadcast %div3A_40 : f32 to vector<1000x1xf32>
    %div3A_42 = arith.divf %broadcast_in_dim3A_39, %div3A_41 : vector<1000x1xf32>
    %sub3A = vector.broadcast %div3A_42 : vector<1000x1xf32> to vector<1000x128xf32>
    %sub3A_43 = arith.subf %add3A_31, %sub3A : vector<1000x128xf32>
    %integer_pow3A = arith.mulf %sub3A_43, %sub3A_43 : vector<1000x128xf32>
    %reduce_sum3A_44 = arith.constant dense<0.000000e+00> : vector<1000xf32>
    %reduce_sum3A_45 = vector.multi_reduction <add>, %integer_pow3A, %reduce_sum3A_44 [1] : vector<1000x128xf32> to vector<1000xf32>
    %broadcast_in_dim3A_46 = vector.shape_cast %reduce_sum3A_45 : vector<1000xf32> to vector<1000x1xf32>
    %div3A_47 = arith.constant 1.280000e+02 : f32
    %div3A_48 = vector.broadcast %div3A_47 : f32 to vector<1000x1xf32>
    %div3A_49 = arith.divf %broadcast_in_dim3A_46, %div3A_48 : vector<1000x1xf32>
    %sub3A_50 = vector.broadcast %div3A_42 : vector<1000x1xf32> to vector<1000x128xf32>
    %sub3A_51 = arith.subf %add3A_31, %sub3A_50 : vector<1000x128xf32>
    %mul3A_52 = vector.broadcast %get3A_34 : vector<1x128xf32> to vector<1000x128xf32>
    %mul3A_53 = arith.mulf %mul3A_52, %sub3A_51 : vector<1000x128xf32>
    %add3A_54 = arith.constant 9.99999974E-6 : f32
    %add3A_55 = vector.broadcast %add3A_54 : f32 to vector<1000x1xf32>
    %add3A_56 = arith.addf %div3A_49, %add3A_55 : vector<1000x1xf32>
    %sqrt3A = math.sqrt %add3A_56 : vector<1000x1xf32>
    %div3A_57 = vector.broadcast %sqrt3A : vector<1000x1xf32> to vector<1000x128xf32>
    %div3A_58 = arith.divf %mul3A_53, %div3A_57 : vector<1000x128xf32>
    %add3A_59 = vector.broadcast %get3A_37 : vector<1x128xf32> to vector<1000x128xf32>
    %add3A_60 = arith.addf %div3A_58, %add3A_59 : vector<1000x128xf32>
    %get3A_61 = arith.constant 0 : index
    %get3A_62 = arith.constant 0 : index
    %get3A_63 = vector.load %arg7[%get3A_61, %get3A_62] : memref<128x256xf32, #tpu.memory_space<vmem>>, vector<128x256xf32>
    %dot_general3A_64 = arith.constant dense<0.000000e+00> : vector<1000x256xf32>
    %dot_general3A_65 = tpu.matmul %add3A_60, %get3A_63, %dot_general3A_64 {dimension_numbers = #tpu.dot_dimension_numbers<[1], [0], [0], [1], [0, 0, 1, 1], [], []>, transpose_lhs_hint = false} : vector<1000x128xf32>, vector<128x256xf32>, vector<1000x256xf32> -> vector<1000x256xf32>
    %get3A_66 = arith.constant 0 : index
    %get3A_67 = arith.constant 0 : index
    %get3A_68 = vector.load %arg8[%get3A_66, %get3A_67] : memref<1x256xf32, #tpu.memory_space<vmem>>, vector<1x256xf32>
    %add3A_69 = vector.broadcast %get3A_68 : vector<1x256xf32> to vector<1000x256xf32>
    %add3A_70 = arith.addf %dot_general3A_65, %add3A_69 : vector<1000x256xf32>
    %max3A = arith.constant 0.000000e+00 : f32
    %max3A_71 = vector.broadcast %max3A : f32 to vector<1000x256xf32>
    %max3A_72 = arith.maximumf %add3A_70, %max3A_71 : vector<1000x256xf32>
    %get3A_73 = arith.constant 0 : index
    %get3A_74 = arith.constant 0 : index
    %get3A_75 = vector.load %arg9[%get3A_73, %get3A_74] : memref<256x128xf32, #tpu.memory_space<vmem>>, vector<256x128xf32>
    %dot_general3A_76 = arith.constant dense<0.000000e+00> : vector<1000x128xf32>
    %dot_general3A_77 = tpu.matmul %max3A_72, %get3A_75, %dot_general3A_76 {dimension_numbers = #tpu.dot_dimension_numbers<[1], [0], [0], [1], [0, 0, 1, 1], [], []>, transpose_lhs_hint = false} : vector<1000x256xf32>, vector<256x128xf32>, vector<1000x128xf32> -> vector<1000x128xf32>
    %get3A_78 = arith.constant 0 : index
    %get3A_79 = arith.constant 0 : index
    %get3A_80 = vector.load %arg10[%get3A_78, %get3A_79] : memref<1x128xf32, #tpu.memory_space<vmem>>, vector<1x128xf32>
    %add3A_81 = vector.broadcast %get3A_80 : vector<1x128xf32> to vector<1000x128xf32>
    %add3A_82 = arith.addf %dot_general3A_77, %add3A_81 : vector<1000x128xf32>
    %add3A_83 = arith.addf %add3A_60, %add3A_82 : vector<1000x128xf32>
    %get3A_84 = arith.constant 0 : index
    %get3A_85 = arith.constant 0 : index
    %get3A_86 = vector.load %arg11[%get3A_84, %get3A_85] : memref<1x128xf32, #tpu.memory_space<vmem>>, vector<1x128xf32>
    %get3A_87 = arith.constant 0 : index
    %get3A_88 = arith.constant 0 : index
    %get3A_89 = vector.load %arg12[%get3A_87, %get3A_88] : memref<1x128xf32, #tpu.memory_space<vmem>>, vector<1x128xf32>
    %reduce_sum3A_90 = arith.constant dense<0.000000e+00> : vector<1000xf32>
    %reduce_sum3A_91 = vector.multi_reduction <add>, %add3A_83, %reduce_sum3A_90 [1] : vector<1000x128xf32> to vector<1000xf32>
    %broadcast_in_dim3A_92 = vector.shape_cast %reduce_sum3A_91 : vector<1000xf32> to vector<1000x1xf32>
    %div3A_93 = arith.constant 1.280000e+02 : f32
    %div3A_94 = vector.broadcast %div3A_93 : f32 to vector<1000x1xf32>
    %div3A_95 = arith.divf %broadcast_in_dim3A_92, %div3A_94 : vector<1000x1xf32>
    %sub3A_96 = vector.broadcast %div3A_95 : vector<1000x1xf32> to vector<1000x128xf32>
    %sub3A_97 = arith.subf %add3A_83, %sub3A_96 : vector<1000x128xf32>
    %integer_pow3A_98 = arith.mulf %sub3A_97, %sub3A_97 : vector<1000x128xf32>
    %reduce_sum3A_99 = arith.constant dense<0.000000e+00> : vector<1000xf32>
    %reduce_sum3A_100 = vector.multi_reduction <add>, %integer_pow3A_98, %reduce_sum3A_99 [1] : vector<1000x128xf32> to vector<1000xf32>
    %broadcast_in_dim3A_101 = vector.shape_cast %reduce_sum3A_100 : vector<1000xf32> to vector<1000x1xf32>
    %div3A_102 = arith.constant 1.280000e+02 : f32
    %div3A_103 = vector.broadcast %div3A_102 : f32 to vector<1000x1xf32>
    %div3A_104 = arith.divf %broadcast_in_dim3A_101, %div3A_103 : vector<1000x1xf32>
    %sub3A_105 = vector.broadcast %div3A_95 : vector<1000x1xf32> to vector<1000x128xf32>
    %sub3A_106 = arith.subf %add3A_83, %sub3A_105 : vector<1000x128xf32>
    %mul3A_107 = vector.broadcast %get3A_86 : vector<1x128xf32> to vector<1000x128xf32>
    %mul3A_108 = arith.mulf %mul3A_107, %sub3A_106 : vector<1000x128xf32>
    %add3A_109 = arith.constant 9.99999974E-6 : f32
    %add3A_110 = vector.broadcast %add3A_109 : f32 to vector<1000x1xf32>
    %add3A_111 = arith.addf %div3A_104, %add3A_110 : vector<1000x1xf32>
    %sqrt3A_112 = math.sqrt %add3A_111 : vector<1000x1xf32>
    %div3A_113 = vector.broadcast %sqrt3A_112 : vector<1000x1xf32> to vector<1000x128xf32>
    %div3A_114 = arith.divf %mul3A_108, %div3A_113 : vector<1000x128xf32>
    %add3A_115 = vector.broadcast %get3A_89 : vector<1x128xf32> to vector<1000x128xf32>
    %add3A_116 = arith.addf %div3A_114, %add3A_115 : vector<1000x128xf32>
    %swap3A = arith.constant 0 : index
    %swap3A_117 = arith.constant 0 : index
    %swap3A_118 = vector.load %arg13[%swap3A, %swap3A_117] : memref<1000x128xf32, #tpu.memory_space<vmem>>, vector<1000x128xf32>
    tpu.vector_store %arg13[%swap3A, %swap3A_117], %add3A_116 {strides = array<i32>} : memref<1000x128xf32, #tpu.memory_space<vmem>>, vector<1000x128xf32>,
    return
  }
  func.func @transform_0(%arg0: i32) -> (i32, i32) {
    %c0_i32 = arith.constant 0 : i32
    %c0_i32_0 = arith.constant 0 : i32
    return %arg0, %c0_i32 : i32, i32
  }
  func.func @transform_1(%arg0: i32) -> (i32, i32, i32) {
    %c0_i32 = arith.constant 0 : i32
    %c0_i32_0 = arith.constant 0 : i32
    %c0_i32_1 = arith.constant 0 : i32
    return %c0_i32, %arg0, %c0_i32_0 : i32, i32, i32
  }
  func.func @transform_2(%arg0: i32) -> (i32, i32, i32) {
    %c0_i32 = arith.constant 0 : i32
    %c0_i32_0 = arith.constant 0 : i32
    %c0_i32_1 = arith.constant 0 : i32
    return %c0_i32, %arg0, %c0_i32_0 : i32, i32, i32
  }
  func.func @transform_3(%arg0: i32) -> (i32, i32) {
    %c0_i32 = arith.constant 0 : i32
    %c0_i32_0 = arith.constant 0 : i32
    %c0_i32_1 = arith.constant 0 : i32
    return %c0_i32, %c0_i32_0 : i32, i32
  }
  func.func @transform_4(%arg0: i32) -> (i32, i32) {
    %c0_i32 = arith.constant 0 : i32
    %c0_i32_0 = arith.constant 0 : i32
    %c0_i32_1 = arith.constant 0 : i32
    return %c0_i32, %c0_i32_0 : i32, i32
  }
  func.func @transform_5(%arg0: i32) -> (i32, i32) {
    %c0_i32 = arith.constant 0 : i32
    %c0_i32_0 = arith.constant 0 : i32
    %c0_i32_1 = arith.constant 0 : i32
    return %c0_i32, %c0_i32_0 : i32, i32
  }
  func.func @transform_6(%arg0: i32) -> (i32, i32) {
    %c0_i32 = arith.constant 0 : i32
    %c0_i32_0 = arith.constant 0 : i32
    %c0_i32_1 = arith.constant 0 : i32
    return %c0_i32, %c0_i32_0 : i32, i32
  }
  func.func @transform_7(%arg0: i32) -> (i32, i32) {
    %c0_i32 = arith.constant 0 : i32
    %c0_i32_0 = arith.constant 0 : i32
    %c0_i32_1 = arith.constant 0 : i32
    return %c0_i32, %c0_i32_0 : i32, i32
  }
  func.func @transform_8(%arg0: i32) -> (i32, i32) {
    %c0_i32 = arith.constant 0 : i32
    %c0_i32_0 = arith.constant 0 : i32
    %c0_i32_1 = arith.constant 0 : i32
    return %c0_i32, %c0_i32_0 : i32, i32
  }
  func.func @transform_9(%arg0: i32) -> (i32, i32) {
    %c0_i32 = arith.constant 0 : i32
    %c0_i32_0 = arith.constant 0 : i32
    %c0_i32_1 = arith.constant 0 : i32
    return %c0_i32, %c0_i32_0 : i32, i32
  }
  func.func @transform_10(%arg0: i32) -> (i32, i32) {
    %c0_i32 = arith.constant 0 : i32
    %c0_i32_0 = arith.constant 0 : i32
    %c0_i32_1 = arith.constant 0 : i32
    return %c0_i32, %c0_i32_0 : i32, i32
  }
  func.func @transform_11(%arg0: i32) -> (i32, i32) {
    %c0_i32 = arith.constant 0 : i32
    %c0_i32_0 = arith.constant 0 : i32
    %c0_i32_1 = arith.constant 0 : i32
    return %c0_i32, %c0_i32_0 : i32, i32
  }
  func.func @transform_12(%arg0: i32) -> (i32, i32) {
    %c0_i32 = arith.constant 0 : i32
    %c0_i32_0 = arith.constant 0 : i32
    return %arg0, %c0_i32 : i32, i32
  }
}

</mosaic_0001>

<sc_bundles>
// kernel: kernel.10.cloned.1.call-start
scs
__scs_entry_jumppad:
0x0: {  	(pc) =	sbr.rel $0x88, $3  }
0x1: {  	(tag) =	ssettag $0x0;
	lr =	simm.s32 $0x1  }
0x2: {  	[smem:$0x3F7B] =	sst lr;
	_ =	strace $0xD0000000  }
0x3: {  	_ = 	snop  }
0x4: {  	_ = 	snop  }
0x5: {  	_ = 	snop  }
0x6: {  	_ = 	snop  }
0x7: {  	_ = 	snop  }
__scs_overlays_trampoline_lowered:
0x8: {  	[smem:$0x3F8A] =	sst s0  }
0x9: {  	[smem:$0x3F8B] =	sst s1  }
0xa: {  	[smem:$0x3F8C] =	sst s2  }
0xb: {  	[smem:$0x3F8D] =	sst s3  }
0xc: {  	[smem:$0x3F8E] =	sst s4  }
0xd: {  	[smem:$0x3F8F] =	sst s5  }
0xe: {  	[smem:$0x3F90] =	sst s6  }
0xf: {  	[smem:$0x3F91] =	sst s7  }
0x10: {  	[smem:$0x3F92] =	sst s8  }
0x11: {  	[smem:$0x3F93] =	sst s9;
	s0 =	simm.s32 @!p0 $0x0  }
0x12: {  	s1 =	sld [smem:$0x3F79];
	s0 =	simm.s32 @p0 $0x1  }
0x13: {  	[smem:$0x3F94] =	sst s0;
	s0 =	simm.s32 @!p1 $0x0  }
0x14: {  	s2 =	sld [smem:$0x3F78];
	s0 =	simm.s32 @p1 $0x1  }
0x15: {  	[smem:$0x3F95] =	sst s0;
	s0 =	simm.s32 @!p2 $0x0  }
0x16: {  	s3 =	sld [smem:$0x3FDB];
	s0 =	simm.s32 @p2 $0x1  }
0x17: {  	s4 =	simm.s32 $0x1BF5;
	[smem:$0x3F97] =	sst s0  }
0x18: {  	s0 =	sld [smem:$0x3F7A];
	_ =	swait.ge [sflag:s4], $0x0  }
0x19: {  	s7 =	sld [smem:$0x3F7B]  }
0x1a: {  	s8 =	sadd.s32 $0xFFFFE003, lr  }
0x1b: {  	s9 =	sadd.s32 $0xFFFFFEF7, lr;
	s5 =	simm.s32 $0xFFFFFFFF;
	p2 =	slt.u32 s8, $0xFFFFF086  }
0x1c: {  	p1 =	slt.u32 s9, $0xF7A;
	s5 =	simm.s32 @!p2 $0x0  }
0x1d: {  	s5 =	simm.s32 @p1 $0x1;
	p0 =	seq.s32 s7, s2  }
0x1e: {  	s7 =	smul.u32 @!p0 $0xF7A, s2;
	p2 =	seq.s32 @!p0 s5, $0x0  }
0x1f: {  	s9 =	smul.u32 $0xF7A, s1;
	s8 =	simm.s32 @!p0 $0x1BF5;
	p2 =	por !p2, p0  }
0x20: {  	[sflag:s8] =	ssyncset.s32 @!p0 $0xFFFFF086;
	s6 =	sadd.s32 @!p0 s3, s7;
	s7 =	simm.s32 @!p0 $0x108  }
0x21: {  	s3 =	sadd.s32 s3, s9;
	s6 =	sadd.s32 @!p0 $0x88, s6;
	s7 =	simm.s32 @p2 $0x1082  }
0x22: {  	[simem:s7], [sflag:s8] =	dma.local @!p0 [hbm:s6], $0xF7A  }
0x23: {  	s9 =	sor.u32 $0xD0000000, s2;
	s6 =	simm.s32 $0x108;
	_ =	swait.ge @!p0 [sflag:s8], $0x0  }
0x24: {  	s3 =	sadd.s32 $0x88, s3;
	s6 =	simm.s32 @!p1 $0x1082;
	[sflag:s4] =	ssyncset.s32 $0xFFFFF086  }
0x25: {  	[simem:s6], [sflag:s4] =	dma.local [hbm:s3], $0xF7A  }
0x26: {  	[smem:$0x3F7B] =	sst s1;
	(tag) =	ssettag s2;
	_ =	strace s9  }
0x27: {  	s1 =	sld [smem:$0x3F8B]  }
0x28: {  	s2 =	sld [smem:$0x3F8C]  }
0x29: {  	s4 =	sld [smem:$0x3F8E]  }
0x2a: {  	p0 =	seq.s32 s5, $0x0;
	s5 =	sld [smem:$0x3F8F]  }
0x2b: {  	s6 =	sld [smem:$0x3F90]  }
0x2c: {  	s7 =	sld [smem:$0x3F91]  }
0x2d: {  	s3 =	simm.s32 $0x108;
	s8 =	sld [smem:$0x3F92]  }
0x2e: {  	s3 =	simm.s32 @!p0 $0x1082;
	s9 =	sld [smem:$0x3F93]  }
0x2f: {  	lr =	sadd.s32 s0, s3;
	s0 =	sld [smem:$0x3F8A]  }
0x30: {  	s3 =	sld [smem:$0x3F8D]  }
0x31: {  	[smem:$0x3F96] =	sst s10  }
0x32: {  	s10 =	sld [smem:$0x3F94];
	_ =	sdelay $0x3  }
0x33: {  	p0 =	seq.s32 s10, $0x1;
	s10 =	sld [smem:$0x3F96];
	_ =	sdelay $0x3  }
0x34: {  	[smem:$0x3F96] =	sst s10  }
0x35: {  	s10 =	sld [smem:$0x3F95];
	_ =	sdelay $0x3  }
0x36: {  	p1 =	seq.s32 s10, $0x1;
	s10 =	sld [smem:$0x3F96];
	_ =	sdelay $0x3  }
0x37: {  	[smem:$0x3F96] =	sst s10  }
0x38: {  	s10 =	sld [smem:$0x3F97]  }
0x39: {  	_ = 	snop;
	(pc) =	sbr.ind lr, $3  }
0x3a: {  	_ = 	snop  }
0x3b: {  	_ = 	snop  }
0x3c: {  	p2 =	seq.s32 s10, $0x1;
	s10 =	sld [smem:$0x3F96]  }
0x3d: {  	_ =	shalt  }
0x3e: {  	_ =	shalt  }
0x3f: {  	_ =	shalt  }
0x40: {  	_ =	shalt  }
0x41: {  	_ =	shalt  }
0x42: {  	_ =	shalt  }
0x43: {  	_ =	shalt  }
0x44: {  	_ =	shalt  }
0x45: {  	_ =	shalt  }
0x46: {  	_ =	shalt  }
0x47: {  	_ =	shalt  }
0x48: {  	_ =	shalt  }
0x49: {  	_ =	shalt  }
0x4a: {  	_ =	shalt  }
0x4b: {  	_ =	shalt  }
0x4c: {  	_ =	shalt  }
0x4d: {  	_ =	shalt  }
0x4e: {  	_ =	shalt  }
0x4f: {  	_ =	shalt  }
0x50: {  	_ =	shalt  }
0x51: {  	_ =	shalt  }
0x52: {  	_ =	shalt  }
0x53: {  	_ =	shalt  }
0x54: {  	_ =	shalt  }
0x55: {  	_ =	shalt  }
0x56: {  	_ =	shalt  }
0x57: {  	_ =	shalt  }
0x58: {  	_ =	shalt  }
0x59: {  	_ =	shalt  }
0x5a: {  	_ =	shalt  }
0x5b: {  	_ =	shalt  }
0x5c: {  	_ =	shalt  }
0x5d: {  	_ =	shalt  }
0x5e: {  	_ =	shalt  }
0x5f: {  	_ =	shalt  }
0x60: {  	_ =	shalt  }
0x61: {  	_ =	shalt  }
0x62: {  	_ =	shalt  }
0x63: {  	_ =	shalt  }
0x64: {  	_ =	shalt  }
0x65: {  	_ =	shalt  }
0x66: {  	_ =	shalt  }
0x67: {  	_ =	shalt  }
0x68: {  	_ =	shalt  }
0x69: {  	_ =	shalt  }
0x6a: {  	_ =	shalt  }
0x6b: {  	_ =	shalt  }
0x6c: {  	_ =	shalt  }
0x6d: {  	_ =	shalt  }
0x6e: {  	_ =	shalt  }
0x6f: {  	_ =	shalt  }
0x70: {  	_ =	shalt  }
0x71: {  	_ =	shalt  }
0x72: {  	_ =	shalt  }
0x73: {  	_ =	shalt  }
0x74: {  	_ =	shalt  }
0x75: {  	_ =	shalt  }
0x76: {  	_ =	shalt  }
0x77: {  	_ =	shalt  }
0x78: {  	_ =	shalt  }
0x79: {  	_ =	shalt  }
0x7a: {  	_ =	shalt  }
0x7b: {  	_ =	shalt  }
0x7c: {  	_ =	shalt  }
0x7d: {  	_ =	shalt  }
0x7e: {  	_ =	shalt  }
0x7f: {  	_ =	shalt  }
0x80: {  	_ =	shalt  }
0x81: {  	_ =	shalt  }
0x82: {  	_ =	shalt  }
0x83: {  	_ =	shalt  }
0x84: {  	_ =	shalt  }
0x85: {  	_ =	shalt  }
0x86: {  	_ =	shalt  }
0x87: {  	_ =	shalt  }
.Lfunc_end0:
.L_simem_size_0:
called_computation.1_lowered:
.L_overlay_start_0:
0x88: {  	s2 =	sld [smem:$0x3FD9]  }
0x89: {  	s3 =	sld [smem:$0x3FFE];
	_ =	sdelay $0x1  }
0x8a: {  	s1 =	srdreg.scid  }
0x8b: {  	s0 =	sand.u32 $0x1, s1  }
0x8c: {  	s16 =	sshll.u32 s0, $0xA;
	s2 =	sadd.s32 s3, s2  }
0x8d: {  	s2 =	sadd.s32 s2, s16  }
0x8e: {  	[smem:$0x3FA2] =	sst s2  }
0x8f: {  	_ = 	snop  }
0x90: {  	(tm) =	ssettm $0x1  }
0x91: {  	s17 =	sld [smem:$0x3FFB];
	_ =	sdelay $0x3  }
0x92: {  	_ =	strace s17  }
0x93: {  	s2 =	sld [smem:$0x3FFC];
	_ =	sdelay $0x3  }
0x94: {  	_ =	strace s2  }
0x95: {  	s2 =	sld [smem:$0x3FFD];
	_ =	sdelay $0x3  }
0x96: {  	_ =	strace s2  }
0x97: {  	_ =	strace $0x8FFFFFFF  }
0x98: {  	s18 =	sld [smem:$0x3FDB];
	_ =	sdelay $0x1  }
0x99: {  	s19 =	simm.s32 $_scs_section_size  }
0x9a: {  	s4 =	simm.s32 $_size__tile_overlayer_lowered;
	s5 =	simm.s32 $_tile_overlayer_lowered  }
0x9b: {  	s22 =	simm.s32 $0x1BFF;
	s21 =	sshll.u32 s5, $0x1;
	s2 =	sadd.s32 s19, s18  }
0x9c: {  	s6 =	simm.s32 $0x0;
	s20 =	sshll.u32 s4, $0x1;
	s4 =	sadd.s32 s21, s2  }
0x9d: {  	[timem:s6], [sflag:s22] =	dma.local [hbm:s4], s20  }
0x9e: {  	_ =	swait.ge [sflag:s22], s20  }
0x9f: {  	s3 =	ssub.s32 $0x0, s20;
	[sflag:s22] =	ssyncset.done $0x0  }
0xa0: {  	[sflag:s22] =	ssyncadd.s32 s3;
	_ =	sdelay $0x1  }
0xa1: {  	s23 =	simm.s32 $0x1B8B  }
0xa2: {  	_ =	swait.ge [sflag:s23], $0x1  }
0xa3: {  	[sflag:s23] =	ssyncset.done $0x0  }
0xa4: {  	s25 =	simm.s32 $0x1B8E;
	s24 =	sld [smem:$0x3FFE];
	[sflag:s23] =	ssyncadd.s32 $0xFFFFFFFF  }
0xa5: {  	s26 =	simm.s32 $execute0_lowered;
	[smem:$0x3FD2] =	sst s25  }
0xa6: {  	s4 =	sshll.u32 s26, $0x1;
	_ =	strace $0x80000049;
	[dreg:$0x1] =	wrdreg $0xFFFFFFFF  }
0xa7: {  	s28 =	simm.s32 $_size_execute0_lowered;
	s2 =	sadd.s32 s2, s4;
	[dreg:$0x0] =	wrdreg $0x0  }
0xa8: {  	s4 =	sshll.u32 s28, $0x1;
	[dreg:$0x2] =	wrdreg s2  }
0xa9: {  	[dreg:$0x3] =	wrdreg s4  }
0xaa: {  	[dreg:$0x4] =	wrdreg $0xC0  }
0xab: {  	_ =	task [dreg:s6], $0x5FFFF  }
0xac: {  	[dreg:$0x1] =	wrdreg $0xFFFFFFFF  }
0xad: {  	[dreg:$0x0] =	wrdreg $0x60  }
0xae: {  	[dreg:$0x2] =	wrdreg s24  }
0xaf: {  	[dreg:$0x3] =	wrdreg $0x0  }
0xb0: {  	[dreg:$0x4] =	wrdreg $0x9  }
0xb1: {  	_ =	task.clear_ibuf [dreg:s6], $0x5FFFF;
	_ =	strace $0x90000049  }
0xb2: {  	s29 =	simm.s32 $0x9;
	_ =	strace $0x8000004B  }
0xb3: {  	_ =	swait.ge [sflag:s29], $0x1  }
0xb4: {  	[sflag:s29] =	ssyncadd.s32 $0xFFFFFFFF  }
0xb5: {  	_ =	strace $0x9000004B  }
0xb6: {  	_ =	sfence  }
0xb7: {  	s30 =	sld [smem:$0x0];
	_ =	sdelay $0x2  }
0xb8: {  	s31 =	sshll.u32 s1, $0xD;
	s1 =	sshrl.u32 s1, $0x2  }
0xb9: {  	s3 =	sand.u32 $0x4000, s31;
	s1 =	sadd.s32 s1, s30  }
0xba: {  	s0 =	sor.u32 s3, s0;
	s1 =	sshll.u32 s1, $0x11  }
0xbb: {  	s0 =	sor.u32 s1, s0  }
0xbc: {  	s0 =	sadd.s32 $0x8F2B, s0  }
0xbd: {  	[sflag:s0] =	ssyncadd.remote.s32 $0x1  }
0xbe: {  	_ =	sfence.sel $0xFFFF  }
0xbf: {  	[dreg:$0x0] =	wrdreg $0xFFFFFFFF;
	(pc) =	sbr.abs _section_cstart, $3  }
0xc0: {  	[dreg:$0x1] =	wrdreg $0xFFFFFFFF  }
0xc1: {  	_ =	task.clear_ibuf [dreg:s6], $0x2FFFF;
	_ =	strace $0x9FFFFFFF  }
0xc2: {  	(tm) =	ssettm $0x7FFFFFFF  }
0xc3: {  	_ =	shalt  }
tec
execute0_lowered:
.L_overlay_start_1:
0x0: {  	(tag) =	ssettag $0x1  }
0x1: {  	s0 =	srdreg.scid;
	s24 =	stileid.u32  }
0x2: {  	s9 =	sand.u32 $0x1, s0;
	s13 =	smul.u32 $0x2800, s24  }
0x3: {  	s3 =	smul.u32 $0x27100, s9  }
0x4: {  	s25 =	sor.u32 $0x10, s24;
	s11 =	smul.u32 $0x138800, s9  }
0x5: {  	s12 =	sor.u32 $0x20, s24;
	s14 =	smul.u32 $0x2800, s25  }
0x6: {  	s8 =	sor.u32 $0x30, s24;
	s15 =	smul.u32 $0x2800, s12  }
0x7: {  	s7 =	sor.u32 $0x40, s24;
	s16 =	smul.u32 $0x2800, s8  }
0x8: {  	s5 =	sor.u32 $0x50, s24;
	s17 =	smul.u32 $0x2800, s7  }
0x9: {  	s18 =	smul.u32 $0x2800, s5  }
0xa: {  	s6 =	rddreg [dreg:$0x0];
	s0 =	ssub.s32 $0x2, s9;
	s9 =	smul.u32 $0x271000, s9  }
0xb: {  	s10 =	sadd.s32 $0x9FC200, s6;
	s8 =	smul.u32 $0xA000, s8  }
0xc: {  	s20 =	sshll.u32 s24, $0x7;
	s7 =	smul.u32 $0xA000, s7;
	s1 =	sshrl.u32 s0, $0x1  }
0xd: {  	p1 =	sgt.u32 s24, $0x1;
	s5 =	smul.u32 $0xA000, s5;
	s2 =	ssub.s32 s0, s1  }
0xe: {  	s4 =	sadd.s32 s20, s3;
	s3 =	sor.u32 $0x60, s24;
	s0 =	sor.u32 $0x70, s24  }
0xf: {  	s13 =	sadd.s32 s11, s13;
	s14 =	sadd.s32 s11, s14;
	s15 =	sadd.s32 s11, s15  }
0x10: {  	s16 =	sadd.s32 s11, s16;
	s17 =	sadd.s32 s11, s17;
	s18 =	sadd.s32 s11, s18  }
0x11: {  	s13 =	sshrl.u32 s13, $0x3;
	s14 =	sshrl.u32 s14, $0x3;
	s15 =	sshrl.u32 s15, $0x3  }
0x12: {  	s16 =	sshrl.u32 s16, $0x3;
	s19 =	smul.u32 $0x2800, s3;
	s21 =	sadd.s32 s10, s13  }
0x13: {  	s20 =	smul.u32 $0x2800, s0;
	s22 =	sadd.s32 s10, s14;
	[dreg:$0x3] =	wrdreg s21  }
0x14: {  	s17 =	sshrl.u32 s17, $0x3;
	s23 =	sadd.s32 s10, s15;
	[dreg:$0x4] =	wrdreg s22  }
0x15: {  	s18 =	sshrl.u32 s18, $0x3;
	s26 =	sadd.s32 s10, s16;
	[dreg:$0x5] =	wrdreg s23  }
0x16: {  	s3 =	smul.u32 $0xA000, s3;
	p0 =	sgt.u32 s0, $0x7C;
	[dreg:$0x6] =	wrdreg s26  }
0x17: {  	s19 =	sadd.s32 s11, s19;
	s11 =	sadd.s32 s11, s20;
	s20 =	sadd.s32 s10, s17  }
0x18: {  	s21 =	sadd.s32 s10, s18;
	s26 =	sadd.s32 $0xA4A400, s6;
	[dreg:$0x7] =	wrdreg s20  }
0x19: {  	s0 =	smul.u32 $0xA000, s0;
	[dreg:$0x8] =	wrdreg s21;
	s13 =	sadd.s32 s26, s13  }
0x1a: {  	s19 =	sshrl.u32 s19, $0x3;
	s14 =	sadd.s32 s26, s14;
	[dreg:$0xb] =	wrdreg s13  }
0x1b: {  	s11 =	sshrl.u32 s11, $0x3;
	s15 =	sadd.s32 s26, s15;
	[dreg:$0xc] =	wrdreg s14  }
0x1c: {  	s16 =	sadd.s32 s26, s16;
	s17 =	sadd.s32 s26, s17;
	[dreg:$0xd] =	wrdreg s15  }
0x1d: {  	s18 =	sadd.s32 s26, s18;
	s21 =	sadd.s32 $0x38200, s6;
	[dreg:$0xe] =	wrdreg s16  }
0x1e: {  	s22 =	sadd.s32 s10, s19;
	s23 =	sadd.s32 s10, s11;
	[dreg:$0xf] =	wrdreg s17  }
0x1f: {  	[dreg:$0x10] =	wrdreg s18;
	s19 =	sadd.s32 s26, s19;
	s20 =	sadd.s32 s26, s11  }
0x20: {  	s10 =	sadd.s32 s9, s21;
	s14 =	sshll.u32 s24, $0xB;
	[dreg:$0x9] =	wrdreg s22  }
0x21: {  	s15 =	smul.u32 $0xA000, s12;
	s16 =	sshrl.u32 s4, $0x3;
	[dreg:$0xa] =	wrdreg s23  }
0x22: {  	s17 =	smul.u32 $0xA000, s24;
	s12 =	sshrl.u32 s8, $0x2;
	[dreg:$0x11] =	wrdreg s19  }
0x23: {  	[dreg:$0x12] =	wrdreg s20;
	s22 =	sadd.s32 $0x51A200, s6;
	s23 =	sshll.u32 s4, $0x4  }
0x24: {  	s20 =	simm.s32 $0x0;
	s10 =	sadd.s32 s14, s10;
	s19 =	smul.u32 $0xA000, s25  }
0x25: {  	s26 =	sadd.s32 s21, s23;
	s13 =	sadd.s32 s22, s23;
	[smem:$0x7FF] =	sst s20  }
0x26: {  	s9 =	sadd.s32 s9, s22;
	s22 =	sadd.s32 $0x7200, s6;
	s23 =	rddreg [dreg:$0x1]  }
0x27: {  	s21 =	smax.u32 s2, $0x1;
	s11 =	sshrl.u32 s15, $0x2;
	[dreg:$0x13] =	wrdreg s26  }
0x28: {  	s15 =	sshrl.u32 s3, $0x2;
	s6 =	simm.s32 $0x13880;
	[dreg:$0x14] =	wrdreg s13  }
0x29: {  	s9 =	sadd.s32 s14, s9;
	s18 =	sadd.s32 s22, s16;
	s26 =	sshrl.u32 s17, $0x2  }
0x2a: {  	s1 =	sshrl.u32 s19, $0x2;
	s29 =	sadd.s32 s11, s23;
	s13 =	sshrl.u32 s7, $0x2  }
0x2b: {  	s30 =	sadd.s32 s12, s23;
	s14 =	sshrl.u32 s5, $0x2;
	s16 =	sshrl.u32 s0, $0x2  }
0x2c: {  	s0 =	sadd.s32 s15, s23;
	s17 =	sadd.s32 $0x8000, s10;
	s7 =	simm.s32 $0x3  }
0x2d: {  	s10 =	simm.s32 $0x1;
	_ =	strace $0x8000004A;
	[dreg:$0x15] =	wrdreg s18  }
0x2e: {  	s11 =	simm.s32 $0x2;
	s12 =	simm.s32 $0x80;
	[dreg:$0x16] =	wrdreg s21  }
0x2f: {  	s26 =	sadd.s32 s26, s23;
	s28 =	sadd.s32 s1, s23;
	s31 =	sadd.s32 s13, s23  }
0x30: {  	s21 =	sadd.s32 s14, s23;
	[dreg:$0x17] =	wrdreg s17;
	s18 =	sadd.s32 $0x800, s4  }
0x31: {  	s2 =	sadd.s32 s16, s23;
	s19 =	sadd.s32 $0x8000, s9;
	[dreg:$0x18] =	wrdreg s18  }
0x32: {  	v0 =	vimm.f32 $0.0e+00;
	s13 =	simm.s32 $0x4;
	s14 =	simm.s32 $0x0;
	[dreg:$0x19] =	wrdreg s19  }
.LBB2_1:
0x33: {  	s8 =	simm.s32 $0x0;
	s3 =	simm.s32 $0x200  }
.LBB2_2:
0x34: {  	p2 =	sne.s32 s3, $0x9E00;
	[tilespmem:s8+$0x138F0] =	vst v0  }
0x35: {  	[tilespmem:s8+$0x13880] =	vst v0  }
0x36: {  	[tilespmem:s8+$0x13890] =	vst v0  }
.Ltmp0:
0x37: {  	[tilespmem:s8+$0x138A0] =	vst v0;
	(pc) =	sbr.rel @p2 .LBB2_2-.Ltmp0, $4  }
0x38: {  	[tilespmem:s8+$0x138B0] =	vst v0  }
0x39: {  	[tilespmem:s8+$0x138C0] =	vst v0  }
0x3a: {  	[tilespmem:s8+$0x138D0] =	vst v0  }
0x3b: {  	[tilespmem:s8+$0x138E0] =	vst v0;
	s8 =	sshra.s32 s3, $0x2;
	s3 =	sadd.s32 $0x200, s3  }
0x3c: {  	[tilespmem:s8+$0x138F0] =	vst v0  }
0x3d: {  	[tilespmem:s8+$0x13880] =	vst v0  }
0x3e: {  	[tilespmem:s8+$0x13890] =	vst v0  }
0x3f: {  	[tilespmem:s8+$0x138A0] =	vst v0  }
0x40: {  	[tilespmem:s8+$0x138B0] =	vst v0  }
0x41: {  	[tilespmem:s8+$0x138C0] =	vst v0  }
0x42: {  	[tilespmem:s8+$0x138D0] =	vst v0  }
0x43: {  	[tilespmem:s8+$0x138E0] =	vst v0  }
0x44: {  	[spmem:s26] =	stream.linear.scatter [tilespmem:s6], [sflag:$0x3], $0x2800, $0x38;
	[tilespmem:$0x1E180] =	vst v63  }
0x45: {  	_ =	swait.ge [sflag:s7], $0x2800  }
0x46: {  	[sflag:s7] =	ssyncset.done $0x0  }
0x47: {  	[sflag:s7] =	ssyncadd.s32 $0xFFFFD800  }
0x48: {  	[spmem:s28] =	stream.linear.scatter [tilespmem:s6], [sflag:$0x3], $0x2800, $0x38;
	[tilespmem:$0x1E180] =	vst v63  }
0x49: {  	_ =	swait.ge [sflag:s7], $0x2800  }
0x4a: {  	[sflag:s7] =	ssyncset.done $0x0  }
0x4b: {  	[sflag:s7] =	ssyncadd.s32 $0xFFFFD800  }
0x4c: {  	[spmem:s29] =	stream.linear.scatter [tilespmem:s6], [sflag:$0x3], $0x2800, $0x38;
	[tilespmem:$0x1E180] =	vst v63  }
0x4d: {  	_ =	swait.ge [sflag:s7], $0x2800  }
0x4e: {  	[sflag:s7] =	ssyncset.done $0x0  }
0x4f: {  	[sflag:s7] =	ssyncadd.s32 $0xFFFFD800  }
0x50: {  	[spmem:s30] =	stream.linear.scatter [tilespmem:s6], [sflag:$0x3], $0x2800, $0x38;
	[tilespmem:$0x1E180] =	vst v63  }
0x51: {  	_ =	swait.ge [sflag:s7], $0x2800  }
0x52: {  	[sflag:s7] =	ssyncset.done $0x0  }
0x53: {  	[sflag:s7] =	ssyncadd.s32 $0xFFFFD800  }
0x54: {  	[spmem:s31] =	stream.linear.scatter [tilespmem:s6], [sflag:$0x3], $0x2800, $0x38;
	[tilespmem:$0x1E180] =	vst v63  }
0x55: {  	_ =	swait.ge [sflag:s7], $0x2800  }
0x56: {  	[sflag:s7] =	ssyncset.done $0x0  }
0x57: {  	[sflag:s7] =	ssyncadd.s32 $0xFFFFD800  }
0x58: {  	[spmem:s21] =	stream.linear.scatter [tilespmem:s6], [sflag:$0x3], $0x2800, $0x38;
	[tilespmem:$0x1E180] =	vst v63  }
0x59: {  	_ =	swait.ge [sflag:s7], $0x2800  }
0x5a: {  	[sflag:s7] =	ssyncset.done $0x0  }
0x5b: {  	[sflag:s7] =	ssyncadd.s32 $0xFFFFD800  }
0x5c: {  	[spmem:s0] =	stream.linear.scatter [tilespmem:s6], [sflag:$0x3], $0x2800, $0x38;
	[tilespmem:$0x1E180] =	vst v63  }
0x5d: {  	_ =	swait.ge [sflag:s7], $0x2800  }
0x5e: {  	[sflag:s7] =	ssyncset.done $0x0  }
0x5f: {  	s3 =	simm.s32 @!p0 $0x13880;
	[sflag:s7] =	ssyncadd.s32 $0xFFFFD800  }
0x60: {  	[spmem:s2] =	stream.linear.scatter @!p0 [tilespmem:s3], [sflag:$0x3], $0x2800, $0x38;
	[tilespmem:$0x1E180] =	vst v63  }
0x61: {  	s3 =	simm.s32 @!p0 $0x3  }
0x62: {  	_ =	swait.ge @!p0 [sflag:s3], $0x2800  }
0x63: {  	[sflag:s3] =	ssyncset.done @!p0 $0x0  }
0x64: {  	s5 =	simm.s32 $0x0;
	s4 =	simm.s32 $0x16080;
	[sflag:s3] =	ssyncadd.s32 @!p0 $0xFFFFD800  }
0x65: {  	s24 =	simm.s32 $0x16180;
	s16 =	simm.s32 $0x1;
	[bflag:$0x0] =	sbarrier.arrive $0xFFFF  }
0x66: {  	p2 =	sgt.u32 s25, $0x4E1;
	s18 =	simm.s32 $0x2;
	s1 =	rddreg [dreg:$0x15]  }
0x67: {  	[tilespmem:s4], [sflag:$0x1] =	stream.linear.gather [hbm4b:s1+s5], $0x80, $0x38;
	[tilespmem:$0x1E180] =	vst v63  }
0x68: {  	s8 =	sand.u32 @!p2 $0x1, s16;
	s17 =	simm.s32 @!p2 $0x0;
	s4 =	rddreg [dreg:$0x18]  }
0x69: {  	s9 =	sshll.u32 @!p2 s8, $0x7;
	s19 =	rddreg [dreg:$0x13];
	s15 =	sshrl.u32 @!p2 s4, $0x3  }
0x6a: {  	[tilespmem:s24], [sflag:$0x2] =	stream.linear.gather [hbm4b:s19+s5], $0x4000, $0x38;
	[tilespmem:$0x1E180] =	vst v63  }
0x6b: {  	s8 =	sshll.u32 @!p2 s8, $0xE;
	s9 =	sadd.s32 @!p2 $0x16080, s9;
	s15 =	sadd.s32 @!p2 s22, s15  }
0x6c: {  	[tilespmem:s9], [sflag:$0x1] =	stream.linear.gather @!p2 [hbm4b:s15+s17], $0x80, $0x38;
	[tilespmem:$0x1E180] =	vst v63  }
0x6d: {  	s8 =	sadd.s32 @!p2 $0x16180, s8;
	s1 =	rddreg [dreg:$0x17];
	s19 =	sadd.s32 $0x800, s4  }
0x6e: {  	[tilespmem:s8], [sflag:$0x2] =	stream.linear.gather @!p2 [hbm4b:s1+s17], $0x4000, $0x38;
	[tilespmem:$0x1E180] =	vst v63  }
0x6f: {  	s4 =	smov.u32 s25;
	s25 =	sadd.s32 $0x10, s25;
	_ =	swait.ge [sflag:s10], $0x80  }
0x70: {  	s24 =	sand.u32 $0x1, s5;
	p3 =	sgt.u32 s25, $0x4E1;
	[sflag:s10] =	ssyncset.done $0x0  }
0x71: {  	s3 =	sshll.u32 s24, $0x7;
	s9 =	sshrl.u32 @!p3 s19, $0x3;
	[sflag:s10] =	ssyncadd.s32 $0xFFFFFF80  }
0x72: {  	s17 =	sadd.s32 $0x8000, s1;
	s8 =	sand.u32 @!p3 $0x1, s18;
	_ =	swait.ge [sflag:s11], $0x4000  }
.LBB2_4:
0x73: {  	s5 =	sshll.u32 @!p3 s8, $0x7;
	[sflag:s11] =	ssyncset.done $0x0  }
0x74: {  	s1 =	smov.u32 s16;
	s16 =	smov.u32 s18;
	s18 =	sadd.s32 $0x1, s18  }
0x75: {  	s3 =	sadd.s32 $0x16080, s3;
	s24 =	sshll.u32 s24, $0xE;
	[sflag:s11] =	ssyncadd.s32 $0xFFFFC000  }
0x76: {  	s8 =	sshll.u32 @!p3 s8, $0xE;
	s5 =	sadd.s32 @!p3 $0x16080, s5;
	s24 =	sadd.s32 $0x16180, s24  }
0x77: {  	[spmem:s23] =	stream.indirect.scatter.add.f32 [tilespmem:s24], [sflag:$0x3], $0x80, s3, s12, $0xb8;
	[tilespmem:$0x1E180] =	vst v63  }
0x78: {  	s3 =	sadd.s32 @!p3 s22, s9;
	s9 =	simm.s32 @!p3 $0x0;
	_ =	swait.ge [sflag:s7], $0x4000  }
0x79: {  	p4 =	sne.s32 s18, $0x4E;
	s8 =	sadd.s32 @!p3 $0x16180, s8;
	[sflag:s7] =	ssyncset.done $0x0  }
0x7a: {  	[sflag:s7] =	ssyncadd.s32 $0xFFFFC000  }
0x7b: {  	[tilespmem:s5], [sflag:$0x1] =	stream.linear.gather @!p3 [hbm4b:s3+s9], $0x80, $0x38;
	[tilespmem:$0x1E180] =	vst v63  }
0x7c: {  	_ = 	snop  }
0x7d: {  	[tilespmem:s8], [sflag:$0x2] =	stream.linear.gather @!p3 [hbm4b:s17+s9], $0x4000, $0x38;
	[tilespmem:$0x1E180] =	vst v63  }
.Ltmp1:
0x7e: {  	_ = 	snop;
	(pc) =	sbr.rel @p4 .LBB2_4-.Ltmp1, $4  }
0x7f: {  	s19 =	sadd.s32 $0x800, s19;
	s17 =	sadd.s32 $0x8000, s17;
	_ =	swait.ge [sflag:s10], $0x80  }
0x80: {  	s25 =	sadd.s32 $0x10, s25;
	s24 =	sand.u32 $0x1, s1;
	[sflag:s10] =	ssyncset.done $0x0  }
0x81: {  	s3 =	sshll.u32 s24, $0x7;
	p3 =	sgt.u32 s25, $0x4E1;
	[sflag:s10] =	ssyncadd.s32 $0xFFFFFF80  }
0x82: {  	s8 =	sand.u32 @!p3 $0x1, s18;
	s9 =	sshrl.u32 @!p3 s19, $0x3;
	_ =	swait.ge [sflag:s11], $0x4000  }
0x83: {  	[sflag:s11] =	ssyncset.done $0x0;
	s1 =	sshll.u32 s24, $0xE  }
0x84: {  	s3 =	sadd.s32 $0x16080, s3;
	[sflag:s11] =	ssyncadd.s32 $0xFFFFC000;
	s1 =	sadd.s32 $0x16180, s1  }
0x85: {  	[spmem:s23] =	stream.indirect.scatter.add.f32 [tilespmem:s1], [sflag:$0x3], $0x80, s3, s12, $0xb8;
	[tilespmem:$0x1E180] =	vst v63  }
0x86: {  	_ =	swait.ge [sflag:s7], $0x4000  }
0x87: {  	s5 =	simm.s32 @!p3 $0x0;
	s1 =	sshll.u32 @!p3 s8, $0x7;
	[sflag:s7] =	ssyncset.done $0x0  }
0x88: {  	s3 =	sadd.s32 @!p3 s22, s9;
	s1 =	sadd.s32 @!p3 $0x16080, s1;
	[sflag:s7] =	ssyncadd.s32 $0xFFFFC000  }
0x89: {  	[tilespmem:s1], [sflag:$0x1] =	stream.linear.gather @!p3 [hbm4b:s3+s5], $0x80, $0x38;
	[tilespmem:$0x1E180] =	vst v63  }
0x8a: {  	s1 =	sshll.u32 @!p3 s8, $0xE  }
0x8b: {  	s1 =	sadd.s32 @!p3 $0x16180, s1  }
0x8c: {  	[tilespmem:s1], [sflag:$0x2] =	stream.linear.gather @!p3 [hbm4b:s17+s5], $0x4000, $0x38;
	[tilespmem:$0x1E180] =	vst v63  }
0x8d: {  	_ =	swait.ge [sflag:s10], $0x80  }
0x8e: {  	[sflag:s10] =	ssyncset.done $0x0  }
0x8f: {  	[sflag:s10] =	ssyncadd.s32 $0xFFFFFF80  }
0x90: {  	s5 =	sand.u32 $0x1, s16;
	_ =	swait.ge [sflag:s11], $0x4000  }
0x91: {  	s8 =	sshll.u32 s5, $0x7;
	s1 =	sshll.u32 s5, $0xE;
	[sflag:s11] =	ssyncset.done $0x0  }
0x92: {  	s3 =	sadd.s32 $0x16080, s8;
	s1 =	sadd.s32 $0x16180, s1;
	[sflag:s11] =	ssyncadd.s32 $0xFFFFC000  }
0x93: {  	[spmem:s23] =	stream.indirect.scatter.add.f32 [tilespmem:s1], [sflag:$0x3], $0x80, s3, s12, $0xb8;
	[tilespmem:$0x1E180] =	vst v63  }
0x94: {  	_ =	swait.ge [sflag:s7], $0x4000  }
0x95: {  	[sflag:s7] =	ssyncset.done $0x0  }
0x96: {  	s1 =	simm.s32 @!p1 $0x1;
	[sflag:s7] =	ssyncadd.s32 $0xFFFFC000  }
0x97: {  	_ =	swait.ge @!p1 [sflag:s1], $0x80  }
0x98: {  	[sflag:s1] =	ssyncset.done @!p1 $0x0  }
0x99: {  	[sflag:s1] =	ssyncadd.s32 @!p1 $0xFFFFFF80;
	s1 =	simm.s32 @!p1 $0x2  }
0x9a: {  	_ =	swait.ge @!p1 [sflag:s1], $0x4000  }
0x9b: {  	s5 =	simm.s32 @!p1 $0x16180;
	[sflag:s1] =	ssyncset.done @!p1 $0x0  }
0x9c: {  	s3 =	simm.s32 @!p1 $0x16080;
	[sflag:s1] =	ssyncadd.s32 @!p1 $0xFFFFC000;
	s1 =	simm.s32 @!p1 $0x80  }
0x9d: {  	[spmem:s23] =	stream.indirect.scatter.add.f32 @!p1 [tilespmem:s5], [sflag:$0x3], $0x80, s3, s1, $0xb8;
	[tilespmem:$0x1E180] =	vst v63  }
0x9e: {  	s1 =	simm.s32 @!p1 $0x3  }
0x9f: {  	_ =	swait.ge @!p1 [sflag:s1], $0x4000  }
0xa0: {  	[sflag:s1] =	ssyncset.done @!p1 $0x0  }
0xa1: {  	[sflag:s1] =	ssyncadd.s32 @!p1 $0xFFFFC000  }
0xa2: {  	[bflag:$0x0] =	sbarrier.arrive $0xFFFF  }
0xa3: {  	[tilespmem:s6], [sflag:$0x4] =	stream.linear.gather [spmem:s26], $0x2800, $0x38;
	[tilespmem:$0x1E180] =	vst v63  }
0xa4: {  	_ =	swait.ge [sflag:s13], $0x2800  }
0xa5: {  	[sflag:s13] =	ssyncset.done $0x0  }
0xa6: {  	s9 =	rddreg [dreg:$0x3];
	[sflag:s13] =	ssyncadd.s32 $0xFFFFD800  }
0xa7: {  	[hbm4b:s9+s20] =	stream.linear.scatter [tilespmem:s6], [sflag:$0x3], $0x2800, $0x38;
	[tilespmem:$0x1E180] =	vst v63  }
0xa8: {  	_ =	swait.ge [sflag:s7], $0x2800  }
0xa9: {  	[sflag:s7] =	ssyncset.done $0x0  }
0xaa: {  	[sflag:s7] =	ssyncadd.s32 $0xFFFFD800  }
0xab: {  	[tilespmem:s6], [sflag:$0x4] =	stream.linear.gather [spmem:s28], $0x2800, $0x38;
	[tilespmem:$0x1E180] =	vst v63  }
0xac: {  	_ =	swait.ge [sflag:s13], $0x2800  }
0xad: {  	[sflag:s13] =	ssyncset.done $0x0  }
0xae: {  	s16 =	rddreg [dreg:$0x4];
	[sflag:s13] =	ssyncadd.s32 $0xFFFFD800  }
0xaf: {  	[hbm4b:s16+s20] =	stream.linear.scatter [tilespmem:s6], [sflag:$0x3], $0x2800, $0x38;
	[tilespmem:$0x1E180] =	vst v63  }
0xb0: {  	_ =	swait.ge [sflag:s7], $0x2800  }
0xb1: {  	[sflag:s7] =	ssyncset.done $0x0  }
0xb2: {  	[sflag:s7] =	ssyncadd.s32 $0xFFFFD800  }
0xb3: {  	[tilespmem:s6], [sflag:$0x4] =	stream.linear.gather [spmem:s29], $0x2800, $0x38;
	[tilespmem:$0x1E180] =	vst v63  }
0xb4: {  	_ =	swait.ge [sflag:s13], $0x2800  }
0xb5: {  	[sflag:s13] =	ssyncset.done $0x0  }
0xb6: {  	s17 =	rddreg [dreg:$0x5];
	[sflag:s13] =	ssyncadd.s32 $0xFFFFD800  }
0xb7: {  	[hbm4b:s17+s20] =	stream.linear.scatter [tilespmem:s6], [sflag:$0x3], $0x2800, $0x38;
	[tilespmem:$0x1E180] =	vst v63  }
0xb8: {  	_ =	swait.ge [sflag:s7], $0x2800  }
0xb9: {  	[sflag:s7] =	ssyncset.done $0x0  }
0xba: {  	[sflag:s7] =	ssyncadd.s32 $0xFFFFD800  }
0xbb: {  	[tilespmem:s6], [sflag:$0x4] =	stream.linear.gather [spmem:s30], $0x2800, $0x38;
	[tilespmem:$0x1E180] =	vst v63  }
0xbc: {  	_ =	swait.ge [sflag:s13], $0x2800  }
0xbd: {  	[sflag:s13] =	ssyncset.done $0x0  }
0xbe: {  	s18 =	rddreg [dreg:$0x6];
	[sflag:s13] =	ssyncadd.s32 $0xFFFFD800  }
0xbf: {  	[hbm4b:s18+s20] =	stream.linear.scatter [tilespmem:s6], [sflag:$0x3], $0x2800, $0x38;
	[tilespmem:$0x1E180] =	vst v63  }
0xc0: {  	_ =	swait.ge [sflag:s7], $0x2800  }
0xc1: {  	[sflag:s7] =	ssyncset.done $0x0  }
0xc2: {  	[sflag:s7] =	ssyncadd.s32 $0xFFFFD800  }
0xc3: {  	[tilespmem:s6], [sflag:$0x4] =	stream.linear.gather [spmem:s31], $0x2800, $0x38;
	[tilespmem:$0x1E180] =	vst v63  }
0xc4: {  	_ =	swait.ge [sflag:s13], $0x2800  }
0xc5: {  	[sflag:s13] =	ssyncset.done $0x0  }
0xc6: {  	s19 =	rddreg [dreg:$0x7];
	[sflag:s13] =	ssyncadd.s32 $0xFFFFD800  }
0xc7: {  	[hbm4b:s19+s20] =	stream.linear.scatter [tilespmem:s6], [sflag:$0x3], $0x2800, $0x38;
	[tilespmem:$0x1E180] =	vst v63  }
0xc8: {  	_ =	swait.ge [sflag:s7], $0x2800  }
0xc9: {  	[sflag:s7] =	ssyncset.done $0x0  }
0xca: {  	[sflag:s7] =	ssyncadd.s32 $0xFFFFD800  }
0xcb: {  	[tilespmem:s6], [sflag:$0x4] =	stream.linear.gather [spmem:s21], $0x2800, $0x38;
	[tilespmem:$0x1E180] =	vst v63  }
0xcc: {  	_ =	swait.ge [sflag:s13], $0x2800  }
0xcd: {  	[sflag:s13] =	ssyncset.done $0x0  }
0xce: {  	s24 =	rddreg [dreg:$0x8];
	[sflag:s13] =	ssyncadd.s32 $0xFFFFD800  }
0xcf: {  	[hbm4b:s24+s20] =	stream.linear.scatter [tilespmem:s6], [sflag:$0x3], $0x2800, $0x38;
	[tilespmem:$0x1E180] =	vst v63  }
0xd0: {  	_ =	swait.ge [sflag:s7], $0x2800  }
0xd1: {  	[sflag:s7] =	ssyncset.done $0x0  }
0xd2: {  	[sflag:s7] =	ssyncadd.s32 $0xFFFFD800  }
0xd3: {  	[tilespmem:s6], [sflag:$0x4] =	stream.linear.gather [spmem:s0], $0x2800, $0x38;
	[tilespmem:$0x1E180] =	vst v63  }
0xd4: {  	_ =	swait.ge [sflag:s13], $0x2800  }
0xd5: {  	[sflag:s13] =	ssyncset.done $0x0  }
0xd6: {  	s25 =	rddreg [dreg:$0x9];
	[sflag:s13] =	ssyncadd.s32 $0xFFFFD800  }
0xd7: {  	[hbm4b:s25+s20] =	stream.linear.scatter [tilespmem:s6], [sflag:$0x3], $0x2800, $0x38;
	[tilespmem:$0x1E180] =	vst v63  }
0xd8: {  	_ =	swait.ge [sflag:s7], $0x2800  }
0xd9: {  	[sflag:s7] =	ssyncset.done $0x0  }
0xda: {  	s3 =	simm.s32 @!p0 $0x4;
	s1 =	simm.s32 @!p0 $0x13880;
	[sflag:s7] =	ssyncadd.s32 $0xFFFFD800  }
0xdb: {  	[tilespmem:s1], [sflag:$0x4] =	stream.linear.gather @!p0 [spmem:s2], $0x2800, $0x38;
	[tilespmem:$0x1E180] =	vst v63  }
0xdc: {  	_ =	swait.ge @!p0 [sflag:s3], $0x2800  }
0xdd: {  	[sflag:s3] =	ssyncset.done @!p0 $0x0  }
0xde: {  	s5 =	rddreg [dreg:$0xa];
	[sflag:s3] =	ssyncadd.s32 @!p0 $0xFFFFD800;
	s3 =	simm.s32 @!p0 $0x0  }
0xdf: {  	[hbm4b:s5+s3] =	stream.linear.scatter @!p0 [tilespmem:s1], [sflag:$0x3], $0x2800, $0x38;
	[tilespmem:$0x1E180] =	vst v63  }
0xe0: {  	s1 =	simm.s32 @!p0 $0x3  }
0xe1: {  	_ =	swait.ge @!p0 [sflag:s1], $0x2800  }
0xe2: {  	[sflag:s1] =	ssyncset.done @!p0 $0x0  }
0xe3: {  	[sflag:s1] =	ssyncadd.s32 @!p0 $0xFFFFD800  }
0xe4: {  	s8 =	simm.s32 $0x0;
	s3 =	simm.s32 $0x200;
	[bflag:$0x0] =	sbarrier.arrive $0xFFFF  }
.LBB2_6:
0xe5: {  	p3 =	sne.s32 s3, $0x9E00;
	[tilespmem:s8+$0x138F0] =	vst v0  }
0xe6: {  	[tilespmem:s8+$0x13880] =	vst v0  }
0xe7: {  	[tilespmem:s8+$0x13890] =	vst v0  }
.Ltmp2:
0xe8: {  	[tilespmem:s8+$0x138A0] =	vst v0;
	(pc) =	sbr.rel @p3 .LBB2_6-.Ltmp2, $4  }
0xe9: {  	[tilespmem:s8+$0x138B0] =	vst v0  }
0xea: {  	[tilespmem:s8+$0x138C0] =	vst v0  }
0xeb: {  	[tilespmem:s8+$0x138D0] =	vst v0  }
0xec: {  	[tilespmem:s8+$0x138E0] =	vst v0;
	s8 =	sshra.s32 s3, $0x2;
	s3 =	sadd.s32 $0x200, s3  }
0xed: {  	[tilespmem:s8+$0x138F0] =	vst v0  }
0xee: {  	[tilespmem:s8+$0x13880] =	vst v0  }
0xef: {  	[tilespmem:s8+$0x13890] =	vst v0  }
0xf0: {  	[tilespmem:s8+$0x138A0] =	vst v0  }
0xf1: {  	[tilespmem:s8+$0x138B0] =	vst v0  }
0xf2: {  	[tilespmem:s8+$0x138C0] =	vst v0  }
0xf3: {  	[tilespmem:s8+$0x138D0] =	vst v0  }
0xf4: {  	[tilespmem:s8+$0x138E0] =	vst v0  }
0xf5: {  	[spmem:s26] =	stream.linear.scatter [tilespmem:s6], [sflag:$0x3], $0x2800, $0x38;
	[tilespmem:$0x1E180] =	vst v63  }
0xf6: {  	_ =	swait.ge [sflag:s7], $0x2800  }
0xf7: {  	[sflag:s7] =	ssyncset.done $0x0  }
0xf8: {  	[sflag:s7] =	ssyncadd.s32 $0xFFFFD800  }
0xf9: {  	[spmem:s28] =	stream.linear.scatter [tilespmem:s6], [sflag:$0x3], $0x2800, $0x38;
	[tilespmem:$0x1E180] =	vst v63  }
0xfa: {  	_ =	swait.ge [sflag:s7], $0x2800  }
0xfb: {  	[sflag:s7] =	ssyncset.done $0x0  }
0xfc: {  	[sflag:s7] =	ssyncadd.s32 $0xFFFFD800  }
0xfd: {  	[spmem:s29] =	stream.linear.scatter [tilespmem:s6], [sflag:$0x3], $0x2800, $0x38;
	[tilespmem:$0x1E180] =	vst v63  }
0xfe: {  	_ =	swait.ge [sflag:s7], $0x2800  }
0xff: {  	[sflag:s7] =	ssyncset.done $0x0  }
0x100: {  	[sflag:s7] =	ssyncadd.s32 $0xFFFFD800  }
0x101: {  	[spmem:s30] =	stream.linear.scatter [tilespmem:s6], [sflag:$0x3], $0x2800, $0x38;
	[tilespmem:$0x1E180] =	vst v63  }
0x102: {  	_ =	swait.ge [sflag:s7], $0x2800  }
0x103: {  	[sflag:s7] =	ssyncset.done $0x0  }
0x104: {  	[sflag:s7] =	ssyncadd.s32 $0xFFFFD800  }
0x105: {  	[spmem:s31] =	stream.linear.scatter [tilespmem:s6], [sflag:$0x3], $0x2800, $0x38;
	[tilespmem:$0x1E180] =	vst v63  }
0x106: {  	_ =	swait.ge [sflag:s7], $0x2800  }
0x107: {  	[sflag:s7] =	ssyncset.done $0x0  }
0x108: {  	[sflag:s7] =	ssyncadd.s32 $0xFFFFD800  }
0x109: {  	[spmem:s21] =	stream.linear.scatter [tilespmem:s6], [sflag:$0x3], $0x2800, $0x38;
	[tilespmem:$0x1E180] =	vst v63  }
0x10a: {  	_ =	swait.ge [sflag:s7], $0x2800  }
0x10b: {  	[sflag:s7] =	ssyncset.done $0x0  }
0x10c: {  	[sflag:s7] =	ssyncadd.s32 $0xFFFFD800  }
0x10d: {  	[spmem:s0] =	stream.linear.scatter [tilespmem:s6], [sflag:$0x3], $0x2800, $0x38;
	[tilespmem:$0x1E180] =	vst v63  }
0x10e: {  	_ =	swait.ge [sflag:s7], $0x2800  }
0x10f: {  	[sflag:s7] =	ssyncset.done $0x0  }
0x110: {  	s1 =	simm.s32 @!p0 $0x13880;
	[sflag:s7] =	ssyncadd.s32 $0xFFFFD800  }
0x111: {  	[spmem:s2] =	stream.linear.scatter @!p0 [tilespmem:s1], [sflag:$0x3], $0x2800, $0x38;
	[tilespmem:$0x1E180] =	vst v63  }
0x112: {  	s1 =	simm.s32 @!p0 $0x3  }
0x113: {  	_ =	swait.ge @!p0 [sflag:s1], $0x2800  }
0x114: {  	[sflag:s1] =	ssyncset.done @!p0 $0x0  }
0x115: {  	[sflag:s1] =	ssyncadd.s32 @!p0 $0xFFFFD800  }
0x116: {  	s9 =	simm.s32 $0x0;
	[bflag:$0x0] =	sbarrier.arrive $0xFFFF  }
0x117: {  	s5 =	simm.s32 $0x16080;
	s16 =	simm.s32 $0x1;
	s3 =	rddreg [dreg:$0x15]  }
0x118: {  	[tilespmem:s5], [sflag:$0x1] =	stream.linear.gather [hbm4b:s3+s9], $0x80, $0x38;
	[tilespmem:$0x1E180] =	vst v63  }
0x119: {  	s24 =	simm.s32 $0x16180;
	s8 =	simm.s32 @!p2 $0x0;
	s3 =	sand.u32 @!p2 $0x1, s16  }
0x11a: {  	s19 =	rddreg [dreg:$0x14];
	s5 =	sshll.u32 @!p2 s3, $0x7;
	s3 =	sshll.u32 @!p2 s3, $0xE  }
0x11b: {  	[tilespmem:s24], [sflag:$0x2] =	stream.linear.gather [hbm4b:s19+s9], $0x4000, $0x38;
	[tilespmem:$0x1E180] =	vst v63  }
0x11c: {  	s17 =	simm.s32 $0x2;
	s5 =	sadd.s32 @!p2 $0x16080, s5;
	s3 =	sadd.s32 @!p2 $0x16180, s3  }
0x11d: {  	[tilespmem:s5], [sflag:$0x1] =	stream.linear.gather @!p2 [hbm4b:s15+s8], $0x80, $0x38;
	[tilespmem:$0x1E180] =	vst v63  }
0x11e: {  	s24 =	sand.u32 $0x1, s9;
	s19 =	sadd.s32 $0x10, s4;
	s5 =	rddreg [dreg:$0x19]  }
0x11f: {  	[tilespmem:s3], [sflag:$0x2] =	stream.linear.gather @!p2 [hbm4b:s5+s8], $0x4000, $0x38;
	[tilespmem:$0x1E180] =	vst v63  }
0x120: {  	s15 =	sadd.s32 $0x8000, s5;
	p2 =	sgt.u32 s19, $0x4E1;
	_ =	swait.ge [sflag:s10], $0x80  }
0x121: {  	s3 =	sshll.u32 s24, $0x7;
	s25 =	rddreg [dreg:$0x18];
	[sflag:s10] =	ssyncset.done $0x0  }
0x122: {  	s8 =	sand.u32 @!p2 $0x1, s17;
	s18 =	sadd.s32 $0x800, s25;
	[sflag:s10] =	ssyncadd.s32 $0xFFFFFF80  }
0x123: {  	s25 =	smov.u32 s4;
	s9 =	sshrl.u32 @!p2 s18, $0x3;
	_ =	swait.ge [sflag:s11], $0x4000  }
.LBB2_8:
0x124: {  	s1 =	sshll.u32 @!p2 s8, $0x7;
	[sflag:s11] =	ssyncset.done $0x0  }
0x125: {  	s5 =	smov.u32 s16;
	s16 =	smov.u32 s17;
	s17 =	sadd.s32 $0x1, s17  }
0x126: {  	s3 =	sadd.s32 $0x16080, s3;
	s24 =	sshll.u32 s24, $0xE;
	[sflag:s11] =	ssyncadd.s32 $0xFFFFC000  }
0x127: {  	s8 =	sshll.u32 @!p2 s8, $0xE;
	s1 =	sadd.s32 @!p2 $0x16080, s1;
	s24 =	sadd.s32 $0x16180, s24  }
0x128: {  	[spmem:s23] =	stream.indirect.scatter.add.f32 [tilespmem:s24], [sflag:$0x3], $0x80, s3, s12, $0xb8;
	[tilespmem:$0x1E180] =	vst v63  }
0x129: {  	s3 =	sadd.s32 @!p2 s22, s9;
	s9 =	simm.s32 @!p2 $0x0;
	_ =	swait.ge [sflag:s7], $0x4000  }
0x12a: {  	p3 =	sne.s32 s17, $0x4E;
	s8 =	sadd.s32 @!p2 $0x16180, s8;
	[sflag:s7] =	ssyncset.done $0x0  }
0x12b: {  	[sflag:s7] =	ssyncadd.s32 $0xFFFFC000  }
0x12c: {  	[tilespmem:s1], [sflag:$0x1] =	stream.linear.gather @!p2 [hbm4b:s3+s9], $0x80, $0x38;
	[tilespmem:$0x1E180] =	vst v63  }
0x12d: {  	_ = 	snop  }
0x12e: {  	[tilespmem:s8], [sflag:$0x2] =	stream.linear.gather @!p2 [hbm4b:s15+s9], $0x4000, $0x38;
	[tilespmem:$0x1E180] =	vst v63  }
.Ltmp3:
0x12f: {  	_ = 	snop;
	(pc) =	sbr.rel @p3 .LBB2_8-.Ltmp3, $4  }
0x130: {  	s18 =	sadd.s32 $0x800, s18;
	s15 =	sadd.s32 $0x8000, s15;
	_ =	swait.ge [sflag:s10], $0x80  }
0x131: {  	s19 =	sadd.s32 $0x10, s19;
	s24 =	sand.u32 $0x1, s5;
	[sflag:s10] =	ssyncset.done $0x0  }
0x132: {  	s3 =	sshll.u32 s24, $0x7;
	p2 =	sgt.u32 s19, $0x4E1;
	[sflag:s10] =	ssyncadd.s32 $0xFFFFFF80  }
0x133: {  	s8 =	sand.u32 @!p2 $0x1, s17;
	s9 =	sshrl.u32 @!p2 s18, $0x3;
	_ =	swait.ge [sflag:s11], $0x4000  }
0x134: {  	[sflag:s11] =	ssyncset.done $0x0;
	s1 =	sshll.u32 s24, $0xE  }
0x135: {  	s3 =	sadd.s32 $0x16080, s3;
	[sflag:s11] =	ssyncadd.s32 $0xFFFFC000;
	s1 =	sadd.s32 $0x16180, s1  }
0x136: {  	[spmem:s23] =	stream.indirect.scatter.add.f32 [tilespmem:s1], [sflag:$0x3], $0x80, s3, s12, $0xb8;
	[tilespmem:$0x1E180] =	vst v63  }
0x137: {  	_ =	swait.ge [sflag:s7], $0x4000  }
0x138: {  	s5 =	simm.s32 @!p2 $0x0;
	s1 =	sshll.u32 @!p2 s8, $0x7;
	[sflag:s7] =	ssyncset.done $0x0  }
0x139: {  	s3 =	sadd.s32 @!p2 s22, s9;
	s1 =	sadd.s32 @!p2 $0x16080, s1;
	[sflag:s7] =	ssyncadd.s32 $0xFFFFC000  }
0x13a: {  	[tilespmem:s1], [sflag:$0x1] =	stream.linear.gather @!p2 [hbm4b:s3+s5], $0x80, $0x38;
	[tilespmem:$0x1E180] =	vst v63  }
0x13b: {  	s1 =	sshll.u32 @!p2 s8, $0xE  }
0x13c: {  	s1 =	sadd.s32 @!p2 $0x16180, s1  }
0x13d: {  	[tilespmem:s1], [sflag:$0x2] =	stream.linear.gather @!p2 [hbm4b:s15+s5], $0x4000, $0x38;
	[tilespmem:$0x1E180] =	vst v63  }
0x13e: {  	_ =	swait.ge [sflag:s10], $0x80  }
0x13f: {  	[sflag:s10] =	ssyncset.done $0x0  }
0x140: {  	[sflag:s10] =	ssyncadd.s32 $0xFFFFFF80  }
0x141: {  	s4 =	sand.u32 $0x1, s16;
	_ =	swait.ge [sflag:s11], $0x4000  }
0x142: {  	s5 =	sshll.u32 s4, $0x7;
	s1 =	sshll.u32 s4, $0xE;
	[sflag:s11] =	ssyncset.done $0x0  }
0x143: {  	s3 =	sadd.s32 $0x16080, s5;
	s1 =	sadd.s32 $0x16180, s1;
	[sflag:s11] =	ssyncadd.s32 $0xFFFFC000  }
0x144: {  	[spmem:s23] =	stream.indirect.scatter.add.f32 [tilespmem:s1], [sflag:$0x3], $0x80, s3, s12, $0xb8;
	[tilespmem:$0x1E180] =	vst v63  }
0x145: {  	_ =	swait.ge [sflag:s7], $0x4000  }
0x146: {  	[sflag:s7] =	ssyncset.done $0x0  }
0x147: {  	s1 =	simm.s32 @!p1 $0x1;
	[sflag:s7] =	ssyncadd.s32 $0xFFFFC000  }
0x148: {  	_ =	swait.ge @!p1 [sflag:s1], $0x80  }
0x149: {  	[sflag:s1] =	ssyncset.done @!p1 $0x0  }
0x14a: {  	[sflag:s1] =	ssyncadd.s32 @!p1 $0xFFFFFF80;
	s1 =	simm.s32 @!p1 $0x2  }
0x14b: {  	_ =	swait.ge @!p1 [sflag:s1], $0x4000  }
0x14c: {  	s5 =	simm.s32 @!p1 $0x16180;
	[sflag:s1] =	ssyncset.done @!p1 $0x0  }
0x14d: {  	s3 =	simm.s32 @!p1 $0x16080;
	[sflag:s1] =	ssyncadd.s32 @!p1 $0xFFFFC000;
	s1 =	simm.s32 @!p1 $0x80  }
0x14e: {  	[spmem:s23] =	stream.indirect.scatter.add.f32 @!p1 [tilespmem:s5], [sflag:$0x3], $0x80, s3, s1, $0xb8;
	[tilespmem:$0x1E180] =	vst v63  }
0x14f: {  	s1 =	simm.s32 @!p1 $0x3  }
0x150: {  	_ =	swait.ge @!p1 [sflag:s1], $0x4000  }
0x151: {  	[sflag:s1] =	ssyncset.done @!p1 $0x0  }
0x152: {  	[sflag:s1] =	ssyncadd.s32 @!p1 $0xFFFFC000  }
0x153: {  	[bflag:$0x0] =	sbarrier.arrive $0xFFFF  }
0x154: {  	[tilespmem:s6], [sflag:$0x4] =	stream.linear.gather [spmem:s26], $0x2800, $0x38;
	[tilespmem:$0x1E180] =	vst v63  }
0x155: {  	_ =	swait.ge [sflag:s13], $0x2800  }
0x156: {  	[sflag:s13] =	ssyncset.done $0x0  }
0x157: {  	s8 =	rddreg [dreg:$0xb];
	[sflag:s13] =	ssyncadd.s32 $0xFFFFD800  }
0x158: {  	[hbm4b:s8+s20] =	stream.linear.scatter [tilespmem:s6], [sflag:$0x3], $0x2800, $0x38;
	[tilespmem:$0x1E180] =	vst v63  }
0x159: {  	_ =	swait.ge [sflag:s7], $0x2800  }
0x15a: {  	[sflag:s7] =	ssyncset.done $0x0  }
0x15b: {  	[sflag:s7] =	ssyncadd.s32 $0xFFFFD800  }
0x15c: {  	[tilespmem:s6], [sflag:$0x4] =	stream.linear.gather [spmem:s28], $0x2800, $0x38;
	[tilespmem:$0x1E180] =	vst v63  }
0x15d: {  	_ =	swait.ge [sflag:s13], $0x2800  }
0x15e: {  	[sflag:s13] =	ssyncset.done $0x0  }
0x15f: {  	s9 =	rddreg [dreg:$0xc];
	[sflag:s13] =	ssyncadd.s32 $0xFFFFD800  }
0x160: {  	[hbm4b:s9+s20] =	stream.linear.scatter [tilespmem:s6], [sflag:$0x3], $0x2800, $0x38;
	[tilespmem:$0x1E180] =	vst v63  }
0x161: {  	_ =	swait.ge [sflag:s7], $0x2800  }
0x162: {  	[sflag:s7] =	ssyncset.done $0x0  }
0x163: {  	[sflag:s7] =	ssyncadd.s32 $0xFFFFD800  }
0x164: {  	[tilespmem:s6], [sflag:$0x4] =	stream.linear.gather [spmem:s29], $0x2800, $0x38;
	[tilespmem:$0x1E180] =	vst v63  }
0x165: {  	_ =	swait.ge [sflag:s13], $0x2800  }
0x166: {  	[sflag:s13] =	ssyncset.done $0x0  }
0x167: {  	s15 =	rddreg [dreg:$0xd];
	[sflag:s13] =	ssyncadd.s32 $0xFFFFD800  }
0x168: {  	[hbm4b:s15+s20] =	stream.linear.scatter [tilespmem:s6], [sflag:$0x3], $0x2800, $0x38;
	[tilespmem:$0x1E180] =	vst v63  }
0x169: {  	_ =	swait.ge [sflag:s7], $0x2800  }
0x16a: {  	[sflag:s7] =	ssyncset.done $0x0  }
0x16b: {  	[sflag:s7] =	ssyncadd.s32 $0xFFFFD800  }
0x16c: {  	[tilespmem:s6], [sflag:$0x4] =	stream.linear.gather [spmem:s30], $0x2800, $0x38;
	[tilespmem:$0x1E180] =	vst v63  }
0x16d: {  	_ =	swait.ge [sflag:s13], $0x2800  }
0x16e: {  	[sflag:s13] =	ssyncset.done $0x0  }
0x16f: {  	s16 =	rddreg [dreg:$0xe];
	[sflag:s13] =	ssyncadd.s32 $0xFFFFD800  }
0x170: {  	[hbm4b:s16+s20] =	stream.linear.scatter [tilespmem:s6], [sflag:$0x3], $0x2800, $0x38;
	[tilespmem:$0x1E180] =	vst v63  }
0x171: {  	_ =	swait.ge [sflag:s7], $0x2800  }
0x172: {  	[sflag:s7] =	ssyncset.done $0x0  }
0x173: {  	[sflag:s7] =	ssyncadd.s32 $0xFFFFD800  }
0x174: {  	[tilespmem:s6], [sflag:$0x4] =	stream.linear.gather [spmem:s31], $0x2800, $0x38;
	[tilespmem:$0x1E180] =	vst v63  }
0x175: {  	_ =	swait.ge [sflag:s13], $0x2800  }
0x176: {  	[sflag:s13] =	ssyncset.done $0x0  }
0x177: {  	s17 =	rddreg [dreg:$0xf];
	[sflag:s13] =	ssyncadd.s32 $0xFFFFD800  }
0x178: {  	[hbm4b:s17+s20] =	stream.linear.scatter [tilespmem:s6], [sflag:$0x3], $0x2800, $0x38;
	[tilespmem:$0x1E180] =	vst v63  }
0x179: {  	_ =	swait.ge [sflag:s7], $0x2800  }
0x17a: {  	[sflag:s7] =	ssyncset.done $0x0  }
0x17b: {  	[sflag:s7] =	ssyncadd.s32 $0xFFFFD800  }
0x17c: {  	[tilespmem:s6], [sflag:$0x4] =	stream.linear.gather [spmem:s21], $0x2800, $0x38;
	[tilespmem:$0x1E180] =	vst v63  }
0x17d: {  	_ =	swait.ge [sflag:s13], $0x2800  }
0x17e: {  	[sflag:s13] =	ssyncset.done $0x0  }
0x17f: {  	s18 =	rddreg [dreg:$0x10];
	[sflag:s13] =	ssyncadd.s32 $0xFFFFD800  }
0x180: {  	[hbm4b:s18+s20] =	stream.linear.scatter [tilespmem:s6], [sflag:$0x3], $0x2800, $0x38;
	[tilespmem:$0x1E180] =	vst v63  }
0x181: {  	_ =	swait.ge [sflag:s7], $0x2800  }
0x182: {  	[sflag:s7] =	ssyncset.done $0x0  }
0x183: {  	[sflag:s7] =	ssyncadd.s32 $0xFFFFD800  }
0x184: {  	[tilespmem:s6], [sflag:$0x4] =	stream.linear.gather [spmem:s0], $0x2800, $0x38;
	[tilespmem:$0x1E180] =	vst v63  }
0x185: {  	_ =	swait.ge [sflag:s13], $0x2800  }
0x186: {  	[sflag:s13] =	ssyncset.done $0x0  }
0x187: {  	s19 =	rddreg [dreg:$0x11];
	[sflag:s13] =	ssyncadd.s32 $0xFFFFD800  }
0x188: {  	[hbm4b:s19+s20] =	stream.linear.scatter [tilespmem:s6], [sflag:$0x3], $0x2800, $0x38;
	[tilespmem:$0x1E180] =	vst v63  }
0x189: {  	_ =	swait.ge [sflag:s7], $0x2800  }
0x18a: {  	[sflag:s7] =	ssyncset.done $0x0  }
0x18b: {  	s3 =	simm.s32 @!p0 $0x4;
	s1 =	simm.s32 @!p0 $0x13880;
	[sflag:s7] =	ssyncadd.s32 $0xFFFFD800  }
0x18c: {  	[tilespmem:s1], [sflag:$0x4] =	stream.linear.gather @!p0 [spmem:s2], $0x2800, $0x38;
	[tilespmem:$0x1E180] =	vst v63  }
0x18d: {  	_ =	swait.ge @!p0 [sflag:s3], $0x2800  }
0x18e: {  	[sflag:s3] =	ssyncset.done @!p0 $0x0  }
0x18f: {  	s4 =	rddreg [dreg:$0x12];
	[sflag:s3] =	ssyncadd.s32 @!p0 $0xFFFFD800;
	s3 =	simm.s32 @!p0 $0x0  }
0x190: {  	[hbm4b:s4+s3] =	stream.linear.scatter @!p0 [tilespmem:s1], [sflag:$0x3], $0x2800, $0x38;
	[tilespmem:$0x1E180] =	vst v63  }
0x191: {  	s1 =	simm.s32 @!p0 $0x3  }
0x192: {  	_ =	swait.ge @!p0 [sflag:s1], $0x2800  }
0x193: {  	s14 =	sadd.s32 $0x1, s14;
	s24 =	rddreg [dreg:$0x16]  }
0x194: {  	p2 =	sne.s32 s14, s24  }
.Ltmp4:
0x195: {  	_ = 	snop;
	(pc) =	sbr.rel @p2 .LBB2_1-.Ltmp4, $3  }
0x196: {  	_ =	sdelay $0x1  }
0x197: {  	[sflag:s1] =	ssyncset.done @!p0 $0x0  }
0x198: {  	[sflag:s1] =	ssyncadd.s32 @!p0 $0xFFFFD800  }
0x199: {  	_ =	sfence.sel $0x180000  }
0x19a: {  	[bflag:$0x0] =	sbarrier.arrive $0xFFFF  }
0x19b: {  	_ =	strace $0x9000004A  }
0x19c: {  	s0 =	stileid.u32;
	[bflag:$0x2] =	sbarrier.arrive $0xFFFF  }
0x19d: {  	p0 =	sne.s32 s0, $0x0;
	s0 =	rddreg [dreg:$0x2]  }
0x19e: {  	s0 =	sadd.s32 @!p0 $0x100000, s0  }
0x19f: {  	[sflag:s0] =	ssyncadd.tile.s32 @!p0 $0x1;
	_ =	shalt  }
.Lfunc_end2:
_tile_overlayer_lowered:
.L_overlay_start_2:
0x1a0: {  	(tag) =	ssettag $0x2  }
0x1a1: {  	s0 =	rddreg [dreg:$0x0];
	s2 =	stileid.u32  }
0x1a2: {  	s1 =	rddreg [dreg:$0x1];
	p0 =	sne.s32 s2, $0x0  }
0x1a3: {  	s3 =	rddreg [dreg:$0x2];
	[bflag:$0x3] =	sbarrier.arrive $0xFFFF;
	s2 =	simm.s32 @!p0 $0x1C03  }
0x1a4: {  	[timem:s3], [sflag:s2] =	dma.local @!p0 [hbm:s0], s1  }
0x1a5: {  	s0 =	simm.s32 @!p0 $0x3  }
0x1a6: {  	_ =	swait.ge @!p0 [sflag:s0], s1  }
0x1a7: {  	s1 =	ssub.s32 @!p0 $0x0, s1;
	[sflag:s0] =	ssyncset.done @!p0 $0x0  }
0x1a8: {  	[sflag:s0] =	ssyncadd.s32 @!p0 s1  }
0x1a9: {  	[bflag:$0x3] =	sbarrier.arrive $0xFFFF  }
0x1aa: {  	_ =	shalt  }

// kernel: kernel.7.cloned.1.call-start
scs
__scs_entry_jumppad:
0x0: {  	(pc) =	sbr.rel $0x88, $3  }
0x1: {  	(tag) =	ssettag $0x0;
	lr =	simm.s32 $0x1  }
0x2: {  	[smem:$0x3F7B] =	sst lr;
	_ =	strace $0xD0000000  }
0x3: {  	_ = 	snop  }
0x4: {  	_ = 	snop  }
0x5: {  	_ = 	snop  }
0x6: {  	_ = 	snop  }
0x7: {  	_ = 	snop  }
__scs_overlays_trampoline_lowered:
0x8: {  	[smem:$0x3F8A] =	sst s0  }
0x9: {  	[smem:$0x3F8B] =	sst s1  }
0xa: {  	[smem:$0x3F8C] =	sst s2  }
0xb: {  	[smem:$0x3F8D] =	sst s3  }
0xc: {  	[smem:$0x3F8E] =	sst s4  }
0xd: {  	[smem:$0x3F8F] =	sst s5  }
0xe: {  	[smem:$0x3F90] =	sst s6  }
0xf: {  	[smem:$0x3F91] =	sst s7  }
0x10: {  	[smem:$0x3F92] =	sst s8  }
0x11: {  	[smem:$0x3F93] =	sst s9;
	s0 =	simm.s32 @!p0 $0x0  }
0x12: {  	s1 =	sld [smem:$0x3F79];
	s0 =	simm.s32 @p0 $0x1  }
0x13: {  	[smem:$0x3F94] =	sst s0;
	s0 =	simm.s32 @!p1 $0x0  }
0x14: {  	s2 =	sld [smem:$0x3F78];
	s0 =	simm.s32 @p1 $0x1  }
0x15: {  	[smem:$0x3F95] =	sst s0;
	s0 =	simm.s32 @!p2 $0x0  }
0x16: {  	s3 =	sld [smem:$0x3FDB];
	s0 =	simm.s32 @p2 $0x1  }
0x17: {  	s4 =	simm.s32 $0x1BF5;
	[smem:$0x3F97] =	sst s0  }
0x18: {  	s0 =	sld [smem:$0x3F7A];
	_ =	swait.ge [sflag:s4], $0x0  }
0x19: {  	s7 =	sld [smem:$0x3F7B]  }
0x1a: {  	s8 =	sadd.s32 $0xFFFFE003, lr  }
0x1b: {  	s9 =	sadd.s32 $0xFFFFFEF7, lr;
	s5 =	simm.s32 $0xFFFFFFFF;
	p2 =	slt.u32 s8, $0xFFFFF086  }
0x1c: {  	p1 =	slt.u32 s9, $0xF7A;
	s5 =	simm.s32 @!p2 $0x0  }
0x1d: {  	s5 =	simm.s32 @p1 $0x1;
	p0 =	seq.s32 s7, s2  }
0x1e: {  	s7 =	smul.u32 @!p0 $0xF7A, s2;
	p2 =	seq.s32 @!p0 s5, $0x0  }
0x1f: {  	s9 =	smul.u32 $0xF7A, s1;
	s8 =	simm.s32 @!p0 $0x1BF5;
	p2 =	por !p2, p0  }
0x20: {  	[sflag:s8] =	ssyncset.s32 @!p0 $0xFFFFF086;
	s6 =	sadd.s32 @!p0 s3, s7;
	s7 =	simm.s32 @!p0 $0x108  }
0x21: {  	s3 =	sadd.s32 s3, s9;
	s6 =	sadd.s32 @!p0 $0x88, s6;
	s7 =	simm.s32 @p2 $0x1082  }
0x22: {  	[simem:s7], [sflag:s8] =	dma.local @!p0 [hbm:s6], $0xF7A  }
0x23: {  	s9 =	sor.u32 $0xD0000000, s2;
	s6 =	simm.s32 $0x108;
	_ =	swait.ge @!p0 [sflag:s8], $0x0  }
0x24: {  	s3 =	sadd.s32 $0x88, s3;
	s6 =	simm.s32 @!p1 $0x1082;
	[sflag:s4] =	ssyncset.s32 $0xFFFFF086  }
0x25: {  	[simem:s6], [sflag:s4] =	dma.local [hbm:s3], $0xF7A  }
0x26: {  	[smem:$0x3F7B] =	sst s1;
	(tag) =	ssettag s2;
	_ =	strace s9  }
0x27: {  	s1 =	sld [smem:$0x3F8B]  }
0x28: {  	s2 =	sld [smem:$0x3F8C]  }
0x29: {  	s4 =	sld [smem:$0x3F8E]  }
0x2a: {  	p0 =	seq.s32 s5, $0x0;
	s5 =	sld [smem:$0x3F8F]  }
0x2b: {  	s6 =	sld [smem:$0x3F90]  }
0x2c: {  	s7 =	sld [smem:$0x3F91]  }
0x2d: {  	s3 =	simm.s32 $0x108;
	s8 =	sld [smem:$0x3F92]  }
0x2e: {  	s3 =	simm.s32 @!p0 $0x1082;
	s9 =	sld [smem:$0x3F93]  }
0x2f: {  	lr =	sadd.s32 s0, s3;
	s0 =	sld [smem:$0x3F8A]  }
0x30: {  	s3 =	sld [smem:$0x3F8D]  }
0x31: {  	[smem:$0x3F96] =	sst s10  }
0x32: {  	s10 =	sld [smem:$0x3F94];
	_ =	sdelay $0x3  }
0x33: {  	p0 =	seq.s32 s10, $0x1;
	s10 =	sld [smem:$0x3F96];
	_ =	sdelay $0x3  }
0x34: {  	[smem:$0x3F96] =	sst s10  }
0x35: {  	s10 =	sld [smem:$0x3F95];
	_ =	sdelay $0x3  }
0x36: {  	p1 =	seq.s32 s10, $0x1;
	s10 =	sld [smem:$0x3F96];
	_ =	sdelay $0x3  }
0x37: {  	[smem:$0x3F96] =	sst s10  }
0x38: {  	s10 =	sld [smem:$0x3F97]  }
0x39: {  	_ = 	snop;
	(pc) =	sbr.ind lr, $3  }
0x3a: {  	_ = 	snop  }
0x3b: {  	_ = 	snop  }
0x3c: {  	p2 =	seq.s32 s10, $0x1;
	s10 =	sld [smem:$0x3F96]  }
0x3d: {  	_ =	shalt  }
0x3e: {  	_ =	shalt  }
0x3f: {  	_ =	shalt  }
0x40: {  	_ =	shalt  }
0x41: {  	_ =	shalt  }
0x42: {  	_ =	shalt  }
0x43: {  	_ =	shalt  }
0x44: {  	_ =	shalt  }
0x45: {  	_ =	shalt  }
0x46: {  	_ =	shalt  }
0x47: {  	_ =	shalt  }
0x48: {  	_ =	shalt  }
0x49: {  	_ =	shalt  }
0x4a: {  	_ =	shalt  }
0x4b: {  	_ =	shalt  }
0x4c: {  	_ =	shalt  }
0x4d: {  	_ =	shalt  }
0x4e: {  	_ =	shalt  }
0x4f: {  	_ =	shalt  }
0x50: {  	_ =	shalt  }
0x51: {  	_ =	shalt  }
0x52: {  	_ =	shalt  }
0x53: {  	_ =	shalt  }
0x54: {  	_ =	shalt  }
0x55: {  	_ =	shalt  }
0x56: {  	_ =	shalt  }
0x57: {  	_ =	shalt  }
0x58: {  	_ =	shalt  }
0x59: {  	_ =	shalt  }
0x5a: {  	_ =	shalt  }
0x5b: {  	_ =	shalt  }
0x5c: {  	_ =	shalt  }
0x5d: {  	_ =	shalt  }
0x5e: {  	_ =	shalt  }
0x5f: {  	_ =	shalt  }
0x60: {  	_ =	shalt  }
0x61: {  	_ =	shalt  }
0x62: {  	_ =	shalt  }
0x63: {  	_ =	shalt  }
0x64: {  	_ =	shalt  }
0x65: {  	_ =	shalt  }
0x66: {  	_ =	shalt  }
0x67: {  	_ =	shalt  }
0x68: {  	_ =	shalt  }
0x69: {  	_ =	shalt  }
0x6a: {  	_ =	shalt  }
0x6b: {  	_ =	shalt  }
0x6c: {  	_ =	shalt  }
0x6d: {  	_ =	shalt  }
0x6e: {  	_ =	shalt  }
0x6f: {  	_ =	shalt  }
0x70: {  	_ =	shalt  }
0x71: {  	_ =	shalt  }
0x72: {  	_ =	shalt  }
0x73: {  	_ =	shalt  }
0x74: {  	_ =	shalt  }
0x75: {  	_ =	shalt  }
0x76: {  	_ =	shalt  }
0x77: {  	_ =	shalt  }
0x78: {  	_ =	shalt  }
0x79: {  	_ =	shalt  }
0x7a: {  	_ =	shalt  }
0x7b: {  	_ =	shalt  }
0x7c: {  	_ =	shalt  }
0x7d: {  	_ =	shalt  }
0x7e: {  	_ =	shalt  }
0x7f: {  	_ =	shalt  }
0x80: {  	_ =	shalt  }
0x81: {  	_ =	shalt  }
0x82: {  	_ =	shalt  }
0x83: {  	_ =	shalt  }
0x84: {  	_ =	shalt  }
0x85: {  	_ =	shalt  }
0x86: {  	_ =	shalt  }
0x87: {  	_ =	shalt  }
.Lfunc_end0:
.L_simem_size_0:
called_computation_lowered:
.L_overlay_start_0:
0x88: {  	s2 =	sld [smem:$0x3FD9]  }
0x89: {  	s3 =	sld [smem:$0x3FFE];
	_ =	sdelay $0x1  }
0x8a: {  	s1 =	srdreg.scid  }
0x8b: {  	s0 =	sand.u32 $0x1, s1  }
0x8c: {  	s14 =	sshll.u32 s0, $0xA;
	s2 =	sadd.s32 s3, s2  }
0x8d: {  	s2 =	sadd.s32 s2, s14  }
0x8e: {  	[smem:$0x3FA2] =	sst s2  }
0x8f: {  	_ = 	snop  }
0x90: {  	s2 =	sld [smem:$0x3FD0];
	_ =	sdelay $0x2  }
0x91: {  	s15 =	simm.s32 $0xA;
	s4 =	simm.s32 $0x10  }
0x92: {  	[smem:s4], [sflag:s15] =	dma.local [hbm:s2], $0x1  }
0x93: {  	_ =	swait.eq [sflag:s15], $0x1  }
0x94: {  	[sflag:s15] =	ssyncset.done $0x0  }
0x95: {  	[sflag:s15] =	ssyncadd.s32 $0xFFFFFFFF  }
0x96: {  	s16 =	sld [smem:$0x11];
	(tm) =	ssettm $0x1  }
0x97: {  	s17 =	sld [smem:$0x3FFB];
	_ =	sdelay $0x3  }
0x98: {  	_ =	strace s17  }
0x99: {  	s3 =	sld [smem:$0x3FFC];
	_ =	sdelay $0x3  }
0x9a: {  	_ =	strace s3  }
0x9b: {  	s3 =	sld [smem:$0x3FFD];
	_ =	sdelay $0x3  }
0x9c: {  	_ =	strace s3  }
0x9d: {  	_ =	strace $0x8FFFFFFF  }
0x9e: {  	s18 =	sld [smem:$0x3FDB];
	_ =	sdelay $0x1  }
0x9f: {  	s19 =	simm.s32 $_scs_section_size  }
0xa0: {  	s5 =	simm.s32 $_size__tile_overlayer_lowered;
	s6 =	simm.s32 $_tile_overlayer_lowered  }
0xa1: {  	s22 =	simm.s32 $0x1BFF;
	s21 =	sshll.u32 s6, $0x1;
	s3 =	sadd.s32 s19, s18  }
0xa2: {  	s7 =	simm.s32 $0x0;
	s20 =	sshll.u32 s5, $0x1;
	s5 =	sadd.s32 s21, s3  }
0xa3: {  	[timem:s7], [sflag:s22] =	dma.local [hbm:s5], s20  }
0xa4: {  	_ =	swait.ge [sflag:s22], s20  }
0xa5: {  	s4 =	ssub.s32 $0x0, s20;
	[sflag:s22] =	ssyncset.done $0x0  }
0xa6: {  	[sflag:s22] =	ssyncadd.s32 s4;
	_ =	sdelay $0x1  }
0xa7: {  	s23 =	simm.s32 $0x1B8B  }
0xa8: {  	_ =	swait.ge [sflag:s23], $0x1  }
0xa9: {  	[sflag:s23] =	ssyncset.done $0x0  }
0xaa: {  	s25 =	simm.s32 $0x1B8E;
	s24 =	sld [smem:$0x3FFE];
	[sflag:s23] =	ssyncadd.s32 $0xFFFFFFFF  }
0xab: {  	s26 =	simm.s32 $execute0_lowered;
	[smem:$0x3FD2] =	sst s25  }
0xac: {  	s5 =	sshll.u32 s26, $0x1;
	_ =	strace $0x80000046;
	[dreg:$0x1] =	wrdreg $0xFFFFFFFF  }
0xad: {  	s28 =	simm.s32 $_size_execute0_lowered;
	s3 =	sadd.s32 s3, s5;
	[dreg:$0x0] =	wrdreg $0x0  }
0xae: {  	s5 =	sshll.u32 s28, $0x1;
	[dreg:$0x2] =	wrdreg s3  }
0xaf: {  	[dreg:$0x3] =	wrdreg s5  }
0xb0: {  	[dreg:$0x4] =	wrdreg $0xC0  }
0xb1: {  	_ =	task [dreg:s7], $0x5FFFF  }
0xb2: {  	[dreg:$0x1] =	wrdreg $0xFFFFFFFF  }
0xb3: {  	[dreg:$0x0] =	wrdreg $0x60  }
0xb4: {  	[dreg:$0x2] =	wrdreg s24  }
0xb5: {  	[dreg:$0x3] =	wrdreg s16  }
0xb6: {  	[dreg:$0x4] =	wrdreg $0x9  }
0xb7: {  	_ =	task.clear_ibuf [dreg:s7], $0x5FFFF;
	_ =	strace $0x90000046  }
0xb8: {  	s29 =	simm.s32 $0x9;
	_ =	strace $0x80000048  }
0xb9: {  	_ =	swait.ge [sflag:s29], $0x1  }
0xba: {  	[sflag:s29] =	ssyncadd.s32 $0xFFFFFFFF  }
0xbb: {  	_ =	strace $0x90000048  }
0xbc: {  	_ =	sfence  }
0xbd: {  	s30 =	sld [smem:$0x0];
	_ =	sdelay $0x2  }
0xbe: {  	s31 =	sshll.u32 s1, $0xD;
	s1 =	sshrl.u32 s1, $0x2  }
0xbf: {  	s3 =	sand.u32 $0x4000, s31;
	s1 =	sadd.s32 s1, s30  }
0xc0: {  	s0 =	sor.u32 s3, s0;
	s1 =	sshll.u32 s1, $0x11  }
0xc1: {  	s0 =	sor.u32 s1, s0  }
0xc2: {  	s0 =	sadd.s32 $0x8F2B, s0  }
0xc3: {  	[sflag:s0] =	ssyncadd.remote.s32 $0x1  }
0xc4: {  	_ =	sfence.sel $0xFFFF  }
0xc5: {  	[dreg:$0x0] =	wrdreg $0xFFFFFFFF;
	(pc) =	sbr.abs _section_cstart, $3  }
0xc6: {  	[dreg:$0x1] =	wrdreg $0xFFFFFFFF  }
0xc7: {  	_ =	task.clear_ibuf [dreg:s7], $0x2FFFF;
	_ =	strace $0x9FFFFFFF  }
0xc8: {  	(tm) =	ssettm $0x7FFFFFFF  }
0xc9: {  	_ =	shalt  }
tec
execute0_lowered:
.L_overlay_start_1:
0x0: {  	(tag) =	ssettag $0x1  }
0x1: {  	s4 =	rddreg [dreg:$0x0]  }
0x2: {  	s7 =	rddreg [dreg:$0x1]  }
0x3: {  	s0 =	rddreg [dreg:$0x2];
	s2 =	simm.s32 $0x0;
	s5 =	srdreg.scid  }
0x4: {  	s1 =	stileid.u32;
	s13 =	simm.s32 $0x1;
	s14 =	simm.s32 $0x0  }
0x5: {  	[smem:$0x7FF] =	sst s2;
	s3 =	sadd.s32 $0x11000, s4;
	s8 =	sand.u32 $0x1, s5  }
0x6: {  	s24 =	sshll.u32 s1, $0x1;
	s9 =	sadd.s32 $0x38200, s4;
	s29 =	sshll.u32 s1, $0x5  }
0x7: {  	s30 =	sshll.u32 s1, $0xC;
	p0 =	sgt.u32 s1, $0x3;
	_ =	strace $0x80000047  }
0x8: {  	s25 =	ssub.s32 $0x2, s8;
	s10 =	sor.u32 s8, s24;
	s31 =	sshll.u32 s8, $0x4  }
0x9: {  	s8 =	sshll.u32 s8, $0xB;
	s26 =	sshrl.u32 s25, $0x1;
	s6 =	sshll.u32 s10, $0x4  }
0xa: {  	s11 =	sshll.u32 s10, $0xB;
	s12 =	ssub.s32 s25, s26;
	s4 =	sadd.s32 s7, s6  }
0xb: {  	s28 =	sadd.s32 s11, s9;
	s7 =	sadd.s32 s29, s7;
	s9 =	sadd.s32 s30, s9  }
0xc: {  	s5 =	sadd.s32 $0x9C0000, s28;
	s6 =	smax.u32 s12, $0x1;
	s11 =	sadd.s32 s31, s7  }
0xd: {  	s7 =	sadd.s32 s8, s9;
	s9 =	sor.u32 $0x20, s10;
	s10 =	simm.s32 $0x2  }
0xe: {  	s12 =	simm.s32 $0x100;
	s8 =	sadd.s32 $0x200, s11;
	s11 =	simm.s32 $0x80  }
.LBB2_1:
0xf: {  	[tilespmem:s2], [sflag:$0x2] =	stream.linear.gather [hbm4b:s4+s2], $0x80, $0x38;
	[tilespmem:$0x8100] =	vst v63  }
0x10: {  	_ =	swait.ge [sflag:s10], $0x80  }
0x11: {  	p1 =	sgt.u32 s9, $0x1387;
	[sflag:s10] =	ssyncset.done $0x0  }
0x12: {  	s16 =	sand.u32 @!p1 $0x1, s13;
	[sflag:s10] =	ssyncadd.s32 $0xFFFFFF80  }
0x13: {  	[tilespmem:s12], [sflag:$0x1] =	stream.indirect.gather [hbm4b:s3+s11], $0x80, s2, s11, $0xb8;
	[tilespmem:$0x8100] =	vst v63  }
0x14: {  	s15 =	simm.s32 @!p1 $0x0;
	s18 =	simm.s32 @!p1 $0x3;
	s17 =	sshll.u32 @!p1 s16, $0x7  }
0x15: {  	[tilespmem:s17], [sflag:$0x3] =	stream.linear.gather @!p1 [hbm4b:s8+s15], $0x80, $0x38;
	[tilespmem:$0x8100] =	vst v63  }
0x16: {  	_ =	swait.ge @!p1 [sflag:s18], $0x80  }
0x17: {  	s19 =	sand.u32 $0x4000, s2;
	s16 =	sshll.u32 @!p1 s16, $0xE;
	[sflag:s18] =	ssyncset.done @!p1 $0x0  }
0x18: {  	s16 =	sor.u32 @!p1 $0x100, s16;
	[sflag:s18] =	ssyncadd.s32 @!p1 $0xFFFFFF80;
	s18 =	simm.s32 @!p1 $0x80  }
0x19: {  	[tilespmem:s16], [sflag:$0x1] =	stream.indirect.gather @!p1 [hbm4b:s3+s18], $0x80, s17, s18, $0xb8;
	[tilespmem:$0x8100] =	vst v63  }
0x1a: {  	s20 =	sor.u32 $0x100, s19;
	s19 =	sadd.s32 $0x20, s9;
	_ =	swait.ge [sflag:s13], $0x4000  }
0x1b: {  	s15 =	simm.s32 $0x4000;
	s18 =	simm.s32 $0x8000;
	[sflag:s13] =	ssyncset.done $0x0  }
0x1c: {  	s16 =	sadd.s32 $0x10000, s7;
	s17 =	sadd.s32 $0x200, s8;
	[sflag:s13] =	ssyncadd.s32 $0xFFFFC000  }
0x1d: {  	[hbm4b:s7+s2] =	stream.linear.scatter [tilespmem:s20], [sflag:$0x2], $0x4000, $0x38;
	[tilespmem:$0x8100] =	vst v63  }
0x1e: {  	p1 =	sgt.u32 s19, $0x1387;
	s20 =	simm.s32 $0x2;
	_ =	swait.ge [sflag:s10], $0x4000  }
0x1f: {  	s22 =	simm.s32 @!p1 $0x0;
	s21 =	sand.u32 @!p1 $0x1, s20;
	[sflag:s10] =	ssyncset.done $0x0  }
.LBB2_2:
0x20: {  	s23 =	sshll.u32 @!p1 s21, $0x7;
	s24 =	simm.s32 @!p1 $0x3;
	[sflag:s10] =	ssyncadd.s32 $0xFFFFC000  }
0x21: {  	s25 =	smov.u32 s15;
	s15 =	smov.u32 s18;
	s26 =	smov.u32 s16  }
0x22: {  	[tilespmem:s23], [sflag:$0x3] =	stream.linear.gather @!p1 [hbm4b:s17+s22], $0x80, $0x38;
	[tilespmem:$0x8100] =	vst v63  }
0x23: {  	s18 =	sadd.s32 $0x4000, s18;
	_ =	swait.ge @!p1 [sflag:s24], $0x80  }
0x24: {  	s21 =	sshll.u32 @!p1 s21, $0xE;
	p2 =	sne.s32 s18, $0x270000;
	[sflag:s24] =	ssyncset.done @!p1 $0x0  }
0x25: {  	s21 =	sor.u32 @!p1 $0x100, s21;
	s22 =	simm.s32 @!p1 $0x80;
	[sflag:s24] =	ssyncadd.s32 @!p1 $0xFFFFFF80  }
0x26: {  	[tilespmem:s21], [sflag:$0x1] =	stream.indirect.gather @!p1 [hbm4b:s3+s22], $0x80, s23, s22, $0xb8;
	[tilespmem:$0x8100] =	vst v63  }
0x27: {  	s16 =	sadd.s32 $0x10000, s16;
	s17 =	sadd.s32 $0x200, s17;
	_ =	swait.ge [sflag:s13], $0x4000  }
.Ltmp0:
0x28: {  	s21 =	sand.u32 $0x4000, s25;
	[sflag:s13] =	ssyncset.done $0x0;
	(pc) =	sbr.rel @p2 .LBB2_2-.Ltmp0, $4  }
0x29: {  	s19 =	sadd.s32 $0x20, s19;
	s21 =	sor.u32 $0x100, s21;
	[sflag:s13] =	ssyncadd.s32 $0xFFFFC000  }
0x2a: {  	[hbm4b:s26+s2] =	stream.linear.scatter [tilespmem:s21], [sflag:$0x2], $0x4000, $0x38;
	[tilespmem:$0x8100] =	vst v63  }
0x2b: {  	s20 =	sadd.s32 $0x1, s20;
	p1 =	sgt.u32 s19, $0x1387;
	_ =	swait.ge [sflag:s10], $0x4000  }
0x2c: {  	s22 =	simm.s32 @!p1 $0x0;
	s21 =	sand.u32 @!p1 $0x1, s20;
	[sflag:s10] =	ssyncset.done $0x0  }
0x2d: {  	s18 =	sshll.u32 @!p1 s21, $0x7;
	s19 =	simm.s32 @!p1 $0x3;
	[sflag:s10] =	ssyncadd.s32 $0xFFFFC000  }
0x2e: {  	[tilespmem:s18], [sflag:$0x3] =	stream.linear.gather @!p1 [hbm4b:s17+s22], $0x80, $0x38;
	[tilespmem:$0x8100] =	vst v63  }
0x2f: {  	_ =	swait.ge @!p1 [sflag:s19], $0x80  }
0x30: {  	s17 =	sshll.u32 @!p1 s21, $0xE;
	[sflag:s19] =	ssyncset.done @!p1 $0x0  }
0x31: {  	s17 =	sor.u32 @!p1 $0x100, s17;
	[sflag:s19] =	ssyncadd.s32 @!p1 $0xFFFFFF80;
	s19 =	simm.s32 @!p1 $0x80  }
0x32: {  	[tilespmem:s17], [sflag:$0x1] =	stream.indirect.gather @!p1 [hbm4b:s3+s19], $0x80, s18, s19, $0xb8;
	[tilespmem:$0x8100] =	vst v63  }
0x33: {  	_ =	swait.ge [sflag:s13], $0x4000  }
0x34: {  	s15 =	sand.u32 $0x4000, s15;
	[sflag:s13] =	ssyncset.done $0x0  }
0x35: {  	s15 =	sor.u32 $0x100, s15;
	[sflag:s13] =	ssyncadd.s32 $0xFFFFC000  }
0x36: {  	[hbm4b:s16+s2] =	stream.linear.scatter [tilespmem:s15], [sflag:$0x2], $0x4000, $0x38;
	[tilespmem:$0x8100] =	vst v63  }
0x37: {  	_ =	swait.ge [sflag:s10], $0x4000  }
0x38: {  	[sflag:s10] =	ssyncset.done $0x0  }
0x39: {  	s15 =	simm.s32 @!p0 $0x1;
	[sflag:s10] =	ssyncadd.s32 $0xFFFFC000  }
0x3a: {  	s14 =	sadd.s32 $0x1, s14;
	_ =	swait.ge @!p0 [sflag:s15], $0x4000  }
0x3b: {  	p1 =	sne.s32 s14, s6;
	[sflag:s15] =	ssyncset.done @!p0 $0x0  }
0x3c: {  	s16 =	simm.s32 @!p0 $0x100;
	[sflag:s15] =	ssyncadd.s32 @!p0 $0xFFFFC000;
	s15 =	simm.s32 @!p0 $0x0  }
0x3d: {  	[hbm4b:s5+s15] =	stream.linear.scatter @!p0 [tilespmem:s16], [sflag:$0x2], $0x4000, $0x38;
	[tilespmem:$0x8100] =	vst v63  }
.Ltmp1:
0x3e: {  	_ = 	snop;
	(pc) =	sbr.rel @p1 .LBB2_1-.Ltmp1, $4  }
0x3f: {  	s15 =	simm.s32 @!p0 $0x2  }
0x40: {  	_ =	swait.ge @!p0 [sflag:s15], $0x4000  }
0x41: {  	[sflag:s15] =	ssyncset.done @!p0 $0x0  }
0x42: {  	[sflag:s15] =	ssyncadd.s32 @!p0 $0xFFFFC000  }
0x43: {  	_ =	sfence.sel $0x180000  }
0x44: {  	[bflag:$0x0] =	sbarrier.arrive $0xFFFF  }
0x45: {  	p0 =	sne.s32 s1, $0x0;
	_ =	strace $0x90000047  }
0x46: {  	s0 =	sadd.s32 @!p0 $0x100000, s0;
	[bflag:$0x2] =	sbarrier.arrive $0xFFFF  }
0x47: {  	[sflag:s0] =	ssyncadd.tile.s32 @!p0 $0x1;
	_ =	shalt  }
.Lfunc_end2:
_tile_overlayer_lowered:
.L_overlay_start_2:
0x48: {  	(tag) =	ssettag $0x2  }
0x49: {  	s0 =	rddreg [dreg:$0x0];
	s2 =	stileid.u32  }
0x4a: {  	s1 =	rddreg [dreg:$0x1];
	p0 =	sne.s32 s2, $0x0  }
0x4b: {  	s3 =	rddreg [dreg:$0x2];
	[bflag:$0x3] =	sbarrier.arrive $0xFFFF;
	s2 =	simm.s32 @!p0 $0x1C02  }
0x4c: {  	[timem:s3], [sflag:s2] =	dma.local @!p0 [hbm:s0], s1  }
0x4d: {  	s0 =	simm.s32 @!p0 $0x2  }
0x4e: {  	_ =	swait.ge @!p0 [sflag:s0], s1  }
0x4f: {  	s1 =	ssub.s32 @!p0 $0x0, s1;
	[sflag:s0] =	ssyncset.done @!p0 $0x0  }
0x50: {  	[sflag:s0] =	ssyncadd.s32 @!p0 s1  }
0x51: {  	[bflag:$0x3] =	sbarrier.arrive $0xFFFF  }
0x52: {  	_ =	shalt  }

</sc_bundles>
